<compile_context>
chip_gen: v7x
topology: tpu7x:2x2x1
jax: 0.10.2.dev20260603
libtpu: 0.0.44.dev20260713+nightly
codegen_flags: <defaults>
</compile_context>

<pallas_src>
import jax
import jax.numpy as jnp
import numpy as np
from jax.experimental import pallas as pl

NPOINTS = [512, 128, 32]
PATCH_K = 32
LOCAL = 16
HEADS = 4



def _mlp1_body(x_ref, w_ref, s_ref, o_ref):
    y = jnp.dot(x_ref[...], w_ref[...], preferred_element_type=jnp.float32)
    o_ref[...] = jnp.maximum(s_ref[1:2, :] * (y + s_ref[0:1, :]) + s_ref[2:3, :], 0.0)


def _mlp2_body(x_ref, w1_ref, s1_ref, w2_ref, s2_ref, o_ref):
    h = jnp.dot(x_ref[...], w1_ref[...], preferred_element_type=jnp.float32)
    h = jnp.maximum(s1_ref[1:2, :] * (h + s1_ref[0:1, :]) + s1_ref[2:3, :], 0.0)
    h = jnp.dot(h, w2_ref[...], preferred_element_type=jnp.float32)
    o_ref[...] = jnp.maximum(s2_ref[1:2, :] * (h + s2_ref[0:1, :]) + s2_ref[2:3, :], 0.0)


def _head_body(x_ref, w1_ref, s1_ref, w2_ref, b2_ref, o_ref):
    h = jnp.dot(x_ref[...], w1_ref[...], preferred_element_type=jnp.float32)
    h = jnp.maximum(s1_ref[1:2, :] * (h + s1_ref[0:1, :]) + s1_ref[2:3, :], 0.0)
    h = jnp.dot(h, w2_ref[...], preferred_element_type=jnp.float32)
    o_ref[...] = h + b2_ref[0:1, :]


def _scales(p):
    return jnp.stack([p['b'], p['gamma'], p['beta']], 0)


def _pick_block(rows):
    for br in (1024, 512, 256, 128, 64, 32, 16, 8):
        if rows % br == 0:
            return br
    return rows


def mlp_chain_pallas(x, p_list):
    shp = x.shape
    cin = shp[-1]
    rows = int(np.prod(shp[:-1]))
    x2 = x.reshape(rows, cin)
    br = _pick_block(rows)
    grid = rows // br
    if len(p_list) == 1:
        p, = p_list
        cout = p['W'].shape[1]
        out = pl.pallas_call(
            _mlp1_body,
            grid=(grid,),
            in_specs=[
                pl.BlockSpec((br, cin), lambda i: (i, 0)),
                pl.BlockSpec((cin, cout), lambda i: (0, 0)),
                pl.BlockSpec((3, cout), lambda i: (0, 0)),
            ],
            out_specs=pl.BlockSpec((br, cout), lambda i: (i, 0)),
            out_shape=jax.ShapeDtypeStruct((rows, cout), jnp.float32),
        )(x2, p['W'], _scales(p))
        return out.reshape(shp[:-1] + (cout,))
    p1, p2 = p_list
    c1 = p1['W'].shape[1]
    cout = p2['W'].shape[1]
    out = pl.pallas_call(
        _mlp2_body,
        grid=(grid,),
        in_specs=[
            pl.BlockSpec((br, cin), lambda i: (i, 0)),
            pl.BlockSpec((cin, c1), lambda i: (0, 0)),
            pl.BlockSpec((3, c1), lambda i: (0, 0)),
            pl.BlockSpec((c1, cout), lambda i: (0, 0)),
            pl.BlockSpec((3, cout), lambda i: (0, 0)),
        ],
        out_specs=pl.BlockSpec((br, cout), lambda i: (i, 0)),
        out_shape=jax.ShapeDtypeStruct((rows, cout), jnp.float32),
    )(x2, p1['W'], _scales(p1), p2['W'], _scales(p2))
    return out.reshape(shp[:-1] + (cout,))


def head_pallas(x, p1, w2, b2):
    shp = x.shape
    cin = shp[-1]
    rows = int(np.prod(shp[:-1]))
    x2 = x.reshape(rows, cin)
    br = _pick_block(rows)
    grid = rows // br
    c1 = p1['W'].shape[1]
    cout = w2.shape[1]
    out = pl.pallas_call(
        _head_body,
        grid=(grid,),
        in_specs=[
            pl.BlockSpec((br, cin), lambda i: (i, 0)),
            pl.BlockSpec((cin, c1), lambda i: (0, 0)),
            pl.BlockSpec((3, c1), lambda i: (0, 0)),
            pl.BlockSpec((c1, cout), lambda i: (0, 0)),
            pl.BlockSpec((1, cout), lambda i: (0, 0)),
        ],
        out_specs=pl.BlockSpec((br, cout), lambda i: (i, 0)),
        out_shape=jax.ShapeDtypeStruct((rows, cout), jnp.float32),
    )(x2, p1['W'], _scales(p1), w2, b2.reshape(1, cout))
    return out.reshape(shp[:-1] + (cout,))



def sqdist(a, b):
    return (jnp.sum(a * a, -1)[..., None]
            - 2.0 * jnp.einsum('bnc,bmc->bnm', a, b)
            + jnp.sum(b * b, -1)[:, None, :])


def index_points(points, idx):
    B = points.shape[0]
    C = points.shape[-1]
    flat = jnp.take_along_axis(points, idx.reshape(B, -1, 1), axis=1)
    return flat.reshape(idx.shape + (C,))


def knn(query, xyz, k):
    d = sqdist(query, xyz)
    _, idx = jax.lax.top_k(-d, k)
    return idx


def fps(xyz, npoint):
    B, N, _ = xyz.shape

    def body(i, state):
        idxs, dists, far = state
        idxs = idxs.at[:, i].set(far)
        cen = jnp.take_along_axis(xyz, far[:, None, None], axis=1)
        d = jnp.sum((xyz - cen) ** 2, -1)
        dists = jnp.minimum(dists, d)
        far = jnp.argmax(dists, -1).astype(jnp.int32)
        return idxs, dists, far

    idxs = jnp.zeros((B, npoint), jnp.int32)
    dists = jnp.full((B, N), 1e10, jnp.float32)
    far = jnp.zeros((B,), jnp.int32)
    idxs, _, _ = jax.lax.fori_loop(0, npoint, body, (idxs, dists, far))
    return idxs


def mlp_block_ref(x, p):
    return jax.nn.relu(p['gamma'] * (x @ p['W'] + p['b']) + p['beta'])


def patch_abstraction(xyz, feats, npoint, k, p_list):
    fps_idx = fps(xyz, npoint)
    new_xyz = index_points(xyz, fps_idx)
    center = index_points(feats, fps_idx)
    nidx = knn(new_xyz, xyz, k)
    grouped = index_points(feats, nidx)
    h = jnp.concatenate([grouped - center[:, :, None, :], grouped], -1)
    for p in p_list:
        h = mlp_block_ref(h, p)
    return new_xyz, jnp.max(h, 2), jnp.mean(h, 2)


def fsla(x, p, local_size, num_heads):
    B, S, C = x.shape
    order = jnp.argsort(jnp.mean(x, -1), axis=-1)
    xs = index_points(x, order)
    mu = xs.mean(-1, keepdims=True)
    var = xs.var(-1, keepdims=True)
    xn = (xs - mu) / jnp.sqrt(var + 1e-5) * p['ln_g'] + p['ln_b']
    G = S // local_size
    xw = xn.reshape(B, G, local_size, C)
    qkv = xw @ p['Wqkv'] + p['bqkv']
    q, k, v = jnp.split(qkv, 3, -1)
    hd = C // num_heads

    def sh(t):
        return t.reshape(B, G, local_size, num_heads, hd).transpose(0, 1, 3, 2, 4)

    q, k, v = sh(q), sh(k), sh(v)
    a = jax.nn.softmax(jnp.einsum('bghld,bghmd->bghlm', q, k) / np.sqrt(hd), -1)
    o = jnp.einsum('bghlm,bghmd->bghld', a, v).transpose(0, 1, 3, 2, 4).reshape(B, G, local_size, C)
    o = o @ p['Wo'] + p['bo']
    out = xs + o.reshape(B, S, C)
    inv = jnp.argsort(order, -1)
    return index_points(out, inv)


def feature_prop(xyz1, xyz2, feats1, feats2, p_list):
    d = sqdist(xyz1, xyz2)
    negd, idx = jax.lax.top_k(-d, 3)
    dists = jnp.maximum(-negd, 1e-10)
    w = 1.0 / (dists + 1e-8)
    w = w / jnp.sum(w, -1, keepdims=True)
    interp = jnp.sum(index_points(feats2, idx) * w[..., None], 2)
    h = jnp.concatenate([feats1, interp], -1)
    for p in p_list:
        h = mlp_block_ref(h, p)
    return h


def _forward(x, cls_label, params):
    B, N, _ = x.shape
    pos = x[:, :, :3]
    _, feat0, _ = patch_abstraction(x, x, N, PATCH_K, params['embed'])
    cur_pos, cur_feat = pos, x
    pos_and_feats = [[pos, feat0]]
    for i in range(3):
        cur_pos, mx, av = patch_abstraction(cur_pos, cur_feat, NPOINTS[i], PATCH_K, params['pa%d' % i])
        av = fsla(av, params['enc_fsla%d' % i], LOCAL, HEADS)
        cur_feat = mlp_block_ref(jnp.concatenate([mx, av], -1), params['pe%d' % i])
        pos_and_feats.append([cur_pos, cur_feat])
    fp_feat = pos_and_feats[-1][1]
    for i in range(3):
        fp_feat = feature_prop(pos_and_feats[-i - 2][0], pos_and_feats[-i - 1][0],
                               pos_and_feats[-i - 2][1], fp_feat, params['fp%d' % i])
        fp_feat = fsla(fp_feat, params['dec_fsla%d' % i], LOCAL, HEADS)
    gmp = [jnp.max(mlp_chain_pallas(pos_and_feats[i][1], [params['gmp%d' % i]]), 1)
           for i in range(4)]
    gc = mlp_chain_pallas(jnp.concatenate(gmp, -1), [params['gmp_end']])
    gc = jnp.broadcast_to(gc[:, None, :], (B, N, gc.shape[-1]))
    ct = mlp_chain_pallas(cls_label[:, None, :], [params['cls0'], params['cls1']])
    ct = jnp.broadcast_to(ct, (B, N, ct.shape[-1]))
    res = jnp.concatenate([fp_feat, gc, ct], -1)
    res = head_pallas(res, params['mlp1'], params['mlp2_W'], params['mlp2_b'])
    return jnp.transpose(res, (0, 2, 1))


def kernel(x, cls_label, params):
    return _forward(x, cls_label, params)

# --- scband reference (transcript-rebuilt; emitter-appended) ---
"""Pipeline reference for scband-point-con-t-partseg-15857019257399 (READ-ONLY COPY).

The authoritative reference and input builder live on the scoring server;
editing this copy changes nothing except your own understanding.
"""

import jax, jax.numpy as jnp
import numpy as np

NPOINTS = [512, 128, 32]
PATCH_K = 32
LOCAL = 16
HEADS = 4


def sqdist(a, b):
    return jnp.sum(a * a, -1)[..., None] - 2.0 * jnp.einsum('bnc,bmc->bnm', a, b) + jnp.sum(b * b, -1)[:, None, :]


def index_points(points, idx):
    B = points.shape[0]
    C = points.shape[-1]
    flat = jnp.take_along_axis(points, idx.reshape(B, -1, 1), axis=1)
    return flat.reshape(idx.shape + (C,))


def knn(query, xyz, k):
    d = sqdist(jax.lax.stop_gradient(query), jax.lax.stop_gradient(xyz))
    _, idx = jax.lax.top_k(-d, k)
    return idx


def fps(xyz, npoint):
    xyz = jax.lax.stop_gradient(xyz)
    B, N, _ = xyz.shape
    def body(i, state):
        idxs, dists, far = state
        idxs = idxs.at[:, i].set(far)
        cen = jnp.take_along_axis(xyz, far[:, None, None], axis=1)
        d = jnp.sum((xyz - cen) ** 2, -1)
        dists = jnp.minimum(dists, d)
        far = jnp.argmax(dists, -1).astype(jnp.int32)
        return idxs, dists, far
    idxs = jnp.zeros((B, npoint), jnp.int32)
    dists = jnp.full((B, N), 1e10, jnp.float32)
    far = jnp.zeros((B,), jnp.int32)
    idxs, _, _ = jax.lax.fori_loop(0, npoint, body, (idxs, dists, far))
    return idxs


def mlp_block(x, p):
    return jax.nn.relu(p['gamma'] * (x @ p['W'] + p['b']) + p['beta'])


def patch_abstraction(xyz, feats, npoint, k, p_list):
    fps_idx = fps(xyz, npoint)
    new_xyz = index_points(xyz, fps_idx)
    center = index_points(feats, fps_idx)
    nidx = knn(new_xyz, xyz, k)
    grouped = index_points(feats, nidx)
    h = jnp.concatenate([grouped - center[:, :, None, :], grouped], -1)
    for p in p_list:
        h = mlp_block(h, p)
    return new_xyz, jnp.max(h, 2), jnp.mean(h, 2)


def fsla(x, p, local_size, num_heads):
    B, S, C = x.shape
    order = jnp.argsort(jnp.mean(jax.lax.stop_gradient(x), -1), axis=-1)
    xs = index_points(x, order)
    mu = xs.mean(-1, keepdims=True)
    var = xs.var(-1, keepdims=True)
    xn = (xs - mu) / jnp.sqrt(var + 1e-5) * p['ln_g'] + p['ln_b']
    G = S // local_size
    xw = xn.reshape(B, G, local_size, C)
    qkv = xw @ p['Wqkv'] + p['bqkv']
    q, k, v = jnp.split(qkv, 3, -1)
    hd = C // num_heads
    def sh(t):
        return t.reshape(B, G, local_size, num_heads, hd).transpose(0, 1, 3, 2, 4)
    q, k, v = sh(q), sh(k), sh(v)
    a = jax.nn.softmax(jnp.einsum('bghld,bghmd->bghlm', q, k) / np.sqrt(hd), -1)
    o = jnp.einsum('bghlm,bghmd->bghld', a, v).transpose(0, 1, 3, 2, 4).reshape(B, G, local_size, C)
    o = o @ p['Wo'] + p['bo']
    out = xs + o.reshape(B, S, C)
    inv = jnp.argsort(order, -1)
    return index_points(out, inv)


def feature_prop(xyz1, xyz2, feats1, feats2, p_list):
    d = sqdist(xyz1, xyz2)
    negd, idx = jax.lax.top_k(-d, 3)
    dists = jnp.maximum(-negd, 1e-10)
    w = 1.0 / (dists + 1e-8)
    w = w / jnp.sum(w, -1, keepdims=True)
    interp = jnp.sum(index_points(feats2, idx) * w[..., None], 2)
    h = jnp.concatenate([feats1, interp], -1)
    for p in p_list:
        h = mlp_block(h, p)
    return h


def forward(x, cls_label, params):
    B, N, _ = x.shape
    pos = x[:, :, :3]
    _, feat0, _ = patch_abstraction(x, x, N, PATCH_K, params['embed'])
    cur_pos, cur_feat = pos, x
    pos_and_feats = [[pos, feat0]]
    for i in range(3):
        cur_pos, mx, av = patch_abstraction(cur_pos, cur_feat, NPOINTS[i], PATCH_K, params['pa%d' % i])
        av = fsla(av, params['enc_fsla%d' % i], LOCAL, HEADS)
        cur_feat = mlp_block(jnp.concatenate([mx, av], -1), params['pe%d' % i])
        pos_and_feats.append([cur_pos, cur_feat])
    fp_feat = pos_and_feats[-1][1]
    for i in range(3):
        fp_feat = feature_prop(pos_and_feats[-i - 2][0], pos_and_feats[-i - 1][0], pos_and_feats[-i - 2][1], fp_feat, params['fp%d' % i])
        fp_feat = fsla(fp_feat, params['dec_fsla%d' % i], LOCAL, HEADS)
    gmp = [jnp.max(mlp_block(pos_and_feats[i][1], params['gmp%d' % i]), 1) for i in range(4)]
    gc = mlp_block(jnp.concatenate(gmp, -1), params['gmp_end'])
    gc = jnp.broadcast_to(gc[:, None, :], (B, N, gc.shape[-1]))
    ct = mlp_block(mlp_block(cls_label[:, None, :], params['cls0']), params['cls1'])
    ct = jnp.broadcast_to(ct, (B, N, ct.shape[-1]))
    res = jnp.concatenate([fp_feat, gc, ct], -1)
    res = mlp_block(res, params['mlp1'])
    res = res @ params['mlp2_W'] + params['mlp2_b']
    return jnp.transpose(res, (0, 2, 1))


def setup_inputs(seed: int = 0) -> dict:
    key = jax.random.key(seed)
    ks = list(jax.random.split(key, 64))
    ctr = [0]
    def nk():
        k = ks[ctr[0]]
        ctr[0] += 1
        return k
    def mlp_p(cin, cout):
        return {'W': jax.random.normal(nk(), (cin, cout), jnp.float32) * (1.0 / np.sqrt(cin)),
                'b': jnp.zeros((cout,), jnp.float32),
                'gamma': jnp.ones((cout,), jnp.float32),
                'beta': jnp.zeros((cout,), jnp.float32)}
    def fsla_p(dim):
        return {'ln_g': jnp.ones((dim,), jnp.float32), 'ln_b': jnp.zeros((dim,), jnp.float32),
                'Wqkv': jax.random.normal(nk(), (dim, 3 * dim), jnp.float32) * (1.0 / np.sqrt(dim)),
                'bqkv': jnp.zeros((3 * dim,), jnp.float32),
                'Wo': jax.random.normal(nk(), (dim, dim), jnp.float32) * (1.0 / np.sqrt(dim)),
                'bo': jnp.zeros((dim,), jnp.float32)}
    params = {
        'embed': [mlp_p(6, 64), mlp_p(64, 64)],
        'pa0': [mlp_p(6, 128), mlp_p(128, 128)],
        'pa1': [mlp_p(256, 256), mlp_p(256, 256)],
        'pa2': [mlp_p(512, 512), mlp_p(512, 512)],
        'enc_fsla0': fsla_p(128), 'enc_fsla1': fsla_p(256), 'enc_fsla2': fsla_p(512),
        'pe0': mlp_p(256, 128), 'pe1': mlp_p(512, 256), 'pe2': mlp_p(1024, 512),
        'fp0': [mlp_p(768, 256), mlp_p(256, 256)],
        'fp1': [mlp_p(384, 128), mlp_p(128, 128)],
        'fp2': [mlp_p(192, 128), mlp_p(128, 128)],
        'dec_fsla0': fsla_p(256), 'dec_fsla1': fsla_p(128), 'dec_fsla2': fsla_p(128),
        'gmp0': mlp_p(64, 64), 'gmp1': mlp_p(128, 64), 'gmp2': mlp_p(256, 64), 'gmp3': mlp_p(512, 64),
        'gmp_end': mlp_p(256, 64),
        'cls0': mlp_p(16, 64), 'cls1': mlp_p(64, 64),
        'mlp1': mlp_p(256, 128),
        'mlp2_W': jax.random.normal(nk(), (128, 50), jnp.float32) * (1.0 / np.sqrt(128)),
        'mlp2_b': jnp.zeros((50,), jnp.float32),
    }
    x = jax.random.normal(nk(), (16, 2048, 3), jnp.float32)
    cls_label = jax.random.uniform(nk(), (16, 16), jnp.float32)
    return {'x': x, 'cls_label': cls_label, 'params': params}


def reference(x, cls_label, params):
    return forward(x, cls_label, params)

if __name__ == "__main__":
    import jax
    _d = setup_inputs()
    print(jax.jit(kernel)(*tuple(_d.values())))

</pallas_src>

<mosaic_0001>
module attributes {stable_mosaic.version = 14 : i64} {
  func.func @_mlp2_body(%arg0: i32, %arg1: memref<16x16xf32, #tpu.memory_space<vmem>>, %arg2: memref<16x64xf32, #tpu.memory_space<vmem>>, %arg3: memref<3x64xf32, #tpu.memory_space<vmem>>, %arg4: memref<64x64xf32, #tpu.memory_space<vmem>>, %arg5: memref<3x64xf32, #tpu.memory_space<vmem>>, %arg6: memref<16x64xf32, #tpu.memory_space<vmem>>) attributes {dimension_semantics = [#tpu.dimension_semantics<arbitrary>], iteration_bounds = array<i64: 1>, scalar_prefetch = 0 : i64, scratch_operands = 0 : i64, tpu.core_type = #tpu.core_type<tc>, window_params = [{transform_indices = @transform_0, window_bounds = array<i64: 16, 16>}, {pipeline_mode = #tpu.pipeline_mode<synchronous>, transform_indices = @transform_1, window_bounds = array<i64: 16, 64>}, {pipeline_mode = #tpu.pipeline_mode<synchronous>, transform_indices = @transform_2, window_bounds = array<i64: 3, 64>}, {pipeline_mode = #tpu.pipeline_mode<synchronous>, transform_indices = @transform_3, window_bounds = array<i64: 64, 64>}, {pipeline_mode = #tpu.pipeline_mode<synchronous>, transform_indices = @transform_4, window_bounds = array<i64: 3, 64>}, {transform_indices = @transform_5, window_bounds = array<i64: 16, 64>}]} {
    %get3A = arith.constant 0 : index
    %get3A_0 = arith.constant 0 : index
    %get3A_1 = vector.load %arg1[%get3A, %get3A_0] : memref<16x16xf32, #tpu.memory_space<vmem>>, vector<16x16xf32>
    %get3A_2 = arith.constant 0 : index
    %get3A_3 = arith.constant 0 : index
    %get3A_4 = vector.load %arg2[%get3A_2, %get3A_3] : memref<16x64xf32, #tpu.memory_space<vmem>>, vector<16x64xf32>
    %dot_general3A = arith.constant dense<0.000000e+00> : vector<16x64xf32>
    %dot_general3A_5 = tpu.matmul %get3A_1, %get3A_4, %dot_general3A {dimension_numbers = #tpu.dot_dimension_numbers<[1], [0], [0], [1], [0, 0, 1, 1], [], []>, transpose_lhs_hint = false} : vector<16x16xf32>, vector<16x64xf32>, vector<16x64xf32> -> vector<16x64xf32>
    %get3A_6 = arith.constant 1 : index
    %get3A_7 = arith.constant 0 : index
    %get3A_8 = vector.load %arg3[%get3A_6, %get3A_7] : memref<3x64xf32, #tpu.memory_space<vmem>>, vector<1x64xf32>
    %get3A_9 = arith.constant 0 : index
    %get3A_10 = arith.constant 0 : index
    %get3A_11 = vector.load %arg3[%get3A_9, %get3A_10] : memref<3x64xf32, #tpu.memory_space<vmem>>, vector<1x64xf32>
    %add3A = vector.broadcast %get3A_11 : vector<1x64xf32> to vector<16x64xf32>
    %add3A_12 = arith.addf %dot_general3A_5, %add3A : vector<16x64xf32>
    %mul3A = vector.broadcast %get3A_8 : vector<1x64xf32> to vector<16x64xf32>
    %mul3A_13 = arith.mulf %mul3A, %add3A_12 : vector<16x64xf32>
    %get3A_14 = arith.constant 2 : index
    %get3A_15 = arith.constant 0 : index
    %get3A_16 = vector.load %arg3[%get3A_14, %get3A_15] : memref<3x64xf32, #tpu.memory_space<vmem>>, vector<1x64xf32>
    %add3A_17 = vector.broadcast %get3A_16 : vector<1x64xf32> to vector<16x64xf32>
    %add3A_18 = arith.addf %mul3A_13, %add3A_17 : vector<16x64xf32>
    %max3A = arith.constant 0.000000e+00 : f32
    %max3A_19 = vector.broadcast %max3A : f32 to vector<16x64xf32>
    %max3A_20 = arith.maximumf %add3A_18, %max3A_19 : vector<16x64xf32>
    %get3A_21 = arith.constant 0 : index
    %get3A_22 = arith.constant 0 : index
    %get3A_23 = vector.load %arg4[%get3A_21, %get3A_22] : memref<64x64xf32, #tpu.memory_space<vmem>>, vector<64x64xf32>
    %dot_general3A_24 = arith.constant dense<0.000000e+00> : vector<16x64xf32>
    %dot_general3A_25 = tpu.matmul %max3A_20, %get3A_23, %dot_general3A_24 {dimension_numbers = #tpu.dot_dimension_numbers<[1], [0], [0], [1], [0, 0, 1, 1], [], []>, transpose_lhs_hint = false} : vector<16x64xf32>, vector<64x64xf32>, vector<16x64xf32> -> vector<16x64xf32>
    %get3A_26 = arith.constant 1 : index
    %get3A_27 = arith.constant 0 : index
    %get3A_28 = vector.load %arg5[%get3A_26, %get3A_27] : memref<3x64xf32, #tpu.memory_space<vmem>>, vector<1x64xf32>
    %get3A_29 = arith.constant 0 : index
    %get3A_30 = arith.constant 0 : index
    %get3A_31 = vector.load %arg5[%get3A_29, %get3A_30] : memref<3x64xf32, #tpu.memory_space<vmem>>, vector<1x64xf32>
    %add3A_32 = vector.broadcast %get3A_31 : vector<1x64xf32> to vector<16x64xf32>
    %add3A_33 = arith.addf %dot_general3A_25, %add3A_32 : vector<16x64xf32>
    %mul3A_34 = vector.broadcast %get3A_28 : vector<1x64xf32> to vector<16x64xf32>
    %mul3A_35 = arith.mulf %mul3A_34, %add3A_33 : vector<16x64xf32>
    %get3A_36 = arith.constant 2 : index
    %get3A_37 = arith.constant 0 : index
    %get3A_38 = vector.load %arg5[%get3A_36, %get3A_37] : memref<3x64xf32, #tpu.memory_space<vmem>>, vector<1x64xf32>
    %add3A_39 = vector.broadcast %get3A_38 : vector<1x64xf32> to vector<16x64xf32>
    %add3A_40 = arith.addf %mul3A_35, %add3A_39 : vector<16x64xf32>
    %max3A_41 = arith.constant 0.000000e+00 : f32
    %max3A_42 = vector.broadcast %max3A_41 : f32 to vector<16x64xf32>
    %max3A_43 = arith.maximumf %add3A_40, %max3A_42 : vector<16x64xf32>
    %swap3A = arith.constant 0 : index
    %swap3A_44 = arith.constant 0 : index
    %swap3A_45 = vector.load %arg6[%swap3A, %swap3A_44] : memref<16x64xf32, #tpu.memory_space<vmem>>, vector<16x64xf32>
    tpu.vector_store %arg6[%swap3A, %swap3A_44], %max3A_43 {strides = array<i32>} : memref<16x64xf32, #tpu.memory_space<vmem>>, vector<16x64xf32>,
    return
  }
  func.func @transform_0(%arg0: i32) -> (i32, i32) {
    %c0_i32 = arith.constant 0 : i32
    %c0_i32_0 = arith.constant 0 : i32
    return %arg0, %c0_i32 : i32, i32
  }
  func.func @transform_1(%arg0: i32) -> (i32, i32) {
    %c0_i32 = arith.constant 0 : i32
    %c0_i32_0 = arith.constant 0 : i32
    %c0_i32_1 = arith.constant 0 : i32
    return %c0_i32, %c0_i32_0 : i32, i32
  }
  func.func @transform_2(%arg0: i32) -> (i32, i32) {
    %c0_i32 = arith.constant 0 : i32
    %c0_i32_0 = arith.constant 0 : i32
    %c0_i32_1 = arith.constant 0 : i32
    return %c0_i32, %c0_i32_0 : i32, i32
  }
  func.func @transform_3(%arg0: i32) -> (i32, i32) {
    %c0_i32 = arith.constant 0 : i32
    %c0_i32_0 = arith.constant 0 : i32
    %c0_i32_1 = arith.constant 0 : i32
    return %c0_i32, %c0_i32_0 : i32, i32
  }
  func.func @transform_4(%arg0: i32) -> (i32, i32) {
    %c0_i32 = arith.constant 0 : i32
    %c0_i32_0 = arith.constant 0 : i32
    %c0_i32_1 = arith.constant 0 : i32
    return %c0_i32, %c0_i32_0 : i32, i32
  }
  func.func @transform_5(%arg0: i32) -> (i32, i32) {
    %c0_i32 = arith.constant 0 : i32
    %c0_i32_0 = arith.constant 0 : i32
    return %arg0, %c0_i32 : i32, i32
  }
}

module attributes {stable_mosaic.version = 14 : i64} {
  func.func @_mlp1_body(%arg0: i32, %arg1: memref<1024x128xf32, #tpu.memory_space<vmem>>, %arg2: memref<128x64xf32, #tpu.memory_space<vmem>>, %arg3: memref<3x64xf32, #tpu.memory_space<vmem>>, %arg4: memref<1024x64xf32, #tpu.memory_space<vmem>>) attributes {dimension_semantics = [#tpu.dimension_semantics<arbitrary>], iteration_bounds = array<i64: 8>, scalar_prefetch = 0 : i64, scratch_operands = 0 : i64, tpu.core_type = #tpu.core_type<tc>, window_params = [{transform_indices = @transform_0, window_bounds = array<i64: 1024, 128>}, {pipeline_mode = #tpu.pipeline_mode<synchronous>, transform_indices = @transform_1, window_bounds = array<i64: 128, 64>}, {pipeline_mode = #tpu.pipeline_mode<synchronous>, transform_indices = @transform_2, window_bounds = array<i64: 3, 64>}, {transform_indices = @transform_3, window_bounds = array<i64: 1024, 64>}]} {
    %get3A = arith.constant 0 : index
    %get3A_0 = arith.constant 0 : index
    %get3A_1 = vector.load %arg1[%get3A, %get3A_0] : memref<1024x128xf32, #tpu.memory_space<vmem>>, vector<1024x128xf32>
    %get3A_2 = arith.constant 0 : index
    %get3A_3 = arith.constant 0 : index
    %get3A_4 = vector.load %arg2[%get3A_2, %get3A_3] : memref<128x64xf32, #tpu.memory_space<vmem>>, vector<128x64xf32>
    %dot_general3A = arith.constant dense<0.000000e+00> : vector<1024x64xf32>
    %dot_general3A_5 = tpu.matmul %get3A_1, %get3A_4, %dot_general3A {dimension_numbers = #tpu.dot_dimension_numbers<[1], [0], [0], [1], [0, 0, 1, 1], [], []>, transpose_lhs_hint = false} : vector<1024x128xf32>, vector<128x64xf32>, vector<1024x64xf32> -> vector<1024x64xf32>
    %get3A_6 = arith.constant 1 : index
    %get3A_7 = arith.constant 0 : index
    %get3A_8 = vector.load %arg3[%get3A_6, %get3A_7] : memref<3x64xf32, #tpu.memory_space<vmem>>, vector<1x64xf32>
    %get3A_9 = arith.constant 0 : index
    %get3A_10 = arith.constant 0 : index
    %get3A_11 = vector.load %arg3[%get3A_9, %get3A_10] : memref<3x64xf32, #tpu.memory_space<vmem>>, vector<1x64xf32>
    %add3A = vector.broadcast %get3A_11 : vector<1x64xf32> to vector<1024x64xf32>
    %add3A_12 = arith.addf %dot_general3A_5, %add3A : vector<1024x64xf32>
    %mul3A = vector.broadcast %get3A_8 : vector<1x64xf32> to vector<1024x64xf32>
    %mul3A_13 = arith.mulf %mul3A, %add3A_12 : vector<1024x64xf32>
    %get3A_14 = arith.constant 2 : index
    %get3A_15 = arith.constant 0 : index
    %get3A_16 = vector.load %arg3[%get3A_14, %get3A_15] : memref<3x64xf32, #tpu.memory_space<vmem>>, vector<1x64xf32>
    %add3A_17 = vector.broadcast %get3A_16 : vector<1x64xf32> to vector<1024x64xf32>
    %add3A_18 = arith.addf %mul3A_13, %add3A_17 : vector<1024x64xf32>
    %max3A = arith.constant 0.000000e+00 : f32
    %max3A_19 = vector.broadcast %max3A : f32 to vector<1024x64xf32>
    %max3A_20 = arith.maximumf %add3A_18, %max3A_19 : vector<1024x64xf32>
    %swap3A = arith.constant 0 : index
    %swap3A_21 = arith.constant 0 : index
    %swap3A_22 = vector.load %arg4[%swap3A, %swap3A_21] : memref<1024x64xf32, #tpu.memory_space<vmem>>, vector<1024x64xf32>
    tpu.vector_store %arg4[%swap3A, %swap3A_21], %max3A_20 {strides = array<i32>} : memref<1024x64xf32, #tpu.memory_space<vmem>>, vector<1024x64xf32>,
    return
  }
  func.func @transform_0(%arg0: i32) -> (i32, i32) {
    %c0_i32 = arith.constant 0 : i32
    %c0_i32_0 = arith.constant 0 : i32
    return %arg0, %c0_i32 : i32, i32
  }
  func.func @transform_1(%arg0: i32) -> (i32, i32) {
    %c0_i32 = arith.constant 0 : i32
    %c0_i32_0 = arith.constant 0 : i32
    %c0_i32_1 = arith.constant 0 : i32
    return %c0_i32, %c0_i32_0 : i32, i32
  }
  func.func @transform_2(%arg0: i32) -> (i32, i32) {
    %c0_i32 = arith.constant 0 : i32
    %c0_i32_0 = arith.constant 0 : i32
    %c0_i32_1 = arith.constant 0 : i32
    return %c0_i32, %c0_i32_0 : i32, i32
  }
  func.func @transform_3(%arg0: i32) -> (i32, i32) {
    %c0_i32 = arith.constant 0 : i32
    %c0_i32_0 = arith.constant 0 : i32
    return %arg0, %c0_i32 : i32, i32
  }
}

module attributes {stable_mosaic.version = 14 : i64} {
  func.func @_mlp1_body(%arg0: i32, %arg1: memref<512x512xf32, #tpu.memory_space<vmem>>, %arg2: memref<512x64xf32, #tpu.memory_space<vmem>>, %arg3: memref<3x64xf32, #tpu.memory_space<vmem>>, %arg4: memref<512x64xf32, #tpu.memory_space<vmem>>) attributes {dimension_semantics = [#tpu.dimension_semantics<arbitrary>], iteration_bounds = array<i64: 1>, scalar_prefetch = 0 : i64, scratch_operands = 0 : i64, tpu.core_type = #tpu.core_type<tc>, window_params = [{transform_indices = @transform_0, window_bounds = array<i64: 512, 512>}, {pipeline_mode = #tpu.pipeline_mode<synchronous>, transform_indices = @transform_1, window_bounds = array<i64: 512, 64>}, {pipeline_mode = #tpu.pipeline_mode<synchronous>, transform_indices = @transform_2, window_bounds = array<i64: 3, 64>}, {transform_indices = @transform_3, window_bounds = array<i64: 512, 64>}]} {
    %get3A = arith.constant 0 : index
    %get3A_0 = arith.constant 0 : index
    %get3A_1 = vector.load %arg1[%get3A, %get3A_0] : memref<512x512xf32, #tpu.memory_space<vmem>>, vector<512x512xf32>
    %get3A_2 = arith.constant 0 : index
    %get3A_3 = arith.constant 0 : index
    %get3A_4 = vector.load %arg2[%get3A_2, %get3A_3] : memref<512x64xf32, #tpu.memory_space<vmem>>, vector<512x64xf32>
    %dot_general3A = arith.constant dense<0.000000e+00> : vector<512x64xf32>
    %dot_general3A_5 = tpu.matmul %get3A_1, %get3A_4, %dot_general3A {dimension_numbers = #tpu.dot_dimension_numbers<[1], [0], [0], [1], [0, 0, 1, 1], [], []>, transpose_lhs_hint = false} : vector<512x512xf32>, vector<512x64xf32>, vector<512x64xf32> -> vector<512x64xf32>
    %get3A_6 = arith.constant 1 : index
    %get3A_7 = arith.constant 0 : index
    %get3A_8 = vector.load %arg3[%get3A_6, %get3A_7] : memref<3x64xf32, #tpu.memory_space<vmem>>, vector<1x64xf32>
    %get3A_9 = arith.constant 0 : index
    %get3A_10 = arith.constant 0 : index
    %get3A_11 = vector.load %arg3[%get3A_9, %get3A_10] : memref<3x64xf32, #tpu.memory_space<vmem>>, vector<1x64xf32>
    %add3A = vector.broadcast %get3A_11 : vector<1x64xf32> to vector<512x64xf32>
    %add3A_12 = arith.addf %dot_general3A_5, %add3A : vector<512x64xf32>
    %mul3A = vector.broadcast %get3A_8 : vector<1x64xf32> to vector<512x64xf32>
    %mul3A_13 = arith.mulf %mul3A, %add3A_12 : vector<512x64xf32>
    %get3A_14 = arith.constant 2 : index
    %get3A_15 = arith.constant 0 : index
    %get3A_16 = vector.load %arg3[%get3A_14, %get3A_15] : memref<3x64xf32, #tpu.memory_space<vmem>>, vector<1x64xf32>
    %add3A_17 = vector.broadcast %get3A_16 : vector<1x64xf32> to vector<512x64xf32>
    %add3A_18 = arith.addf %mul3A_13, %add3A_17 : vector<512x64xf32>
    %max3A = arith.constant 0.000000e+00 : f32
    %max3A_19 = vector.broadcast %max3A : f32 to vector<512x64xf32>
    %max3A_20 = arith.maximumf %add3A_18, %max3A_19 : vector<512x64xf32>
    %swap3A = arith.constant 0 : index
    %swap3A_21 = arith.constant 0 : index
    %swap3A_22 = vector.load %arg4[%swap3A, %swap3A_21] : memref<512x64xf32, #tpu.memory_space<vmem>>, vector<512x64xf32>
    tpu.vector_store %arg4[%swap3A, %swap3A_21], %max3A_20 {strides = array<i32>} : memref<512x64xf32, #tpu.memory_space<vmem>>, vector<512x64xf32>,
    return
  }
  func.func @transform_0(%arg0: i32) -> (i32, i32) {
    %c0_i32 = arith.constant 0 : i32
    %c0_i32_0 = arith.constant 0 : i32
    return %arg0, %c0_i32 : i32, i32
  }
  func.func @transform_1(%arg0: i32) -> (i32, i32) {
    %c0_i32 = arith.constant 0 : i32
    %c0_i32_0 = arith.constant 0 : i32
    %c0_i32_1 = arith.constant 0 : i32
    return %c0_i32, %c0_i32_0 : i32, i32
  }
  func.func @transform_2(%arg0: i32) -> (i32, i32) {
    %c0_i32 = arith.constant 0 : i32
    %c0_i32_0 = arith.constant 0 : i32
    %c0_i32_1 = arith.constant 0 : i32
    return %c0_i32, %c0_i32_0 : i32, i32
  }
  func.func @transform_3(%arg0: i32) -> (i32, i32) {
    %c0_i32 = arith.constant 0 : i32
    %c0_i32_0 = arith.constant 0 : i32
    return %arg0, %c0_i32 : i32, i32
  }
}

module attributes {stable_mosaic.version = 14 : i64} {
  func.func @_mlp1_body(%arg0: i32, %arg1: memref<1024x256xf32, #tpu.memory_space<vmem>>, %arg2: memref<256x64xf32, #tpu.memory_space<vmem>>, %arg3: memref<3x64xf32, #tpu.memory_space<vmem>>, %arg4: memref<1024x64xf32, #tpu.memory_space<vmem>>) attributes {dimension_semantics = [#tpu.dimension_semantics<arbitrary>], iteration_bounds = array<i64: 2>, scalar_prefetch = 0 : i64, scratch_operands = 0 : i64, tpu.core_type = #tpu.core_type<tc>, window_params = [{transform_indices = @transform_0, window_bounds = array<i64: 1024, 256>}, {pipeline_mode = #tpu.pipeline_mode<synchronous>, transform_indices = @transform_1, window_bounds = array<i64: 256, 64>}, {pipeline_mode = #tpu.pipeline_mode<synchronous>, transform_indices = @transform_2, window_bounds = array<i64: 3, 64>}, {transform_indices = @transform_3, window_bounds = array<i64: 1024, 64>}]} {
    %get3A = arith.constant 0 : index
    %get3A_0 = arith.constant 0 : index
    %get3A_1 = vector.load %arg1[%get3A, %get3A_0] : memref<1024x256xf32, #tpu.memory_space<vmem>>, vector<1024x256xf32>
    %get3A_2 = arith.constant 0 : index
    %get3A_3 = arith.constant 0 : index
    %get3A_4 = vector.load %arg2[%get3A_2, %get3A_3] : memref<256x64xf32, #tpu.memory_space<vmem>>, vector<256x64xf32>
    %dot_general3A = arith.constant dense<0.000000e+00> : vector<1024x64xf32>
    %dot_general3A_5 = tpu.matmul %get3A_1, %get3A_4, %dot_general3A {dimension_numbers = #tpu.dot_dimension_numbers<[1], [0], [0], [1], [0, 0, 1, 1], [], []>, transpose_lhs_hint = false} : vector<1024x256xf32>, vector<256x64xf32>, vector<1024x64xf32> -> vector<1024x64xf32>
    %get3A_6 = arith.constant 1 : index
    %get3A_7 = arith.constant 0 : index
    %get3A_8 = vector.load %arg3[%get3A_6, %get3A_7] : memref<3x64xf32, #tpu.memory_space<vmem>>, vector<1x64xf32>
    %get3A_9 = arith.constant 0 : index
    %get3A_10 = arith.constant 0 : index
    %get3A_11 = vector.load %arg3[%get3A_9, %get3A_10] : memref<3x64xf32, #tpu.memory_space<vmem>>, vector<1x64xf32>
    %add3A = vector.broadcast %get3A_11 : vector<1x64xf32> to vector<1024x64xf32>
    %add3A_12 = arith.addf %dot_general3A_5, %add3A : vector<1024x64xf32>
    %mul3A = vector.broadcast %get3A_8 : vector<1x64xf32> to vector<1024x64xf32>
    %mul3A_13 = arith.mulf %mul3A, %add3A_12 : vector<1024x64xf32>
    %get3A_14 = arith.constant 2 : index
    %get3A_15 = arith.constant 0 : index
    %get3A_16 = vector.load %arg3[%get3A_14, %get3A_15] : memref<3x64xf32, #tpu.memory_space<vmem>>, vector<1x64xf32>
    %add3A_17 = vector.broadcast %get3A_16 : vector<1x64xf32> to vector<1024x64xf32>
    %add3A_18 = arith.addf %mul3A_13, %add3A_17 : vector<1024x64xf32>
    %max3A = arith.constant 0.000000e+00 : f32
    %max3A_19 = vector.broadcast %max3A : f32 to vector<1024x64xf32>
    %max3A_20 = arith.maximumf %add3A_18, %max3A_19 : vector<1024x64xf32>
    %swap3A = arith.constant 0 : index
    %swap3A_21 = arith.constant 0 : index
    %swap3A_22 = vector.load %arg4[%swap3A, %swap3A_21] : memref<1024x64xf32, #tpu.memory_space<vmem>>, vector<1024x64xf32>
    tpu.vector_store %arg4[%swap3A, %swap3A_21], %max3A_20 {strides = array<i32>} : memref<1024x64xf32, #tpu.memory_space<vmem>>, vector<1024x64xf32>,
    return
  }
  func.func @transform_0(%arg0: i32) -> (i32, i32) {
    %c0_i32 = arith.constant 0 : i32
    %c0_i32_0 = arith.constant 0 : i32
    return %arg0, %c0_i32 : i32, i32
  }
  func.func @transform_1(%arg0: i32) -> (i32, i32) {
    %c0_i32 = arith.constant 0 : i32
    %c0_i32_0 = arith.constant 0 : i32
    %c0_i32_1 = arith.constant 0 : i32
    return %c0_i32, %c0_i32_0 : i32, i32
  }
  func.func @transform_2(%arg0: i32) -> (i32, i32) {
    %c0_i32 = arith.constant 0 : i32
    %c0_i32_0 = arith.constant 0 : i32
    %c0_i32_1 = arith.constant 0 : i32
    return %c0_i32, %c0_i32_0 : i32, i32
  }
  func.func @transform_3(%arg0: i32) -> (i32, i32) {
    %c0_i32 = arith.constant 0 : i32
    %c0_i32_0 = arith.constant 0 : i32
    return %arg0, %c0_i32 : i32, i32
  }
}

module attributes {stable_mosaic.version = 14 : i64} {
  func.func @_mlp1_body(%arg0: i32, %arg1: memref<1024x64xf32, #tpu.memory_space<vmem>>, %arg2: memref<64x64xf32, #tpu.memory_space<vmem>>, %arg3: memref<3x64xf32, #tpu.memory_space<vmem>>, %arg4: memref<1024x64xf32, #tpu.memory_space<vmem>>) attributes {dimension_semantics = [#tpu.dimension_semantics<arbitrary>], iteration_bounds = array<i64: 32>, scalar_prefetch = 0 : i64, scratch_operands = 0 : i64, tpu.core_type = #tpu.core_type<tc>, window_params = [{transform_indices = @transform_0, window_bounds = array<i64: 1024, 64>}, {pipeline_mode = #tpu.pipeline_mode<synchronous>, transform_indices = @transform_1, window_bounds = array<i64: 64, 64>}, {pipeline_mode = #tpu.pipeline_mode<synchronous>, transform_indices = @transform_2, window_bounds = array<i64: 3, 64>}, {transform_indices = @transform_3, window_bounds = array<i64: 1024, 64>}]} {
    %get3A = arith.constant 0 : index
    %get3A_0 = arith.constant 0 : index
    %get3A_1 = vector.load %arg1[%get3A, %get3A_0] : memref<1024x64xf32, #tpu.memory_space<vmem>>, vector<1024x64xf32>
    %get3A_2 = arith.constant 0 : index
    %get3A_3 = arith.constant 0 : index
    %get3A_4 = vector.load %arg2[%get3A_2, %get3A_3] : memref<64x64xf32, #tpu.memory_space<vmem>>, vector<64x64xf32>
    %dot_general3A = arith.constant dense<0.000000e+00> : vector<1024x64xf32>
    %dot_general3A_5 = tpu.matmul %get3A_1, %get3A_4, %dot_general3A {dimension_numbers = #tpu.dot_dimension_numbers<[1], [0], [0], [1], [0, 0, 1, 1], [], []>, transpose_lhs_hint = false} : vector<1024x64xf32>, vector<64x64xf32>, vector<1024x64xf32> -> vector<1024x64xf32>
    %get3A_6 = arith.constant 1 : index
    %get3A_7 = arith.constant 0 : index
    %get3A_8 = vector.load %arg3[%get3A_6, %get3A_7] : memref<3x64xf32, #tpu.memory_space<vmem>>, vector<1x64xf32>
    %get3A_9 = arith.constant 0 : index
    %get3A_10 = arith.constant 0 : index
    %get3A_11 = vector.load %arg3[%get3A_9, %get3A_10] : memref<3x64xf32, #tpu.memory_space<vmem>>, vector<1x64xf32>
    %add3A = vector.broadcast %get3A_11 : vector<1x64xf32> to vector<1024x64xf32>
    %add3A_12 = arith.addf %dot_general3A_5, %add3A : vector<1024x64xf32>
    %mul3A = vector.broadcast %get3A_8 : vector<1x64xf32> to vector<1024x64xf32>
    %mul3A_13 = arith.mulf %mul3A, %add3A_12 : vector<1024x64xf32>
    %get3A_14 = arith.constant 2 : index
    %get3A_15 = arith.constant 0 : index
    %get3A_16 = vector.load %arg3[%get3A_14, %get3A_15] : memref<3x64xf32, #tpu.memory_space<vmem>>, vector<1x64xf32>
    %add3A_17 = vector.broadcast %get3A_16 : vector<1x64xf32> to vector<1024x64xf32>
    %add3A_18 = arith.addf %mul3A_13, %add3A_17 : vector<1024x64xf32>
    %max3A = arith.constant 0.000000e+00 : f32
    %max3A_19 = vector.broadcast %max3A : f32 to vector<1024x64xf32>
    %max3A_20 = arith.maximumf %add3A_18, %max3A_19 : vector<1024x64xf32>
    %swap3A = arith.constant 0 : index
    %swap3A_21 = arith.constant 0 : index
    %swap3A_22 = vector.load %arg4[%swap3A, %swap3A_21] : memref<1024x64xf32, #tpu.memory_space<vmem>>, vector<1024x64xf32>
    tpu.vector_store %arg4[%swap3A, %swap3A_21], %max3A_20 {strides = array<i32>} : memref<1024x64xf32, #tpu.memory_space<vmem>>, vector<1024x64xf32>,
    return
  }
  func.func @transform_0(%arg0: i32) -> (i32, i32) {
    %c0_i32 = arith.constant 0 : i32
    %c0_i32_0 = arith.constant 0 : i32
    return %arg0, %c0_i32 : i32, i32
  }
  func.func @transform_1(%arg0: i32) -> (i32, i32) {
    %c0_i32 = arith.constant 0 : i32
    %c0_i32_0 = arith.constant 0 : i32
    %c0_i32_1 = arith.constant 0 : i32
    return %c0_i32, %c0_i32_0 : i32, i32
  }
  func.func @transform_2(%arg0: i32) -> (i32, i32) {
    %c0_i32 = arith.constant 0 : i32
    %c0_i32_0 = arith.constant 0 : i32
    %c0_i32_1 = arith.constant 0 : i32
    return %c0_i32, %c0_i32_0 : i32, i32
  }
  func.func @transform_3(%arg0: i32) -> (i32, i32) {
    %c0_i32 = arith.constant 0 : i32
    %c0_i32_0 = arith.constant 0 : i32
    return %arg0, %c0_i32 : i32, i32
  }
}

module attributes {stable_mosaic.version = 14 : i64} {
  func.func @_mlp1_body(%arg0: i32, %arg1: memref<16x256xf32, #tpu.memory_space<vmem>>, %arg2: memref<256x64xf32, #tpu.memory_space<vmem>>, %arg3: memref<3x64xf32, #tpu.memory_space<vmem>>, %arg4: memref<16x64xf32, #tpu.memory_space<vmem>>) attributes {dimension_semantics = [#tpu.dimension_semantics<arbitrary>], iteration_bounds = array<i64: 1>, scalar_prefetch = 0 : i64, scratch_operands = 0 : i64, tpu.core_type = #tpu.core_type<tc>, window_params = [{transform_indices = @transform_0, window_bounds = array<i64: 16, 256>}, {pipeline_mode = #tpu.pipeline_mode<synchronous>, transform_indices = @transform_1, window_bounds = array<i64: 256, 64>}, {pipeline_mode = #tpu.pipeline_mode<synchronous>, transform_indices = @transform_2, window_bounds = array<i64: 3, 64>}, {transform_indices = @transform_3, window_bounds = array<i64: 16, 64>}]} {
    %get3A = arith.constant 0 : index
    %get3A_0 = arith.constant 0 : index
    %get3A_1 = vector.load %arg1[%get3A, %get3A_0] : memref<16x256xf32, #tpu.memory_space<vmem>>, vector<16x256xf32>
    %get3A_2 = arith.constant 0 : index
    %get3A_3 = arith.constant 0 : index
    %get3A_4 = vector.load %arg2[%get3A_2, %get3A_3] : memref<256x64xf32, #tpu.memory_space<vmem>>, vector<256x64xf32>
    %dot_general3A = arith.constant dense<0.000000e+00> : vector<16x64xf32>
    %dot_general3A_5 = tpu.matmul %get3A_1, %get3A_4, %dot_general3A {dimension_numbers = #tpu.dot_dimension_numbers<[1], [0], [0], [1], [0, 0, 1, 1], [], []>, transpose_lhs_hint = false} : vector<16x256xf32>, vector<256x64xf32>, vector<16x64xf32> -> vector<16x64xf32>
    %get3A_6 = arith.constant 1 : index
    %get3A_7 = arith.constant 0 : index
    %get3A_8 = vector.load %arg3[%get3A_6, %get3A_7] : memref<3x64xf32, #tpu.memory_space<vmem>>, vector<1x64xf32>
    %get3A_9 = arith.constant 0 : index
    %get3A_10 = arith.constant 0 : index
    %get3A_11 = vector.load %arg3[%get3A_9, %get3A_10] : memref<3x64xf32, #tpu.memory_space<vmem>>, vector<1x64xf32>
    %add3A = vector.broadcast %get3A_11 : vector<1x64xf32> to vector<16x64xf32>
    %add3A_12 = arith.addf %dot_general3A_5, %add3A : vector<16x64xf32>
    %mul3A = vector.broadcast %get3A_8 : vector<1x64xf32> to vector<16x64xf32>
    %mul3A_13 = arith.mulf %mul3A, %add3A_12 : vector<16x64xf32>
    %get3A_14 = arith.constant 2 : index
    %get3A_15 = arith.constant 0 : index
    %get3A_16 = vector.load %arg3[%get3A_14, %get3A_15] : memref<3x64xf32, #tpu.memory_space<vmem>>, vector<1x64xf32>
    %add3A_17 = vector.broadcast %get3A_16 : vector<1x64xf32> to vector<16x64xf32>
    %add3A_18 = arith.addf %mul3A_13, %add3A_17 : vector<16x64xf32>
    %max3A = arith.constant 0.000000e+00 : f32
    %max3A_19 = vector.broadcast %max3A : f32 to vector<16x64xf32>
    %max3A_20 = arith.maximumf %add3A_18, %max3A_19 : vector<16x64xf32>
    %swap3A = arith.constant 0 : index
    %swap3A_21 = arith.constant 0 : index
    %swap3A_22 = vector.load %arg4[%swap3A, %swap3A_21] : memref<16x64xf32, #tpu.memory_space<vmem>>, vector<16x64xf32>
    tpu.vector_store %arg4[%swap3A, %swap3A_21], %max3A_20 {strides = array<i32>} : memref<16x64xf32, #tpu.memory_space<vmem>>, vector<16x64xf32>,
    return
  }
  func.func @transform_0(%arg0: i32) -> (i32, i32) {
    %c0_i32 = arith.constant 0 : i32
    %c0_i32_0 = arith.constant 0 : i32
    return %arg0, %c0_i32 : i32, i32
  }
  func.func @transform_1(%arg0: i32) -> (i32, i32) {
    %c0_i32 = arith.constant 0 : i32
    %c0_i32_0 = arith.constant 0 : i32
    %c0_i32_1 = arith.constant 0 : i32
    return %c0_i32, %c0_i32_0 : i32, i32
  }
  func.func @transform_2(%arg0: i32) -> (i32, i32) {
    %c0_i32 = arith.constant 0 : i32
    %c0_i32_0 = arith.constant 0 : i32
    %c0_i32_1 = arith.constant 0 : i32
    return %c0_i32, %c0_i32_0 : i32, i32
  }
  func.func @transform_3(%arg0: i32) -> (i32, i32) {
    %c0_i32 = arith.constant 0 : i32
    %c0_i32_0 = arith.constant 0 : i32
    return %arg0, %c0_i32 : i32, i32
  }
}

module attributes {stable_mosaic.version = 14 : i64} {
  func.func @_head_body(%arg0: i32, %arg1: memref<1024x256xf32, #tpu.memory_space<vmem>>, %arg2: memref<256x128xf32, #tpu.memory_space<vmem>>, %arg3: memref<3x128xf32, #tpu.memory_space<vmem>>, %arg4: memref<128x50xf32, #tpu.memory_space<vmem>>, %arg5: memref<1x50xf32, #tpu.memory_space<vmem>>, %arg6: memref<1024x50xf32, #tpu.memory_space<vmem>>) attributes {dimension_semantics = [#tpu.dimension_semantics<arbitrary>], iteration_bounds = array<i64: 32>, scalar_prefetch = 0 : i64, scratch_operands = 0 : i64, tpu.core_type = #tpu.core_type<tc>, window_params = [{transform_indices = @transform_0, window_bounds = array<i64: 1024, 256>}, {pipeline_mode = #tpu.pipeline_mode<synchronous>, transform_indices = @transform_1, window_bounds = array<i64: 256, 128>}, {pipeline_mode = #tpu.pipeline_mode<synchronous>, transform_indices = @transform_2, window_bounds = array<i64: 3, 128>}, {pipeline_mode = #tpu.pipeline_mode<synchronous>, transform_indices = @transform_3, window_bounds = array<i64: 128, 50>}, {pipeline_mode = #tpu.pipeline_mode<synchronous>, transform_indices = @transform_4, window_bounds = array<i64: 1, 50>}, {transform_indices = @transform_5, window_bounds = array<i64: 1024, 50>}]} {
    %get3A = arith.constant 0 : index
    %get3A_0 = arith.constant 0 : index
    %get3A_1 = vector.load %arg1[%get3A, %get3A_0] : memref<1024x256xf32, #tpu.memory_space<vmem>>, vector<1024x256xf32>
    %get3A_2 = arith.constant 0 : index
    %get3A_3 = arith.constant 0 : index
    %get3A_4 = vector.load %arg2[%get3A_2, %get3A_3] : memref<256x128xf32, #tpu.memory_space<vmem>>, vector<256x128xf32>
    %dot_general3A = arith.constant dense<0.000000e+00> : vector<1024x128xf32>
    %dot_general3A_5 = tpu.matmul %get3A_1, %get3A_4, %dot_general3A {dimension_numbers = #tpu.dot_dimension_numbers<[1], [0], [0], [1], [0, 0, 1, 1], [], []>, transpose_lhs_hint = false} : vector<1024x256xf32>, vector<256x128xf32>, vector<1024x128xf32> -> vector<1024x128xf32>
    %get3A_6 = arith.constant 1 : index
    %get3A_7 = arith.constant 0 : index
    %get3A_8 = vector.load %arg3[%get3A_6, %get3A_7] : memref<3x128xf32, #tpu.memory_space<vmem>>, vector<1x128xf32>
    %get3A_9 = arith.constant 0 : index
    %get3A_10 = arith.constant 0 : index
    %get3A_11 = vector.load %arg3[%get3A_9, %get3A_10] : memref<3x128xf32, #tpu.memory_space<vmem>>, vector<1x128xf32>
    %add3A = vector.broadcast %get3A_11 : vector<1x128xf32> to vector<1024x128xf32>
    %add3A_12 = arith.addf %dot_general3A_5, %add3A : vector<1024x128xf32>
    %mul3A = vector.broadcast %get3A_8 : vector<1x128xf32> to vector<1024x128xf32>
    %mul3A_13 = arith.mulf %mul3A, %add3A_12 : vector<1024x128xf32>
    %get3A_14 = arith.constant 2 : index
    %get3A_15 = arith.constant 0 : index
    %get3A_16 = vector.load %arg3[%get3A_14, %get3A_15] : memref<3x128xf32, #tpu.memory_space<vmem>>, vector<1x128xf32>
    %add3A_17 = vector.broadcast %get3A_16 : vector<1x128xf32> to vector<1024x128xf32>
    %add3A_18 = arith.addf %mul3A_13, %add3A_17 : vector<1024x128xf32>
    %max3A = arith.constant 0.000000e+00 : f32
    %max3A_19 = vector.broadcast %max3A : f32 to vector<1024x128xf32>
    %max3A_20 = arith.maximumf %add3A_18, %max3A_19 : vector<1024x128xf32>
    %get3A_21 = arith.constant 0 : index
    %get3A_22 = arith.constant 0 : index
    %get3A_23 = vector.load %arg4[%get3A_21, %get3A_22] : memref<128x50xf32, #tpu.memory_space<vmem>>, vector<128x50xf32>
    %dot_general3A_24 = arith.constant dense<0.000000e+00> : vector<1024x50xf32>
    %dot_general3A_25 = tpu.matmul %max3A_20, %get3A_23, %dot_general3A_24 {dimension_numbers = #tpu.dot_dimension_numbers<[1], [0], [0], [1], [0, 0, 1, 1], [], []>, transpose_lhs_hint = false} : vector<1024x128xf32>, vector<128x50xf32>, vector<1024x50xf32> -> vector<1024x50xf32>
    %get3A_26 = arith.constant 0 : index
    %get3A_27 = arith.constant 0 : index
    %get3A_28 = vector.load %arg5[%get3A_26, %get3A_27] : memref<1x50xf32, #tpu.memory_space<vmem>>, vector<1x50xf32>
    %add3A_29 = vector.broadcast %get3A_28 : vector<1x50xf32> to vector<1024x50xf32>
    %add3A_30 = arith.addf %dot_general3A_25, %add3A_29 : vector<1024x50xf32>
    %swap3A = arith.constant 0 : index
    %swap3A_31 = arith.constant 0 : index
    %swap3A_32 = vector.load %arg6[%swap3A, %swap3A_31] : memref<1024x50xf32, #tpu.memory_space<vmem>>, vector<1024x50xf32>
    tpu.vector_store %arg6[%swap3A, %swap3A_31], %add3A_30 {strides = array<i32>} : memref<1024x50xf32, #tpu.memory_space<vmem>>, vector<1024x50xf32>,
    return
  }
  func.func @transform_0(%arg0: i32) -> (i32, i32) {
    %c0_i32 = arith.constant 0 : i32
    %c0_i32_0 = arith.constant 0 : i32
    return %arg0, %c0_i32 : i32, i32
  }
  func.func @transform_1(%arg0: i32) -> (i32, i32) {
    %c0_i32 = arith.constant 0 : i32
    %c0_i32_0 = arith.constant 0 : i32
    %c0_i32_1 = arith.constant 0 : i32
    return %c0_i32, %c0_i32_0 : i32, i32
  }
  func.func @transform_2(%arg0: i32) -> (i32, i32) {
    %c0_i32 = arith.constant 0 : i32
    %c0_i32_0 = arith.constant 0 : i32
    %c0_i32_1 = arith.constant 0 : i32
    return %c0_i32, %c0_i32_0 : i32, i32
  }
  func.func @transform_3(%arg0: i32) -> (i32, i32) {
    %c0_i32 = arith.constant 0 : i32
    %c0_i32_0 = arith.constant 0 : i32
    %c0_i32_1 = arith.constant 0 : i32
    return %c0_i32, %c0_i32_0 : i32, i32
  }
  func.func @transform_4(%arg0: i32) -> (i32, i32) {
    %c0_i32 = arith.constant 0 : i32
    %c0_i32_0 = arith.constant 0 : i32
    %c0_i32_1 = arith.constant 0 : i32
    return %c0_i32, %c0_i32_0 : i32, i32
  }
  func.func @transform_5(%arg0: i32) -> (i32, i32) {
    %c0_i32 = arith.constant 0 : i32
    %c0_i32_0 = arith.constant 0 : i32
    return %arg0, %c0_i32 : i32, i32
  }
}

</mosaic_0001>

<sc_bundles>
// kernel: gather_offload_async_start.10
scs
__scs_entry_jumppad:
0x0: {  	(pc) =	sbr.rel $0x88, $3  }
0x1: {  	(tag) =	ssettag $0x0;
	lr =	simm.s32 $0x1  }
0x2: {  	[smem:$0x3F15] =	sst lr;
	_ =	strace $0xD0000000  }
0x3: {  	_ = 	snop  }
0x4: {  	_ = 	snop  }
0x5: {  	_ = 	snop  }
0x6: {  	_ = 	snop  }
0x7: {  	_ = 	snop  }
__scs_overlays_trampoline_lowered:
0x8: {  	[smem:$0x3F24] =	sst s0  }
0x9: {  	[smem:$0x3F25] =	sst s1  }
0xa: {  	[smem:$0x3F26] =	sst s2  }
0xb: {  	[smem:$0x3F27] =	sst s3  }
0xc: {  	[smem:$0x3F28] =	sst s4  }
0xd: {  	[smem:$0x3F29] =	sst s5  }
0xe: {  	[smem:$0x3F2A] =	sst s6  }
0xf: {  	[smem:$0x3F2B] =	sst s7  }
0x10: {  	[smem:$0x3F2C] =	sst s8  }
0x11: {  	[smem:$0x3F2D] =	sst s9;
	s0 =	simm.s32 @!p0 $0x0  }
0x12: {  	s1 =	sld [smem:$0x3F13];
	s0 =	simm.s32 @p0 $0x1  }
0x13: {  	[smem:$0x3F2E] =	sst s0;
	s0 =	simm.s32 @!p1 $0x0  }
0x14: {  	s2 =	sld [smem:$0x3F12];
	s0 =	simm.s32 @p1 $0x1  }
0x15: {  	[smem:$0x3F2F] =	sst s0;
	s0 =	simm.s32 @!p2 $0x0  }
0x16: {  	s3 =	sld [smem:$0x3FDB];
	s0 =	simm.s32 @p2 $0x1  }
0x17: {  	s4 =	simm.s32 $0x1BF5;
	[smem:$0x3F31] =	sst s0  }
0x18: {  	s0 =	sld [smem:$0x3F14];
	_ =	swait.ge [sflag:s4], $0x0  }
0x19: {  	s7 =	sld [smem:$0x3F15]  }
0x1a: {  	s8 =	sadd.s32 $0xFFFFE003, lr  }
0x1b: {  	s9 =	sadd.s32 $0xFFFFFEF7, lr;
	s5 =	simm.s32 $0xFFFFFFFF;
	p2 =	slt.u32 s8, $0xFFFFF086  }
0x1c: {  	p1 =	slt.u32 s9, $0xF7A;
	s5 =	simm.s32 @!p2 $0x0  }
0x1d: {  	s5 =	simm.s32 @p1 $0x1;
	p0 =	seq.s32 s7, s2  }
0x1e: {  	s7 =	smul.u32 @!p0 $0xF7A, s2;
	p2 =	seq.s32 @!p0 s5, $0x0  }
0x1f: {  	s9 =	smul.u32 $0xF7A, s1;
	s8 =	simm.s32 @!p0 $0x1BF5;
	p2 =	por !p2, p0  }
0x20: {  	[sflag:s8] =	ssyncset.s32 @!p0 $0xFFFFF086;
	s6 =	sadd.s32 @!p0 s3, s7;
	s7 =	simm.s32 @!p0 $0x108  }
0x21: {  	s3 =	sadd.s32 s3, s9;
	s6 =	sadd.s32 @!p0 $0x88, s6;
	s7 =	simm.s32 @p2 $0x1082  }
0x22: {  	[simem:s7], [sflag:s8] =	dma.local @!p0 [hbm:s6], $0xF7A  }
0x23: {  	s9 =	sor.u32 $0xD0000000, s2;
	s6 =	simm.s32 $0x108;
	_ =	swait.ge @!p0 [sflag:s8], $0x0  }
0x24: {  	s3 =	sadd.s32 $0x88, s3;
	s6 =	simm.s32 @!p1 $0x1082;
	[sflag:s4] =	ssyncset.s32 $0xFFFFF086  }
0x25: {  	[simem:s6], [sflag:s4] =	dma.local [hbm:s3], $0xF7A  }
0x26: {  	[smem:$0x3F15] =	sst s1;
	(tag) =	ssettag s2;
	_ =	strace s9  }
0x27: {  	s1 =	sld [smem:$0x3F25]  }
0x28: {  	s2 =	sld [smem:$0x3F26]  }
0x29: {  	s4 =	sld [smem:$0x3F28]  }
0x2a: {  	p0 =	seq.s32 s5, $0x0;
	s5 =	sld [smem:$0x3F29]  }
0x2b: {  	s6 =	sld [smem:$0x3F2A]  }
0x2c: {  	s7 =	sld [smem:$0x3F2B]  }
0x2d: {  	s3 =	simm.s32 $0x108;
	s8 =	sld [smem:$0x3F2C]  }
0x2e: {  	s3 =	simm.s32 @!p0 $0x1082;
	s9 =	sld [smem:$0x3F2D]  }
0x2f: {  	lr =	sadd.s32 s0, s3;
	s0 =	sld [smem:$0x3F24]  }
0x30: {  	s3 =	sld [smem:$0x3F27]  }
0x31: {  	[smem:$0x3F30] =	sst s10  }
0x32: {  	s10 =	sld [smem:$0x3F2E];
	_ =	sdelay $0x3  }
0x33: {  	p0 =	seq.s32 s10, $0x1;
	s10 =	sld [smem:$0x3F30];
	_ =	sdelay $0x3  }
0x34: {  	[smem:$0x3F30] =	sst s10  }
0x35: {  	s10 =	sld [smem:$0x3F2F];
	_ =	sdelay $0x3  }
0x36: {  	p1 =	seq.s32 s10, $0x1;
	s10 =	sld [smem:$0x3F30];
	_ =	sdelay $0x3  }
0x37: {  	[smem:$0x3F30] =	sst s10  }
0x38: {  	s10 =	sld [smem:$0x3F31]  }
0x39: {  	_ = 	snop;
	(pc) =	sbr.ind lr, $3  }
0x3a: {  	_ = 	snop  }
0x3b: {  	_ = 	snop  }
0x3c: {  	p2 =	seq.s32 s10, $0x1;
	s10 =	sld [smem:$0x3F30]  }
0x3d: {  	_ =	shalt  }
0x3e: {  	_ =	shalt  }
0x3f: {  	_ =	shalt  }
0x40: {  	_ =	shalt  }
0x41: {  	_ =	shalt  }
0x42: {  	_ =	shalt  }
0x43: {  	_ =	shalt  }
0x44: {  	_ =	shalt  }
0x45: {  	_ =	shalt  }
0x46: {  	_ =	shalt  }
0x47: {  	_ =	shalt  }
0x48: {  	_ =	shalt  }
0x49: {  	_ =	shalt  }
0x4a: {  	_ =	shalt  }
0x4b: {  	_ =	shalt  }
0x4c: {  	_ =	shalt  }
0x4d: {  	_ =	shalt  }
0x4e: {  	_ =	shalt  }
0x4f: {  	_ =	shalt  }
0x50: {  	_ =	shalt  }
0x51: {  	_ =	shalt  }
0x52: {  	_ =	shalt  }
0x53: {  	_ =	shalt  }
0x54: {  	_ =	shalt  }
0x55: {  	_ =	shalt  }
0x56: {  	_ =	shalt  }
0x57: {  	_ =	shalt  }
0x58: {  	_ =	shalt  }
0x59: {  	_ =	shalt  }
0x5a: {  	_ =	shalt  }
0x5b: {  	_ =	shalt  }
0x5c: {  	_ =	shalt  }
0x5d: {  	_ =	shalt  }
0x5e: {  	_ =	shalt  }
0x5f: {  	_ =	shalt  }
0x60: {  	_ =	shalt  }
0x61: {  	_ =	shalt  }
0x62: {  	_ =	shalt  }
0x63: {  	_ =	shalt  }
0x64: {  	_ =	shalt  }
0x65: {  	_ =	shalt  }
0x66: {  	_ =	shalt  }
0x67: {  	_ =	shalt  }
0x68: {  	_ =	shalt  }
0x69: {  	_ =	shalt  }
0x6a: {  	_ =	shalt  }
0x6b: {  	_ =	shalt  }
0x6c: {  	_ =	shalt  }
0x6d: {  	_ =	shalt  }
0x6e: {  	_ =	shalt  }
0x6f: {  	_ =	shalt  }
0x70: {  	_ =	shalt  }
0x71: {  	_ =	shalt  }
0x72: {  	_ =	shalt  }
0x73: {  	_ =	shalt  }
0x74: {  	_ =	shalt  }
0x75: {  	_ =	shalt  }
0x76: {  	_ =	shalt  }
0x77: {  	_ =	shalt  }
0x78: {  	_ =	shalt  }
0x79: {  	_ =	shalt  }
0x7a: {  	_ =	shalt  }
0x7b: {  	_ =	shalt  }
0x7c: {  	_ =	shalt  }
0x7d: {  	_ =	shalt  }
0x7e: {  	_ =	shalt  }
0x7f: {  	_ =	shalt  }
0x80: {  	_ =	shalt  }
0x81: {  	_ =	shalt  }
0x82: {  	_ =	shalt  }
0x83: {  	_ =	shalt  }
0x84: {  	_ =	shalt  }
0x85: {  	_ =	shalt  }
0x86: {  	_ =	shalt  }
0x87: {  	_ =	shalt  }
.Lfunc_end0:
.L_simem_size_0:
called_computation.11_lowered:
.L_overlay_start_0:
0x88: {  	s2 =	sld [smem:$0x3FD9]  }
0x89: {  	s3 =	sld [smem:$0x3FFE];
	_ =	sdelay $0x1  }
0x8a: {  	s1 =	srdreg.scid  }
0x8b: {  	s0 =	sand.u32 $0x1, s1  }
0x8c: {  	s16 =	sshll.u32 s0, $0xA;
	s2 =	sadd.s32 s3, s2  }
0x8d: {  	s2 =	sadd.s32 s2, s16  }
0x8e: {  	[smem:$0x3F3C] =	sst s2  }
0x8f: {  	_ = 	snop  }
0x90: {  	(tm) =	ssettm $0x1  }
0x91: {  	s17 =	sld [smem:$0x3FFB];
	_ =	sdelay $0x3  }
0x92: {  	_ =	strace s17  }
0x93: {  	s2 =	sld [smem:$0x3FFC];
	_ =	sdelay $0x3  }
0x94: {  	_ =	strace s2  }
0x95: {  	s2 =	sld [smem:$0x3FFD];
	_ =	sdelay $0x3  }
0x96: {  	_ =	strace s2  }
0x97: {  	_ =	strace $0x8FFFFFFF  }
0x98: {  	s18 =	sld [smem:$0x3FDB];
	_ =	sdelay $0x1  }
0x99: {  	s19 =	simm.s32 $_scs_section_size  }
0x9a: {  	s4 =	simm.s32 $_size__tile_overlayer_lowered;
	s5 =	simm.s32 $_tile_overlayer_lowered  }
0x9b: {  	s22 =	simm.s32 $0x1BFF;
	s21 =	sshll.u32 s5, $0x1;
	s2 =	sadd.s32 s19, s18  }
0x9c: {  	s6 =	simm.s32 $0x0;
	s20 =	sshll.u32 s4, $0x1;
	s4 =	sadd.s32 s21, s2  }
0x9d: {  	[timem:s6], [sflag:s22] =	dma.local [hbm:s4], s20  }
0x9e: {  	_ =	swait.ge [sflag:s22], s20  }
0x9f: {  	s3 =	ssub.s32 $0x0, s20;
	[sflag:s22] =	ssyncset.done $0x0  }
0xa0: {  	[sflag:s22] =	ssyncadd.s32 s3;
	_ =	sdelay $0x1  }
0xa1: {  	s23 =	simm.s32 $0x1B8B  }
0xa2: {  	_ =	swait.ge [sflag:s23], $0x1  }
0xa3: {  	[sflag:s23] =	ssyncset.done $0x0  }
0xa4: {  	s25 =	simm.s32 $0x1B8E;
	s24 =	sld [smem:$0x3FFE];
	[sflag:s23] =	ssyncadd.s32 $0xFFFFFFFF  }
0xa5: {  	s26 =	simm.s32 $execute0_lowered;
	[smem:$0x3FD2] =	sst s25  }
0xa6: {  	s4 =	sshll.u32 s26, $0x1;
	_ =	strace $0x80000067;
	[dreg:$0x1] =	wrdreg $0xFFFFFFFF  }
0xa7: {  	s28 =	simm.s32 $_size_execute0_lowered;
	s2 =	sadd.s32 s2, s4;
	[dreg:$0x0] =	wrdreg $0x0  }
0xa8: {  	s4 =	sshll.u32 s28, $0x1;
	[dreg:$0x2] =	wrdreg s2  }
0xa9: {  	[dreg:$0x3] =	wrdreg s4  }
0xaa: {  	[dreg:$0x4] =	wrdreg $0xC0  }
0xab: {  	_ =	task [dreg:s6], $0x5FFFF  }
0xac: {  	[dreg:$0x1] =	wrdreg $0xFFFFFFFF  }
0xad: {  	[dreg:$0x0] =	wrdreg $0x60  }
0xae: {  	[dreg:$0x2] =	wrdreg s24  }
0xaf: {  	[dreg:$0x3] =	wrdreg $0x9  }
0xb0: {  	_ =	task.clear_ibuf [dreg:s6], $0x4FFFF;
	_ =	strace $0x90000067  }
0xb1: {  	s29 =	simm.s32 $0x9;
	_ =	strace $0x80000069  }
0xb2: {  	_ =	swait.ge [sflag:s29], $0x1  }
0xb3: {  	[sflag:s29] =	ssyncadd.s32 $0xFFFFFFFF  }
0xb4: {  	_ =	strace $0x90000069  }
0xb5: {  	_ =	sfence  }
0xb6: {  	s30 =	sld [smem:$0x0];
	_ =	sdelay $0x2  }
0xb7: {  	s31 =	sshll.u32 s1, $0xD;
	s1 =	sshrl.u32 s1, $0x2  }
0xb8: {  	s3 =	sand.u32 $0x4000, s31;
	s1 =	sadd.s32 s1, s30  }
0xb9: {  	s0 =	sor.u32 s3, s0;
	s1 =	sshll.u32 s1, $0x11  }
0xba: {  	s0 =	sor.u32 s1, s0  }
0xbb: {  	s0 =	sadd.s32 $0x8F2B, s0  }
0xbc: {  	[sflag:s0] =	ssyncadd.remote.s32 $0x1  }
0xbd: {  	_ =	sfence.sel $0xFFFF  }
0xbe: {  	[dreg:$0x0] =	wrdreg $0xFFFFFFFF;
	(pc) =	sbr.abs _section_cstart, $3  }
0xbf: {  	[dreg:$0x1] =	wrdreg $0xFFFFFFFF  }
0xc0: {  	_ =	task.clear_ibuf [dreg:s6], $0x2FFFF;
	_ =	strace $0x9FFFFFFF  }
0xc1: {  	(tm) =	ssettm $0x7FFFFFFF  }
tec
execute0_lowered:
.L_overlay_start_1:
0x0: {  	(tag) =	ssettag $0x1  }
0x1: {  	s7 =	rddreg [dreg:$0x0]  }
0x2: {  	s0 =	rddreg [dreg:$0x1];
	_ =	strace $0x80000068  }
0x3: {  	s1 =	srdreg.scid;
	s4 =	simm.s32 $0x1;
	s9 =	simm.s32 $0x3  }
0x4: {  	s11 =	simm.s32 $0x0;
	p0 =	por $0x0, $0x0;
	s5 =	sshll.u32 s1, $0x4  }
.Ltmp0:
0x5: {  	s1 =	stileid.u32;
	s5 =	sand.u32 $0x10, s5;
	(pc) =	sbr.rel .LBB2_1-.Ltmp0, $4  }
0x6: {  	s2 =	sadd.s32 $0x40000, s7;
	s3 =	sadd.s32 $0x10B400, s7;
	s6 =	sor.u32 s1, s5  }
0x7: {  	[sflag:s4] =	ssyncpa.u1 $0x0;
	s5 =	simm.s32 $0x2;
	s6 =	sshll.u32 s6, $0xA  }
0x8: {  	s7 =	sadd.s32 $0x125400, s7;
	[sflag:s5] =	ssyncpa.u1 $0x0;
	s8 =	sadd.s32 $0x400, s6  }
0x9: {  	vm0 =	vmmov $0xff;
	vm1 =	vcmask $0x3F20;
	[sflag:s9] =	ssyncpa.u1 $0x0;
	s10 =	smov.u32 s6;
	s9 =	simm.s32 $0x0  }
.LBB2_7:
0xa: {  	p1 =	slt.u32 s9, $0x2;
	s11 =	sadd.s32 $0x100, s10  }
0xb: {  	s13 =	smov.u32 s6;
	s9 =	sadd.s32 $0x1, s9;
	p2 =	slt.s32 s11, s8  }
0xc: {  	s13 =	smov.u32 @p2 s11;
	p2 =	sne.s32 s9, $0x6  }
.Ltmp1:
0xd: {  	_ = 	snop;
	(pc) =	sbr.rel @!p2 .LBB2_8-.Ltmp1, $4  }
0xe: {  	s12 =	simm.s32 @!p1 $0x3  }
0xf: {  	_ =	swait.ge @!p1 [sflag:s12], $0x8000  }
0x10: {  	p0 =	por !p0, !p0;
	[sflag:s12] =	ssyncset.done @!p1 $0x0  }
0x11: {  	s11 =	smov.u32 s10;
	s10 =	smov.u32 s13;
	[sflag:s12] =	ssyncadd.s32 @!p1 $0xFFFF8000  }
.LBB2_1:
0x12: {  	p1 =	sgt.u32 s9, $0x3  }
0x13: {  	s12 =	sxor.u32 @!p1 $0xFFFFFFFF, s9  }
0x14: {  	s13 =	sshrl.u32 @!p1 s10, $0x3;
	s12 =	sshll.u32 @!p1 s12, $0x8  }
0x15: {  	s14 =	sand.u32 @!p1 $0x7, s10;
	s13 =	sadd.s32 @!p1 s3, s13;
	s12 =	sand.u32 @!p1 $0x100, s12  }
0x16: {  	[tilespmem:s12], [sflag:$0x2] =	stream.linear.gather @!p1 [hbm4b:s13+s14], $0x100, $0x38;
	[tilespmem:$0x10200] =	vst v63  }
0x17: {  	p1 =	seq.s32 s9, $0x0  }
0x18: {  	p2 =	seq.s32 @!p1 s9, $0x5  }
0x19: {  	p1 =	por p1, p2  }
.Ltmp2:
0x1a: {  	_ = 	snop;
	(pc) =	sbr.rel @p1 .LBB2_7-.Ltmp2, $1  }
0x1b: {  	_ =	sdelay $0x3  }
0x1c: {  	s12 =	simm.s32 $0x1  }
0x1d: {  	_ =	swait.ge [sflag:s5], $0x100;
	s12 =	simm.s32 @!p0 $0x0  }
0x1e: {  	[sflag:s5] =	ssyncset.done $0x0;
	s14 =	sshll.u32 s12, $0x8  }
0x1f: {  	[sflag:s5] =	ssyncadd.s32 $0xFFFFFF00;
	s13 =	sadd.s32 $0x0, s14  }
0x20: {  	v0 =	vld.msk [tilespmem:s13+$0x0 ss:$0x1], $0xffff;
	_ =	sdelay $0x4  }
0x21: {  	v1 =	vshll.u32 v0, $0x3  }
0x22: {  	vm2 =	veq.s32 v0, $0x80000000;
	v0 =	vshll.u32 v0, $0x12;
	v1 =	vand.u32 $0x3FF80, v1  }
0x23: {  	v0 =	vand.u32 $0x3C0000, v0;
	v1 =	vsel vm2, $0xFFFFFF80, v1  }
0x24: {  	v0 =	vsel vm2, $0xFFFC0000, v0;
	v2 =	vand.u32 $0xFFFFFC00, v1  }
0x25: {  	v1 =	vand.u32 $0x380, v1;
	v0 =	vadd.s32 v0, v2  }
0x26: {  	v0 =	vor.u32 v1, v0  }
0x27: {  	v0 =	vshrl.u32 v0, $0x3;
	_ =	sdelay $0x2  }
0x28: {  	s12 =	sshll.u32 s12, $0xF  }
0x29: {  	s12 =	sor.u32 $0x200, s12  }
0x2a: {  	[tilespmem:s12], [sflag:$0x1] =	stream.indirect_vreg.gather [hbm:s2], $0x80, v0, vm0, $0x38;
	[tilespmem:$0x10200] =	vst v63  }
0x2b: {  	s15 =	sadd.s32 $0x10, s14;
	s13 =	sadd.s32 $0x400, s12  }
0x2c: {  	[tilespmem:s13], [sflag:$0x1] =	stream.indirect_vreg.gather [hbm:s2], $0x80, v0, vm1, $0x38;
	[tilespmem:$0x10200] =	vst v63  }
0x2d: {  	s16 =	simm.s32 $0x80;
	v0 =	vld.msk [tilespmem:s15+$0x0 ss:$0x1], $0xffff;
	s15 =	smov.u32 s12  }
.LBB2_3:
0x2e: {  	p1 =	sne.s32 s16, $0x3C0;
	_ =	sdelay $0x4  }
0x2f: {  	v1 =	vshll.u32 v0, $0x3  }
0x30: {  	vm2 =	veq.s32 v0, $0x80000000;
	v0 =	vshll.u32 v0, $0x12;
	v1 =	vand.u32 $0x3FF80, v1  }
0x31: {  	v0 =	vand.u32 $0x3C0000, v0;
	v1 =	vsel vm2, $0xFFFFFF80, v1  }
0x32: {  	v0 =	vsel vm2, $0xFFFC0000, v0;
	v2 =	vand.u32 $0xFFFFFC00, v1  }
0x33: {  	v1 =	vand.u32 $0x380, v1;
	v0 =	vadd.s32 v0, v2  }
0x34: {  	v0 =	vor.u32 v1, v0  }
0x35: {  	v0 =	vshrl.u32 v0, $0x3;
	_ =	sdelay $0x3  }
.Ltmp3:
0x36: {  	s17 =	sshra.s32 s16, $0x2;
	s15 =	sadd.s32 $0x800, s15;
	(pc) =	sbr.rel @p1 .LBB2_3-.Ltmp3, $4  }
0x37: {  	[tilespmem:s15], [sflag:$0x1] =	stream.indirect_vreg.gather [hbm:s2], $0x80, v0, vm0, $0x38;
	[tilespmem:$0x10200] =	vst v63  }
0x38: {  	s17 =	sadd.s32 s17, s14;
	s18 =	sadd.s32 $0x400, s15  }
0x39: {  	[tilespmem:s18], [sflag:$0x1] =	stream.indirect_vreg.gather [hbm:s2], $0x80, v0, vm1, $0x38;
	[tilespmem:$0x10200] =	vst v63  }
0x3a: {  	s16 =	sadd.s32 $0x40, s16;
	v0 =	vld.msk [tilespmem:s17+$0x0 ss:$0x1], $0xffff  }
0x3b: {  	_ =	sdelay $0x3  }
0x3c: {  	v1 =	vshll.u32 v0, $0x3  }
0x3d: {  	vm2 =	veq.s32 v0, $0x80000000;
	v63 =	vshll.u32 v0, $0x12;
	v1 =	vand.u32 $0x3FF80, v1  }
0x3e: {  	v0 =	vand.u32 $0x3C0000, v63;
	v1 =	vsel vm2, $0xFFFFFF80, v1  }
0x3f: {  	v0 =	vsel vm2, $0xFFFC0000, v0;
	v2 =	vand.u32 $0xFFFFFC00, v1  }
0x40: {  	v1 =	vand.u32 $0x380, v1;
	v0 =	vadd.s32 v0, v2  }
0x41: {  	v0 =	vor.u32 v1, v0  }
0x42: {  	v0 =	vshrl.u32 v0, $0x3;
	_ =	sdelay $0x3  }
0x43: {  	s14 =	sadd.s32 $0x800, s15  }
0x44: {  	[tilespmem:s14], [sflag:$0x1] =	stream.indirect_vreg.gather [hbm:s2], $0x80, v0, vm0, $0x38;
	[tilespmem:$0x10200] =	vst v63  }
0x45: {  	s14 =	sadd.s32 $0x400, s14  }
0x46: {  	[tilespmem:s14], [sflag:$0x1] =	stream.indirect_vreg.gather [hbm:s2], $0x80, v0, vm1, $0x38;
	[tilespmem:$0x10200] =	vst v63  }
0x47: {  	s11 =	sshll.u32 s11, $0x4;
	_ =	swait.ge [sflag:s4], $0x8000  }
0x48: {  	s11 =	sadd.s32 s11, s7;
	[sflag:s4] =	ssyncset.done $0x0  }
0x49: {  	s15 =	sadd.s32 $0x0, s11;
	s14 =	simm.s32 $0x80;
	[sflag:s4] =	ssyncadd.s32 $0xFFFF8000  }
.LBB2_5:
0x4a: {  	[hbm:s15] =	stream.linear.scatter [tilespmem:s12], [sflag:$0x3], $0x400, $0x38;
	[tilespmem:$0x10200] =	vst v63  }
0x4b: {  	s15 =	smov.u32 s14;
	s12 =	smov.u32 s13;
	p1 =	sne.s32 s14, $0xF80  }
.Ltmp4:
0x4c: {  	s14 =	sadd.s32 $0x80, s14;
	(pc) =	sbr.rel @p1 .LBB2_5-.Ltmp4, $2  }
0x4d: {  	_ =	sdelay $0x2  }
0x4e: {  	s13 =	sadd.s32 $0x400, s13;
	s15 =	sadd.s32 s15, s11  }
.Ltmp5:
0x4f: {  	(pc) =	sbr.rel .LBB2_7-.Ltmp5, $2  }
0x50: {  	_ =	sdelay $0x2  }
0x51: {  	[hbm:s15] =	stream.linear.scatter [tilespmem:s12], [sflag:$0x3], $0x400, $0x38;
	[tilespmem:$0x10200] =	vst v63  }
.LBB2_8:
0x52: {  	_ =	sfence.sel $0x180000  }
0x53: {  	s2 =	simm.s32 $0x2;
	[bflag:$0x0] =	sbarrier.arrive $0xFFFF  }
0x54: {  	s30 =	simm.s32 $0x3;
	[sflag:s2] =	ssyncpa.u1 $0x1  }
0x55: {  	s31 =	simm.s32 $0x1;
	[sflag:s30] =	ssyncpa.u1 $0x1  }
0x56: {  	[sflag:s31] =	ssyncpa.u1 $0x1  }
0x57: {  	p0 =	sne.s32 s1, $0x0;
	_ =	strace $0x90000068  }
0x58: {  	s0 =	sadd.s32 @!p0 $0x100000, s0;
	[bflag:$0x2] =	sbarrier.arrive $0xFFFF  }
0x59: {  	[sflag:s0] =	ssyncadd.tile.s32 @!p0 $0x1;
	_ =	shalt  }
.Lfunc_end2:
_tile_overlayer_lowered:
.L_overlay_start_2:
0x5a: {  	(tag) =	ssettag $0x2  }
0x5b: {  	s0 =	rddreg [dreg:$0x0];
	s2 =	stileid.u32  }
0x5c: {  	s1 =	rddreg [dreg:$0x1];
	p0 =	sne.s32 s2, $0x0  }
0x5d: {  	s3 =	rddreg [dreg:$0x2];
	[bflag:$0x3] =	sbarrier.arrive $0xFFFF;
	s2 =	simm.s32 @!p0 $0x1C01  }
0x5e: {  	[timem:s3], [sflag:s2] =	dma.local @!p0 [hbm:s0], s1  }
0x5f: {  	s0 =	simm.s32 @!p0 $0x1  }
0x60: {  	_ =	swait.ge @!p0 [sflag:s0], s1  }
0x61: {  	s1 =	ssub.s32 @!p0 $0x0, s1;
	[sflag:s0] =	ssyncset.done @!p0 $0x0  }
0x62: {  	[sflag:s0] =	ssyncadd.s32 @!p0 s1  }
0x63: {  	[bflag:$0x3] =	sbarrier.arrive $0xFFFF  }
0x64: {  	_ =	shalt  }

// kernel: gather_offload_async_start.11
scs
__scs_entry_jumppad:
0x0: {  	(pc) =	sbr.rel $0x88, $3  }
0x1: {  	(tag) =	ssettag $0x0;
	lr =	simm.s32 $0x1  }
0x2: {  	[smem:$0x3F15] =	sst lr;
	_ =	strace $0xD0000000  }
0x3: {  	_ = 	snop  }
0x4: {  	_ = 	snop  }
0x5: {  	_ = 	snop  }
0x6: {  	_ = 	snop  }
0x7: {  	_ = 	snop  }
__scs_overlays_trampoline_lowered:
0x8: {  	[smem:$0x3F24] =	sst s0  }
0x9: {  	[smem:$0x3F25] =	sst s1  }
0xa: {  	[smem:$0x3F26] =	sst s2  }
0xb: {  	[smem:$0x3F27] =	sst s3  }
0xc: {  	[smem:$0x3F28] =	sst s4  }
0xd: {  	[smem:$0x3F29] =	sst s5  }
0xe: {  	[smem:$0x3F2A] =	sst s6  }
0xf: {  	[smem:$0x3F2B] =	sst s7  }
0x10: {  	[smem:$0x3F2C] =	sst s8  }
0x11: {  	[smem:$0x3F2D] =	sst s9;
	s0 =	simm.s32 @!p0 $0x0  }
0x12: {  	s1 =	sld [smem:$0x3F13];
	s0 =	simm.s32 @p0 $0x1  }
0x13: {  	[smem:$0x3F2E] =	sst s0;
	s0 =	simm.s32 @!p1 $0x0  }
0x14: {  	s2 =	sld [smem:$0x3F12];
	s0 =	simm.s32 @p1 $0x1  }
0x15: {  	[smem:$0x3F2F] =	sst s0;
	s0 =	simm.s32 @!p2 $0x0  }
0x16: {  	s3 =	sld [smem:$0x3FDB];
	s0 =	simm.s32 @p2 $0x1  }
0x17: {  	s4 =	simm.s32 $0x1BF5;
	[smem:$0x3F31] =	sst s0  }
0x18: {  	s0 =	sld [smem:$0x3F14];
	_ =	swait.ge [sflag:s4], $0x0  }
0x19: {  	s7 =	sld [smem:$0x3F15]  }
0x1a: {  	s8 =	sadd.s32 $0xFFFFE003, lr  }
0x1b: {  	s9 =	sadd.s32 $0xFFFFFEF7, lr;
	s5 =	simm.s32 $0xFFFFFFFF;
	p2 =	slt.u32 s8, $0xFFFFF086  }
0x1c: {  	p1 =	slt.u32 s9, $0xF7A;
	s5 =	simm.s32 @!p2 $0x0  }
0x1d: {  	s5 =	simm.s32 @p1 $0x1;
	p0 =	seq.s32 s7, s2  }
0x1e: {  	s7 =	smul.u32 @!p0 $0xF7A, s2;
	p2 =	seq.s32 @!p0 s5, $0x0  }
0x1f: {  	s9 =	smul.u32 $0xF7A, s1;
	s8 =	simm.s32 @!p0 $0x1BF5;
	p2 =	por !p2, p0  }
0x20: {  	[sflag:s8] =	ssyncset.s32 @!p0 $0xFFFFF086;
	s6 =	sadd.s32 @!p0 s3, s7;
	s7 =	simm.s32 @!p0 $0x108  }
0x21: {  	s3 =	sadd.s32 s3, s9;
	s6 =	sadd.s32 @!p0 $0x88, s6;
	s7 =	simm.s32 @p2 $0x1082  }
0x22: {  	[simem:s7], [sflag:s8] =	dma.local @!p0 [hbm:s6], $0xF7A  }
0x23: {  	s9 =	sor.u32 $0xD0000000, s2;
	s6 =	simm.s32 $0x108;
	_ =	swait.ge @!p0 [sflag:s8], $0x0  }
0x24: {  	s3 =	sadd.s32 $0x88, s3;
	s6 =	simm.s32 @!p1 $0x1082;
	[sflag:s4] =	ssyncset.s32 $0xFFFFF086  }
0x25: {  	[simem:s6], [sflag:s4] =	dma.local [hbm:s3], $0xF7A  }
0x26: {  	[smem:$0x3F15] =	sst s1;
	(tag) =	ssettag s2;
	_ =	strace s9  }
0x27: {  	s1 =	sld [smem:$0x3F25]  }
0x28: {  	s2 =	sld [smem:$0x3F26]  }
0x29: {  	s4 =	sld [smem:$0x3F28]  }
0x2a: {  	p0 =	seq.s32 s5, $0x0;
	s5 =	sld [smem:$0x3F29]  }
0x2b: {  	s6 =	sld [smem:$0x3F2A]  }
0x2c: {  	s7 =	sld [smem:$0x3F2B]  }
0x2d: {  	s3 =	simm.s32 $0x108;
	s8 =	sld [smem:$0x3F2C]  }
0x2e: {  	s3 =	simm.s32 @!p0 $0x1082;
	s9 =	sld [smem:$0x3F2D]  }
0x2f: {  	lr =	sadd.s32 s0, s3;
	s0 =	sld [smem:$0x3F24]  }
0x30: {  	s3 =	sld [smem:$0x3F27]  }
0x31: {  	[smem:$0x3F30] =	sst s10  }
0x32: {  	s10 =	sld [smem:$0x3F2E];
	_ =	sdelay $0x3  }
0x33: {  	p0 =	seq.s32 s10, $0x1;
	s10 =	sld [smem:$0x3F30];
	_ =	sdelay $0x3  }
0x34: {  	[smem:$0x3F30] =	sst s10  }
0x35: {  	s10 =	sld [smem:$0x3F2F];
	_ =	sdelay $0x3  }
0x36: {  	p1 =	seq.s32 s10, $0x1;
	s10 =	sld [smem:$0x3F30];
	_ =	sdelay $0x3  }
0x37: {  	[smem:$0x3F30] =	sst s10  }
0x38: {  	s10 =	sld [smem:$0x3F31]  }
0x39: {  	_ = 	snop;
	(pc) =	sbr.ind lr, $3  }
0x3a: {  	_ = 	snop  }
0x3b: {  	_ = 	snop  }
0x3c: {  	p2 =	seq.s32 s10, $0x1;
	s10 =	sld [smem:$0x3F30]  }
0x3d: {  	_ =	shalt  }
0x3e: {  	_ =	shalt  }
0x3f: {  	_ =	shalt  }
0x40: {  	_ =	shalt  }
0x41: {  	_ =	shalt  }
0x42: {  	_ =	shalt  }
0x43: {  	_ =	shalt  }
0x44: {  	_ =	shalt  }
0x45: {  	_ =	shalt  }
0x46: {  	_ =	shalt  }
0x47: {  	_ =	shalt  }
0x48: {  	_ =	shalt  }
0x49: {  	_ =	shalt  }
0x4a: {  	_ =	shalt  }
0x4b: {  	_ =	shalt  }
0x4c: {  	_ =	shalt  }
0x4d: {  	_ =	shalt  }
0x4e: {  	_ =	shalt  }
0x4f: {  	_ =	shalt  }
0x50: {  	_ =	shalt  }
0x51: {  	_ =	shalt  }
0x52: {  	_ =	shalt  }
0x53: {  	_ =	shalt  }
0x54: {  	_ =	shalt  }
0x55: {  	_ =	shalt  }
0x56: {  	_ =	shalt  }
0x57: {  	_ =	shalt  }
0x58: {  	_ =	shalt  }
0x59: {  	_ =	shalt  }
0x5a: {  	_ =	shalt  }
0x5b: {  	_ =	shalt  }
0x5c: {  	_ =	shalt  }
0x5d: {  	_ =	shalt  }
0x5e: {  	_ =	shalt  }
0x5f: {  	_ =	shalt  }
0x60: {  	_ =	shalt  }
0x61: {  	_ =	shalt  }
0x62: {  	_ =	shalt  }
0x63: {  	_ =	shalt  }
0x64: {  	_ =	shalt  }
0x65: {  	_ =	shalt  }
0x66: {  	_ =	shalt  }
0x67: {  	_ =	shalt  }
0x68: {  	_ =	shalt  }
0x69: {  	_ =	shalt  }
0x6a: {  	_ =	shalt  }
0x6b: {  	_ =	shalt  }
0x6c: {  	_ =	shalt  }
0x6d: {  	_ =	shalt  }
0x6e: {  	_ =	shalt  }
0x6f: {  	_ =	shalt  }
0x70: {  	_ =	shalt  }
0x71: {  	_ =	shalt  }
0x72: {  	_ =	shalt  }
0x73: {  	_ =	shalt  }
0x74: {  	_ =	shalt  }
0x75: {  	_ =	shalt  }
0x76: {  	_ =	shalt  }
0x77: {  	_ =	shalt  }
0x78: {  	_ =	shalt  }
0x79: {  	_ =	shalt  }
0x7a: {  	_ =	shalt  }
0x7b: {  	_ =	shalt  }
0x7c: {  	_ =	shalt  }
0x7d: {  	_ =	shalt  }
0x7e: {  	_ =	shalt  }
0x7f: {  	_ =	shalt  }
0x80: {  	_ =	shalt  }
0x81: {  	_ =	shalt  }
0x82: {  	_ =	shalt  }
0x83: {  	_ =	shalt  }
0x84: {  	_ =	shalt  }
0x85: {  	_ =	shalt  }
0x86: {  	_ =	shalt  }
0x87: {  	_ =	shalt  }
.Lfunc_end0:
.L_simem_size_0:
called_computation.12_lowered:
.L_overlay_start_0:
0x88: {  	s2 =	sld [smem:$0x3FD9]  }
0x89: {  	s3 =	sld [smem:$0x3FFE];
	_ =	sdelay $0x1  }
0x8a: {  	s1 =	srdreg.scid  }
0x8b: {  	s0 =	sand.u32 $0x1, s1  }
0x8c: {  	s16 =	sshll.u32 s0, $0xA;
	s2 =	sadd.s32 s3, s2  }
0x8d: {  	s2 =	sadd.s32 s2, s16  }
0x8e: {  	[smem:$0x3F3C] =	sst s2  }
0x8f: {  	_ = 	snop  }
0x90: {  	(tm) =	ssettm $0x1  }
0x91: {  	s17 =	sld [smem:$0x3FFB];
	_ =	sdelay $0x3  }
0x92: {  	_ =	strace s17  }
0x93: {  	s2 =	sld [smem:$0x3FFC];
	_ =	sdelay $0x3  }
0x94: {  	_ =	strace s2  }
0x95: {  	s2 =	sld [smem:$0x3FFD];
	_ =	sdelay $0x3  }
0x96: {  	_ =	strace s2  }
0x97: {  	_ =	strace $0x8FFFFFFF  }
0x98: {  	s18 =	sld [smem:$0x3FDB];
	_ =	sdelay $0x1  }
0x99: {  	s19 =	simm.s32 $_scs_section_size  }
0x9a: {  	s4 =	simm.s32 $_size__tile_overlayer_lowered;
	s5 =	simm.s32 $_tile_overlayer_lowered  }
0x9b: {  	s22 =	simm.s32 $0x1BFF;
	s21 =	sshll.u32 s5, $0x1;
	s2 =	sadd.s32 s19, s18  }
0x9c: {  	s6 =	simm.s32 $0x0;
	s20 =	sshll.u32 s4, $0x1;
	s4 =	sadd.s32 s21, s2  }
0x9d: {  	[timem:s6], [sflag:s22] =	dma.local [hbm:s4], s20  }
0x9e: {  	_ =	swait.ge [sflag:s22], s20  }
0x9f: {  	s3 =	ssub.s32 $0x0, s20;
	[sflag:s22] =	ssyncset.done $0x0  }
0xa0: {  	[sflag:s22] =	ssyncadd.s32 s3;
	_ =	sdelay $0x1  }
0xa1: {  	s23 =	simm.s32 $0x1B8B  }
0xa2: {  	_ =	swait.ge [sflag:s23], $0x1  }
0xa3: {  	[sflag:s23] =	ssyncset.done $0x0  }
0xa4: {  	s25 =	simm.s32 $0x1B8E;
	s24 =	sld [smem:$0x3FFE];
	[sflag:s23] =	ssyncadd.s32 $0xFFFFFFFF  }
0xa5: {  	s26 =	simm.s32 $execute0_lowered;
	[smem:$0x3FD2] =	sst s25  }
0xa6: {  	s4 =	sshll.u32 s26, $0x1;
	_ =	strace $0x8000006A;
	[dreg:$0x1] =	wrdreg $0xFFFFFFFF  }
0xa7: {  	s28 =	simm.s32 $_size_execute0_lowered;
	s2 =	sadd.s32 s2, s4;
	[dreg:$0x0] =	wrdreg $0x0  }
0xa8: {  	s4 =	sshll.u32 s28, $0x1;
	[dreg:$0x2] =	wrdreg s2  }
0xa9: {  	[dreg:$0x3] =	wrdreg s4  }
0xaa: {  	[dreg:$0x4] =	wrdreg $0xC0  }
0xab: {  	_ =	task [dreg:s6], $0x5FFFF  }
0xac: {  	[dreg:$0x1] =	wrdreg $0xFFFFFFFF  }
0xad: {  	[dreg:$0x0] =	wrdreg $0x60  }
0xae: {  	[dreg:$0x2] =	wrdreg s24  }
0xaf: {  	[dreg:$0x3] =	wrdreg $0x9  }
0xb0: {  	_ =	task.clear_ibuf [dreg:s6], $0x4FFFF;
	_ =	strace $0x9000006A  }
0xb1: {  	s29 =	simm.s32 $0x9;
	_ =	strace $0x8000006C  }
0xb2: {  	_ =	swait.ge [sflag:s29], $0x1  }
0xb3: {  	[sflag:s29] =	ssyncadd.s32 $0xFFFFFFFF  }
0xb4: {  	_ =	strace $0x9000006C  }
0xb5: {  	_ =	sfence  }
0xb6: {  	s30 =	sld [smem:$0x0];
	_ =	sdelay $0x2  }
0xb7: {  	s31 =	sshll.u32 s1, $0xD;
	s1 =	sshrl.u32 s1, $0x2  }
0xb8: {  	s3 =	sand.u32 $0x4000, s31;
	s1 =	sadd.s32 s1, s30  }
0xb9: {  	s0 =	sor.u32 s3, s0;
	s1 =	sshll.u32 s1, $0x11  }
0xba: {  	s0 =	sor.u32 s1, s0  }
0xbb: {  	s0 =	sadd.s32 $0x8F2B, s0  }
0xbc: {  	[sflag:s0] =	ssyncadd.remote.s32 $0x1  }
0xbd: {  	_ =	sfence.sel $0xFFFF  }
0xbe: {  	[dreg:$0x0] =	wrdreg $0xFFFFFFFF;
	(pc) =	sbr.abs _section_cstart, $3  }
0xbf: {  	[dreg:$0x1] =	wrdreg $0xFFFFFFFF  }
0xc0: {  	_ =	task.clear_ibuf [dreg:s6], $0x2FFFF;
	_ =	strace $0x9FFFFFFF  }
0xc1: {  	(tm) =	ssettm $0x7FFFFFFF  }
tec
execute0_lowered:
.L_overlay_start_1:
0x0: {  	(tag) =	ssettag $0x1  }
0x1: {  	s7 =	rddreg [dreg:$0x0]  }
0x2: {  	s0 =	rddreg [dreg:$0x1];
	_ =	strace $0x8000006B  }
0x3: {  	s1 =	srdreg.scid;
	s4 =	simm.s32 $0x1;
	s9 =	simm.s32 $0x3  }
0x4: {  	s11 =	simm.s32 $0x0;
	p0 =	por $0x0, $0x0;
	s5 =	sshll.u32 s1, $0x4  }
.Ltmp0:
0x5: {  	s1 =	stileid.u32;
	s5 =	sand.u32 $0x10, s5;
	(pc) =	sbr.rel .LBB2_1-.Ltmp0, $4  }
0x6: {  	s2 =	sadd.s32 $0x125400, s7;
	s3 =	sadd.s32 $0x10D400, s7;
	s6 =	sor.u32 s1, s5  }
0x7: {  	[sflag:s4] =	ssyncpa.u1 $0x0;
	s5 =	simm.s32 $0x2;
	s6 =	sshll.u32 s6, $0xA  }
0x8: {  	s7 =	sadd.s32 $0x40000, s7;
	[sflag:s5] =	ssyncpa.u1 $0x0;
	s8 =	sadd.s32 $0x400, s6  }
0x9: {  	vm0 =	vmmov $0xff;
	vm1 =	vcmask $0x3F20;
	[sflag:s9] =	ssyncpa.u1 $0x0;
	s10 =	smov.u32 s6;
	s9 =	simm.s32 $0x0  }
.LBB2_7:
0xa: {  	p1 =	slt.u32 s9, $0x2;
	s11 =	sadd.s32 $0x100, s10  }
0xb: {  	s13 =	smov.u32 s6;
	s9 =	sadd.s32 $0x1, s9;
	p2 =	slt.s32 s11, s8  }
0xc: {  	s13 =	smov.u32 @p2 s11;
	p2 =	sne.s32 s9, $0x6  }
.Ltmp1:
0xd: {  	_ = 	snop;
	(pc) =	sbr.rel @!p2 .LBB2_8-.Ltmp1, $4  }
0xe: {  	s12 =	simm.s32 @!p1 $0x3  }
0xf: {  	_ =	swait.ge @!p1 [sflag:s12], $0x8000  }
0x10: {  	p0 =	por !p0, !p0;
	[sflag:s12] =	ssyncset.done @!p1 $0x0  }
0x11: {  	s11 =	smov.u32 s10;
	s10 =	smov.u32 s13;
	[sflag:s12] =	ssyncadd.s32 @!p1 $0xFFFF8000  }
.LBB2_1:
0x12: {  	p1 =	sgt.u32 s9, $0x3  }
0x13: {  	s12 =	sxor.u32 @!p1 $0xFFFFFFFF, s9  }
0x14: {  	s13 =	sshrl.u32 @!p1 s10, $0x3;
	s12 =	sshll.u32 @!p1 s12, $0x8  }
0x15: {  	s14 =	sand.u32 @!p1 $0x7, s10;
	s13 =	sadd.s32 @!p1 s3, s13;
	s12 =	sand.u32 @!p1 $0x100, s12  }
0x16: {  	[tilespmem:s12], [sflag:$0x2] =	stream.linear.gather @!p1 [hbm4b:s13+s14], $0x100, $0x38;
	[tilespmem:$0x10200] =	vst v63  }
0x17: {  	p1 =	seq.s32 s9, $0x0  }
0x18: {  	p2 =	seq.s32 @!p1 s9, $0x5  }
0x19: {  	p1 =	por p1, p2  }
.Ltmp2:
0x1a: {  	_ = 	snop;
	(pc) =	sbr.rel @p1 .LBB2_7-.Ltmp2, $1  }
0x1b: {  	_ =	sdelay $0x3  }
0x1c: {  	s12 =	simm.s32 $0x1  }
0x1d: {  	_ =	swait.ge [sflag:s5], $0x100;
	s12 =	simm.s32 @!p0 $0x0  }
0x1e: {  	[sflag:s5] =	ssyncset.done $0x0;
	s14 =	sshll.u32 s12, $0x8  }
0x1f: {  	[sflag:s5] =	ssyncadd.s32 $0xFFFFFF00;
	s13 =	sadd.s32 $0x0, s14  }
0x20: {  	v0 =	vld.msk [tilespmem:s13+$0x0 ss:$0x1], $0xffff;
	_ =	sdelay $0x4  }
0x21: {  	v1 =	vshll.u32 v0, $0x3  }
0x22: {  	vm2 =	veq.s32 v0, $0x80000000;
	v0 =	vshll.u32 v0, $0x12;
	v1 =	vand.u32 $0x3FF80, v1  }
0x23: {  	v0 =	vand.u32 $0x3C0000, v0;
	v1 =	vsel vm2, $0xFFFFFF80, v1  }
0x24: {  	v0 =	vsel vm2, $0xFFFC0000, v0;
	v2 =	vand.u32 $0xFFFFFC00, v1  }
0x25: {  	v1 =	vand.u32 $0x380, v1;
	v0 =	vadd.s32 v0, v2  }
0x26: {  	v0 =	vor.u32 v1, v0  }
0x27: {  	v0 =	vshrl.u32 v0, $0x3;
	_ =	sdelay $0x2  }
0x28: {  	s12 =	sshll.u32 s12, $0xF  }
0x29: {  	s12 =	sor.u32 $0x200, s12  }
0x2a: {  	[tilespmem:s12], [sflag:$0x1] =	stream.indirect_vreg.gather [hbm:s2], $0x80, v0, vm0, $0x38;
	[tilespmem:$0x10200] =	vst v63  }
0x2b: {  	s15 =	sadd.s32 $0x10, s14;
	s13 =	sadd.s32 $0x400, s12  }
0x2c: {  	[tilespmem:s13], [sflag:$0x1] =	stream.indirect_vreg.gather [hbm:s2], $0x80, v0, vm1, $0x38;
	[tilespmem:$0x10200] =	vst v63  }
0x2d: {  	s16 =	simm.s32 $0x80;
	v0 =	vld.msk [tilespmem:s15+$0x0 ss:$0x1], $0xffff;
	s15 =	smov.u32 s12  }
.LBB2_3:
0x2e: {  	p1 =	sne.s32 s16, $0x3C0;
	_ =	sdelay $0x4  }
0x2f: {  	v1 =	vshll.u32 v0, $0x3  }
0x30: {  	vm2 =	veq.s32 v0, $0x80000000;
	v0 =	vshll.u32 v0, $0x12;
	v1 =	vand.u32 $0x3FF80, v1  }
0x31: {  	v0 =	vand.u32 $0x3C0000, v0;
	v1 =	vsel vm2, $0xFFFFFF80, v1  }
0x32: {  	v0 =	vsel vm2, $0xFFFC0000, v0;
	v2 =	vand.u32 $0xFFFFFC00, v1  }
0x33: {  	v1 =	vand.u32 $0x380, v1;
	v0 =	vadd.s32 v0, v2  }
0x34: {  	v0 =	vor.u32 v1, v0  }
0x35: {  	v0 =	vshrl.u32 v0, $0x3;
	_ =	sdelay $0x3  }
.Ltmp3:
0x36: {  	s17 =	sshra.s32 s16, $0x2;
	s15 =	sadd.s32 $0x800, s15;
	(pc) =	sbr.rel @p1 .LBB2_3-.Ltmp3, $4  }
0x37: {  	[tilespmem:s15], [sflag:$0x1] =	stream.indirect_vreg.gather [hbm:s2], $0x80, v0, vm0, $0x38;
	[tilespmem:$0x10200] =	vst v63  }
0x38: {  	s17 =	sadd.s32 s17, s14;
	s18 =	sadd.s32 $0x400, s15  }
0x39: {  	[tilespmem:s18], [sflag:$0x1] =	stream.indirect_vreg.gather [hbm:s2], $0x80, v0, vm1, $0x38;
	[tilespmem:$0x10200] =	vst v63  }
0x3a: {  	s16 =	sadd.s32 $0x40, s16;
	v0 =	vld.msk [tilespmem:s17+$0x0 ss:$0x1], $0xffff  }
0x3b: {  	_ =	sdelay $0x3  }
0x3c: {  	v1 =	vshll.u32 v0, $0x3  }
0x3d: {  	vm2 =	veq.s32 v0, $0x80000000;
	v63 =	vshll.u32 v0, $0x12;
	v1 =	vand.u32 $0x3FF80, v1  }
0x3e: {  	v0 =	vand.u32 $0x3C0000, v63;
	v1 =	vsel vm2, $0xFFFFFF80, v1  }
0x3f: {  	v0 =	vsel vm2, $0xFFFC0000, v0;
	v2 =	vand.u32 $0xFFFFFC00, v1  }
0x40: {  	v1 =	vand.u32 $0x380, v1;
	v0 =	vadd.s32 v0, v2  }
0x41: {  	v0 =	vor.u32 v1, v0  }
0x42: {  	v0 =	vshrl.u32 v0, $0x3;
	_ =	sdelay $0x3  }
0x43: {  	s14 =	sadd.s32 $0x800, s15  }
0x44: {  	[tilespmem:s14], [sflag:$0x1] =	stream.indirect_vreg.gather [hbm:s2], $0x80, v0, vm0, $0x38;
	[tilespmem:$0x10200] =	vst v63  }
0x45: {  	s14 =	sadd.s32 $0x400, s14  }
0x46: {  	[tilespmem:s14], [sflag:$0x1] =	stream.indirect_vreg.gather [hbm:s2], $0x80, v0, vm1, $0x38;
	[tilespmem:$0x10200] =	vst v63  }
0x47: {  	s11 =	sshll.u32 s11, $0x4;
	_ =	swait.ge [sflag:s4], $0x8000  }
0x48: {  	s11 =	sadd.s32 s11, s7;
	[sflag:s4] =	ssyncset.done $0x0  }
0x49: {  	s15 =	sadd.s32 $0x0, s11;
	s14 =	simm.s32 $0x80;
	[sflag:s4] =	ssyncadd.s32 $0xFFFF8000  }
.LBB2_5:
0x4a: {  	[hbm:s15] =	stream.linear.scatter [tilespmem:s12], [sflag:$0x3], $0x400, $0x38;
	[tilespmem:$0x10200] =	vst v63  }
0x4b: {  	s15 =	smov.u32 s14;
	s12 =	smov.u32 s13;
	p1 =	sne.s32 s14, $0xF80  }
.Ltmp4:
0x4c: {  	s14 =	sadd.s32 $0x80, s14;
	(pc) =	sbr.rel @p1 .LBB2_5-.Ltmp4, $2  }
0x4d: {  	_ =	sdelay $0x2  }
0x4e: {  	s13 =	sadd.s32 $0x400, s13;
	s15 =	sadd.s32 s15, s11  }
.Ltmp5:
0x4f: {  	(pc) =	sbr.rel .LBB2_7-.Ltmp5, $2  }
0x50: {  	_ =	sdelay $0x2  }
0x51: {  	[hbm:s15] =	stream.linear.scatter [tilespmem:s12], [sflag:$0x3], $0x400, $0x38;
	[tilespmem:$0x10200] =	vst v63  }
.LBB2_8:
0x52: {  	_ =	sfence.sel $0x180000  }
0x53: {  	s2 =	simm.s32 $0x2;
	[bflag:$0x0] =	sbarrier.arrive $0xFFFF  }
0x54: {  	s30 =	simm.s32 $0x3;
	[sflag:s2] =	ssyncpa.u1 $0x1  }
0x55: {  	s31 =	simm.s32 $0x1;
	[sflag:s30] =	ssyncpa.u1 $0x1  }
0x56: {  	[sflag:s31] =	ssyncpa.u1 $0x1  }
0x57: {  	p0 =	sne.s32 s1, $0x0;
	_ =	strace $0x9000006B  }
0x58: {  	s0 =	sadd.s32 @!p0 $0x100000, s0;
	[bflag:$0x2] =	sbarrier.arrive $0xFFFF  }
0x59: {  	[sflag:s0] =	ssyncadd.tile.s32 @!p0 $0x1;
	_ =	shalt  }
.Lfunc_end2:
_tile_overlayer_lowered:
.L_overlay_start_2:
0x5a: {  	(tag) =	ssettag $0x2  }
0x5b: {  	s0 =	rddreg [dreg:$0x0];
	s2 =	stileid.u32  }
0x5c: {  	s1 =	rddreg [dreg:$0x1];
	p0 =	sne.s32 s2, $0x0  }
0x5d: {  	s3 =	rddreg [dreg:$0x2];
	[bflag:$0x3] =	sbarrier.arrive $0xFFFF;
	s2 =	simm.s32 @!p0 $0x1C01  }
0x5e: {  	[timem:s3], [sflag:s2] =	dma.local @!p0 [hbm:s0], s1  }
0x5f: {  	s0 =	simm.s32 @!p0 $0x1  }
0x60: {  	_ =	swait.ge @!p0 [sflag:s0], s1  }
0x61: {  	s1 =	ssub.s32 @!p0 $0x0, s1;
	[sflag:s0] =	ssyncset.done @!p0 $0x0  }
0x62: {  	[sflag:s0] =	ssyncadd.s32 @!p0 s1  }
0x63: {  	[bflag:$0x3] =	sbarrier.arrive $0xFFFF  }
0x64: {  	_ =	shalt  }

// kernel: gather_offload_async_start.1
scs
__scs_entry_jumppad:
0x0: {  	(pc) =	sbr.rel $0x88, $3  }
0x1: {  	(tag) =	ssettag $0x0;
	lr =	simm.s32 $0x1  }
0x2: {  	[smem:$0x3F15] =	sst lr;
	_ =	strace $0xD0000000  }
0x3: {  	_ = 	snop  }
0x4: {  	_ = 	snop  }
0x5: {  	_ = 	snop  }
0x6: {  	_ = 	snop  }
0x7: {  	_ = 	snop  }
__scs_overlays_trampoline_lowered:
0x8: {  	[smem:$0x3F24] =	sst s0  }
0x9: {  	[smem:$0x3F25] =	sst s1  }
0xa: {  	[smem:$0x3F26] =	sst s2  }
0xb: {  	[smem:$0x3F27] =	sst s3  }
0xc: {  	[smem:$0x3F28] =	sst s4  }
0xd: {  	[smem:$0x3F29] =	sst s5  }
0xe: {  	[smem:$0x3F2A] =	sst s6  }
0xf: {  	[smem:$0x3F2B] =	sst s7  }
0x10: {  	[smem:$0x3F2C] =	sst s8  }
0x11: {  	[smem:$0x3F2D] =	sst s9;
	s0 =	simm.s32 @!p0 $0x0  }
0x12: {  	s1 =	sld [smem:$0x3F13];
	s0 =	simm.s32 @p0 $0x1  }
0x13: {  	[smem:$0x3F2E] =	sst s0;
	s0 =	simm.s32 @!p1 $0x0  }
0x14: {  	s2 =	sld [smem:$0x3F12];
	s0 =	simm.s32 @p1 $0x1  }
0x15: {  	[smem:$0x3F2F] =	sst s0;
	s0 =	simm.s32 @!p2 $0x0  }
0x16: {  	s3 =	sld [smem:$0x3FDB];
	s0 =	simm.s32 @p2 $0x1  }
0x17: {  	s4 =	simm.s32 $0x1BF5;
	[smem:$0x3F31] =	sst s0  }
0x18: {  	s0 =	sld [smem:$0x3F14];
	_ =	swait.ge [sflag:s4], $0x0  }
0x19: {  	s7 =	sld [smem:$0x3F15]  }
0x1a: {  	s8 =	sadd.s32 $0xFFFFE003, lr  }
0x1b: {  	s9 =	sadd.s32 $0xFFFFFEF7, lr;
	s5 =	simm.s32 $0xFFFFFFFF;
	p2 =	slt.u32 s8, $0xFFFFF086  }
0x1c: {  	p1 =	slt.u32 s9, $0xF7A;
	s5 =	simm.s32 @!p2 $0x0  }
0x1d: {  	s5 =	simm.s32 @p1 $0x1;
	p0 =	seq.s32 s7, s2  }
0x1e: {  	s7 =	smul.u32 @!p0 $0xF7A, s2;
	p2 =	seq.s32 @!p0 s5, $0x0  }
0x1f: {  	s9 =	smul.u32 $0xF7A, s1;
	s8 =	simm.s32 @!p0 $0x1BF5;
	p2 =	por !p2, p0  }
0x20: {  	[sflag:s8] =	ssyncset.s32 @!p0 $0xFFFFF086;
	s6 =	sadd.s32 @!p0 s3, s7;
	s7 =	simm.s32 @!p0 $0x108  }
0x21: {  	s3 =	sadd.s32 s3, s9;
	s6 =	sadd.s32 @!p0 $0x88, s6;
	s7 =	simm.s32 @p2 $0x1082  }
0x22: {  	[simem:s7], [sflag:s8] =	dma.local @!p0 [hbm:s6], $0xF7A  }
0x23: {  	s9 =	sor.u32 $0xD0000000, s2;
	s6 =	simm.s32 $0x108;
	_ =	swait.ge @!p0 [sflag:s8], $0x0  }
0x24: {  	s3 =	sadd.s32 $0x88, s3;
	s6 =	simm.s32 @!p1 $0x1082;
	[sflag:s4] =	ssyncset.s32 $0xFFFFF086  }
0x25: {  	[simem:s6], [sflag:s4] =	dma.local [hbm:s3], $0xF7A  }
0x26: {  	[smem:$0x3F15] =	sst s1;
	(tag) =	ssettag s2;
	_ =	strace s9  }
0x27: {  	s1 =	sld [smem:$0x3F25]  }
0x28: {  	s2 =	sld [smem:$0x3F26]  }
0x29: {  	s4 =	sld [smem:$0x3F28]  }
0x2a: {  	p0 =	seq.s32 s5, $0x0;
	s5 =	sld [smem:$0x3F29]  }
0x2b: {  	s6 =	sld [smem:$0x3F2A]  }
0x2c: {  	s7 =	sld [smem:$0x3F2B]  }
0x2d: {  	s3 =	simm.s32 $0x108;
	s8 =	sld [smem:$0x3F2C]  }
0x2e: {  	s3 =	simm.s32 @!p0 $0x1082;
	s9 =	sld [smem:$0x3F2D]  }
0x2f: {  	lr =	sadd.s32 s0, s3;
	s0 =	sld [smem:$0x3F24]  }
0x30: {  	s3 =	sld [smem:$0x3F27]  }
0x31: {  	[smem:$0x3F30] =	sst s10  }
0x32: {  	s10 =	sld [smem:$0x3F2E];
	_ =	sdelay $0x3  }
0x33: {  	p0 =	seq.s32 s10, $0x1;
	s10 =	sld [smem:$0x3F30];
	_ =	sdelay $0x3  }
0x34: {  	[smem:$0x3F30] =	sst s10  }
0x35: {  	s10 =	sld [smem:$0x3F2F];
	_ =	sdelay $0x3  }
0x36: {  	p1 =	seq.s32 s10, $0x1;
	s10 =	sld [smem:$0x3F30];
	_ =	sdelay $0x3  }
0x37: {  	[smem:$0x3F30] =	sst s10  }
0x38: {  	s10 =	sld [smem:$0x3F31]  }
0x39: {  	_ = 	snop;
	(pc) =	sbr.ind lr, $3  }
0x3a: {  	_ = 	snop  }
0x3b: {  	_ = 	snop  }
0x3c: {  	p2 =	seq.s32 s10, $0x1;
	s10 =	sld [smem:$0x3F30]  }
0x3d: {  	_ =	shalt  }
0x3e: {  	_ =	shalt  }
0x3f: {  	_ =	shalt  }
0x40: {  	_ =	shalt  }
0x41: {  	_ =	shalt  }
0x42: {  	_ =	shalt  }
0x43: {  	_ =	shalt  }
0x44: {  	_ =	shalt  }
0x45: {  	_ =	shalt  }
0x46: {  	_ =	shalt  }
0x47: {  	_ =	shalt  }
0x48: {  	_ =	shalt  }
0x49: {  	_ =	shalt  }
0x4a: {  	_ =	shalt  }
0x4b: {  	_ =	shalt  }
0x4c: {  	_ =	shalt  }
0x4d: {  	_ =	shalt  }
0x4e: {  	_ =	shalt  }
0x4f: {  	_ =	shalt  }
0x50: {  	_ =	shalt  }
0x51: {  	_ =	shalt  }
0x52: {  	_ =	shalt  }
0x53: {  	_ =	shalt  }
0x54: {  	_ =	shalt  }
0x55: {  	_ =	shalt  }
0x56: {  	_ =	shalt  }
0x57: {  	_ =	shalt  }
0x58: {  	_ =	shalt  }
0x59: {  	_ =	shalt  }
0x5a: {  	_ =	shalt  }
0x5b: {  	_ =	shalt  }
0x5c: {  	_ =	shalt  }
0x5d: {  	_ =	shalt  }
0x5e: {  	_ =	shalt  }
0x5f: {  	_ =	shalt  }
0x60: {  	_ =	shalt  }
0x61: {  	_ =	shalt  }
0x62: {  	_ =	shalt  }
0x63: {  	_ =	shalt  }
0x64: {  	_ =	shalt  }
0x65: {  	_ =	shalt  }
0x66: {  	_ =	shalt  }
0x67: {  	_ =	shalt  }
0x68: {  	_ =	shalt  }
0x69: {  	_ =	shalt  }
0x6a: {  	_ =	shalt  }
0x6b: {  	_ =	shalt  }
0x6c: {  	_ =	shalt  }
0x6d: {  	_ =	shalt  }
0x6e: {  	_ =	shalt  }
0x6f: {  	_ =	shalt  }
0x70: {  	_ =	shalt  }
0x71: {  	_ =	shalt  }
0x72: {  	_ =	shalt  }
0x73: {  	_ =	shalt  }
0x74: {  	_ =	shalt  }
0x75: {  	_ =	shalt  }
0x76: {  	_ =	shalt  }
0x77: {  	_ =	shalt  }
0x78: {  	_ =	shalt  }
0x79: {  	_ =	shalt  }
0x7a: {  	_ =	shalt  }
0x7b: {  	_ =	shalt  }
0x7c: {  	_ =	shalt  }
0x7d: {  	_ =	shalt  }
0x7e: {  	_ =	shalt  }
0x7f: {  	_ =	shalt  }
0x80: {  	_ =	shalt  }
0x81: {  	_ =	shalt  }
0x82: {  	_ =	shalt  }
0x83: {  	_ =	shalt  }
0x84: {  	_ =	shalt  }
0x85: {  	_ =	shalt  }
0x86: {  	_ =	shalt  }
0x87: {  	_ =	shalt  }
.Lfunc_end0:
.L_simem_size_0:
called_computation.2_lowered:
.L_overlay_start_0:
0x88: {  	s2 =	sld [smem:$0x3FD9]  }
0x89: {  	s3 =	sld [smem:$0x3FFE];
	_ =	sdelay $0x1  }
0x8a: {  	s1 =	srdreg.scid  }
0x8b: {  	s0 =	sand.u32 $0x1, s1  }
0x8c: {  	s17 =	sshll.u32 s0, $0xA;
	s2 =	sadd.s32 s3, s2  }
0x8d: {  	s2 =	sadd.s32 s2, s17  }
0x8e: {  	[smem:$0x3F3C] =	sst s2  }
0x8f: {  	_ = 	snop  }
0x90: {  	s2 =	sld [smem:$0x3FD0];
	(tm) =	ssettm $0x1  }
0x91: {  	s18 =	sld [smem:$0x3FFB];
	_ =	sdelay $0x3  }
0x92: {  	_ =	strace s18  }
0x93: {  	s3 =	sld [smem:$0x3FFC];
	_ =	sdelay $0x3  }
0x94: {  	_ =	strace s3  }
0x95: {  	s3 =	sld [smem:$0x3FFD];
	_ =	sdelay $0x3  }
0x96: {  	_ =	strace s3  }
0x97: {  	_ =	strace $0x8FFFFFFF  }
0x98: {  	s19 =	sld [smem:$0x3FDB];
	_ =	sdelay $0x1  }
0x99: {  	s4 =	simm.s32 $_scs_section_size  }
0x9a: {  	s5 =	simm.s32 $_size__tile_overlayer_lowered;
	s6 =	simm.s32 $_tile_overlayer_lowered  }
0x9b: {  	s22 =	simm.s32 $0x1BFF;
	s21 =	sshll.u32 s6, $0x1;
	s3 =	sadd.s32 s4, s19  }
0x9c: {  	s7 =	simm.s32 $0x0;
	s20 =	sshll.u32 s5, $0x1;
	s5 =	sadd.s32 s21, s3  }
0x9d: {  	[timem:s7], [sflag:s22] =	dma.local [hbm:s5], s20  }
0x9e: {  	_ =	swait.ge [sflag:s22], s20  }
0x9f: {  	s4 =	ssub.s32 $0x0, s20;
	[sflag:s22] =	ssyncset.done $0x0  }
0xa0: {  	[sflag:s22] =	ssyncadd.s32 s4;
	_ =	sdelay $0x1  }
0xa1: {  	s23 =	simm.s32 $0x1B8B  }
0xa2: {  	_ =	swait.ge [sflag:s23], $0x1  }
0xa3: {  	[sflag:s23] =	ssyncset.done $0x0  }
0xa4: {  	s25 =	simm.s32 $0x1B8E;
	s24 =	sld [smem:$0x3FFE];
	[sflag:s23] =	ssyncadd.s32 $0xFFFFFFFF  }
0xa5: {  	s26 =	simm.s32 $execute0_lowered;
	[smem:$0x3FD2] =	sst s25  }
0xa6: {  	s5 =	sshll.u32 s26, $0x1;
	_ =	strace $0x8000004F;
	[dreg:$0x1] =	wrdreg $0xFFFFFFFF  }
0xa7: {  	s28 =	simm.s32 $_size_execute0_lowered;
	s3 =	sadd.s32 s3, s5;
	[dreg:$0x0] =	wrdreg $0x0  }
0xa8: {  	s5 =	sshll.u32 s28, $0x1;
	[dreg:$0x2] =	wrdreg s3  }
0xa9: {  	[dreg:$0x3] =	wrdreg s5  }
0xaa: {  	[dreg:$0x4] =	wrdreg $0xC0  }
0xab: {  	_ =	task [dreg:s7], $0x5FFFF  }
0xac: {  	[dreg:$0x1] =	wrdreg $0xFFFFFFFF  }
0xad: {  	[dreg:$0x0] =	wrdreg $0x60  }
0xae: {  	[dreg:$0x2] =	wrdreg s2  }
0xaf: {  	[dreg:$0x3] =	wrdreg s24  }
0xb0: {  	[dreg:$0x4] =	wrdreg $0x9  }
0xb1: {  	_ =	task.clear_ibuf [dreg:s7], $0x5FFFF;
	_ =	strace $0x9000004F  }
0xb2: {  	s29 =	simm.s32 $0x9;
	_ =	strace $0x80000051  }
0xb3: {  	_ =	swait.ge [sflag:s29], $0x1  }
0xb4: {  	[sflag:s29] =	ssyncadd.s32 $0xFFFFFFFF  }
0xb5: {  	_ =	strace $0x90000051  }
0xb6: {  	_ =	sfence  }
0xb7: {  	s30 =	sld [smem:$0x0];
	_ =	sdelay $0x2  }
0xb8: {  	s31 =	sshll.u32 s1, $0xD;
	s1 =	sshrl.u32 s1, $0x2  }
0xb9: {  	s3 =	sand.u32 $0x4000, s31;
	s1 =	sadd.s32 s1, s30  }
0xba: {  	s0 =	sor.u32 s3, s0;
	s1 =	sshll.u32 s1, $0x11  }
0xbb: {  	s0 =	sor.u32 s1, s0  }
0xbc: {  	s0 =	sadd.s32 $0x8F2B, s0  }
0xbd: {  	[sflag:s0] =	ssyncadd.remote.s32 $0x1  }
0xbe: {  	_ =	sfence.sel $0xFFFF  }
0xbf: {  	[dreg:$0x0] =	wrdreg $0xFFFFFFFF;
	(pc) =	sbr.abs _section_cstart, $3  }
0xc0: {  	[dreg:$0x1] =	wrdreg $0xFFFFFFFF  }
0xc1: {  	_ =	task.clear_ibuf [dreg:s7], $0x2FFFF;
	_ =	strace $0x9FFFFFFF  }
0xc2: {  	(tm) =	ssettm $0x7FFFFFFF  }
0xc3: {  	_ =	shalt  }
tec
execute0_lowered:
.L_overlay_start_1:
0x0: {  	(tag) =	ssettag $0x1  }
0x1: {  	s2 =	rddreg [dreg:$0x0]  }
0x2: {  	s7 =	rddreg [dreg:$0x1]  }
0x3: {  	s0 =	rddreg [dreg:$0x2]  }
0x4: {  	s1 =	srdreg.scid;
	_ =	strace $0x80000050;
	s4 =	simm.s32 $0x1  }
0x5: {  	s9 =	simm.s32 $0x3;
	s12 =	simm.s32 $0x0;
	s5 =	sshll.u32 s1, $0x4  }
.Ltmp0:
0x6: {  	s1 =	stileid.u32;
	s5 =	sand.u32 $0x10, s5;
	(pc) =	sbr.rel .LBB2_1-.Ltmp0, $4  }
0x7: {  	s10 =	simm.s32 $0x0;
	s3 =	sadd.s32 $0x101600, s7;
	s6 =	sor.u32 s1, s5  }
0x8: {  	[sflag:s4] =	ssyncpa.u1 $0x0;
	s5 =	simm.s32 $0x2;
	s6 =	sshll.u32 s6, $0x6  }
0x9: {  	s7 =	sadd.s32 $0x103400, s7;
	[sflag:s5] =	ssyncpa.u1 $0x0;
	s8 =	sadd.s32 $0x40, s6  }
0xa: {  	vm0 =	vmmov $0xff;
	vm1 =	vcmask $0x3F20;
	[sflag:s9] =	ssyncpa.u1 $0x0;
	s9 =	simm.s32 $0x40;
	s11 =	smov.u32 s6  }
.LBB2_9:
0xb: {  	p0 =	seq.s32 s10, $0x2  }
.Ltmp1:
0xc: {  	_ = 	snop;
	(pc) =	sbr.rel @p0 .LBB2_11-.Ltmp1, $1  }
0xd: {  	_ =	sdelay $0x3  }
.LBB2_10:
0xe: {  	s12 =	sadd.s32 $0x40, s11  }
0xf: {  	s13 =	smov.u32 s6;
	p0 =	slt.s32 s12, s8  }
0x10: {  	s13 =	smov.u32 @p0 s12  }
0x11: {  	s10 =	sadd.s32 $0x1, s10;
	s12 =	smov.u32 s11;
	s11 =	smov.u32 s13  }
.LBB2_1:
0x12: {  	p0 =	sne.s32 s10, $0x0  }
.Ltmp2:
0x13: {  	_ = 	snop;
	(pc) =	sbr.rel @!p0 .LBB2_2-.Ltmp2, $1  }
0x14: {  	_ =	sdelay $0x3  }
0x15: {  	s13 =	sand.u32 $0x1, s10  }
0x16: {  	p0 =	seq.s32 s13, $0x0  }
.Ltmp3:
0x17: {  	_ = 	snop;
	(pc) =	sbr.rel @p0 .LBB2_9-.Ltmp3, $1  }
0x18: {  	_ =	sdelay $0x3  }
0x19: {  	_ =	swait.ge [sflag:s5], $0x40  }
0x1a: {  	[sflag:s5] =	ssyncset.done $0x0  }
0x1b: {  	s13 =	simm.s32 $0x0;
	[sflag:s5] =	ssyncadd.s32 $0xFFFFFFC0  }
0x1c: {  	v0 =	vld.msk [tilespmem:s13+$0x40 ss:$0x1], $0xffff;
	_ =	sdelay $0x4  }
0x1d: {  	v1 =	vshll.u32 v0, $0x3  }
0x1e: {  	vm2 =	veq.s32 v0, $0x80000000;
	v0 =	vshll.u32 v0, $0x10;
	v1 =	vand.u32 $0xFF80, v1  }
0x1f: {  	v0 =	vand.u32 $0xF0000, v0;
	v1 =	vsel vm2, $0xFFFFFF80, v1  }
0x20: {  	v0 =	vsel vm2, $0xFFFF0000, v0;
	v2 =	vand.u32 $0xFFFFFC00, v1  }
0x21: {  	v1 =	vand.u32 $0x380, v1;
	v0 =	vadd.s32 v0, v2  }
0x22: {  	v0 =	vor.u32 v1, v0  }
0x23: {  	v0 =	vshrl.u32 v0, $0x3;
	_ =	sdelay $0x3  }
0x24: {  	s13 =	simm.s32 $0x2080  }
0x25: {  	[tilespmem:s13], [sflag:$0x1] =	stream.indirect_vreg.gather [hbm:s2], $0x80, v0, vm0, $0x38;
	[tilespmem:$0x4080] =	vst v63  }
0x26: {  	s14 =	simm.s32 $0x2480;
	s31 =	simm.s32 $0x10  }
0x27: {  	[tilespmem:s14], [sflag:$0x1] =	stream.indirect_vreg.gather [hbm:s2], $0x80, v0, vm1, $0x38;
	[tilespmem:$0x4080] =	vst v63  }
0x28: {  	s14 =	simm.s32 $0x80;
	v0 =	vld.msk [tilespmem:s31+$0x40 ss:$0x1], $0xffff  }
.LBB2_5:
0x29: {  	p0 =	sne.s32 s14, $0xC0;
	_ =	sdelay $0x4  }
0x2a: {  	v1 =	vshll.u32 v0, $0x3  }
0x2b: {  	vm2 =	veq.s32 v0, $0x80000000;
	v0 =	vshll.u32 v0, $0x10;
	v1 =	vand.u32 $0xFF80, v1  }
0x2c: {  	v0 =	vand.u32 $0xF0000, v0;
	v1 =	vsel vm2, $0xFFFFFF80, v1  }
0x2d: {  	v0 =	vsel vm2, $0xFFFF0000, v0;
	v2 =	vand.u32 $0xFFFFFC00, v1  }
0x2e: {  	v1 =	vand.u32 $0x380, v1;
	v0 =	vadd.s32 v0, v2  }
0x2f: {  	v0 =	vor.u32 v1, v0  }
0x30: {  	v0 =	vshrl.u32 v0, $0x3;
	_ =	sdelay $0x3  }
.Ltmp4:
0x31: {  	s13 =	sadd.s32 $0x800, s13;
	(pc) =	sbr.rel @p0 .LBB2_5-.Ltmp4, $4  }
0x32: {  	[tilespmem:s13], [sflag:$0x1] =	stream.indirect_vreg.gather [hbm:s2], $0x80, v0, vm0, $0x38;
	[tilespmem:$0x4080] =	vst v63  }
0x33: {  	s15 =	sshra.s32 s14, $0x2;
	s16 =	sadd.s32 $0x400, s13  }
0x34: {  	[tilespmem:s16], [sflag:$0x1] =	stream.indirect_vreg.gather [hbm:s2], $0x80, v0, vm1, $0x38;
	[tilespmem:$0x4080] =	vst v63  }
0x35: {  	s14 =	sadd.s32 $0x40, s14;
	v0 =	vld.msk [tilespmem:s15+$0x40 ss:$0x1], $0xffff  }
0x36: {  	_ =	sdelay $0x3  }
0x37: {  	v1 =	vshll.u32 v0, $0x3  }
0x38: {  	vm2 =	veq.s32 v0, $0x80000000;
	v63 =	vshll.u32 v0, $0x10;
	v1 =	vand.u32 $0xFF80, v1  }
0x39: {  	v0 =	vand.u32 $0xF0000, v63;
	v1 =	vsel vm2, $0xFFFFFF80, v1  }
0x3a: {  	v0 =	vsel vm2, $0xFFFF0000, v0;
	v2 =	vand.u32 $0xFFFFFC00, v1  }
0x3b: {  	v1 =	vand.u32 $0x380, v1;
	v0 =	vadd.s32 v0, v2  }
0x3c: {  	v0 =	vor.u32 v1, v0  }
0x3d: {  	v0 =	vshrl.u32 v0, $0x3;
	_ =	sdelay $0x3  }
0x3e: {  	s13 =	sadd.s32 $0x800, s13  }
0x3f: {  	[tilespmem:s13], [sflag:$0x1] =	stream.indirect_vreg.gather [hbm:s2], $0x80, v0, vm0, $0x38;
	[tilespmem:$0x4080] =	vst v63  }
0x40: {  	s13 =	sadd.s32 $0x400, s13  }
0x41: {  	[tilespmem:s13], [sflag:$0x1] =	stream.indirect_vreg.gather [hbm:s2], $0x80, v0, vm1, $0x38;
	[tilespmem:$0x4080] =	vst v63  }
0x42: {  	s12 =	sshll.u32 s12, $0x4;
	s14 =	simm.s32 $0x80;
	_ =	swait.ge [sflag:s4], $0x2000  }
0x43: {  	s15 =	simm.s32 $0x2480;
	s12 =	sadd.s32 s12, s7;
	[sflag:s4] =	ssyncset.done $0x0  }
0x44: {  	s16 =	sadd.s32 $0x0, s12;
	s13 =	simm.s32 $0x2080;
	[sflag:s4] =	ssyncadd.s32 $0xFFFFE000  }
.LBB2_7:
0x45: {  	[hbm:s16] =	stream.linear.scatter [tilespmem:s13], [sflag:$0x3], $0x400, $0x38;
	[tilespmem:$0x4080] =	vst v63  }
0x46: {  	s16 =	smov.u32 s14;
	s13 =	smov.u32 s15;
	p0 =	sne.s32 s14, $0x380  }
.Ltmp5:
0x47: {  	s14 =	sadd.s32 $0x80, s14;
	(pc) =	sbr.rel @p0 .LBB2_7-.Ltmp5, $2  }
0x48: {  	_ =	sdelay $0x2  }
0x49: {  	s15 =	sadd.s32 $0x400, s15;
	s16 =	sadd.s32 s16, s12  }
.Ltmp6:
0x4a: {  	(pc) =	sbr.rel .LBB2_9-.Ltmp6, $2  }
0x4b: {  	_ =	sdelay $0x2  }
0x4c: {  	[hbm:s16] =	stream.linear.scatter [tilespmem:s13], [sflag:$0x3], $0x400, $0x38;
	[tilespmem:$0x4080] =	vst v63  }
.LBB2_2:
.Ltmp7:
0x4d: {  	(pc) =	sbr.rel .LBB2_10-.Ltmp7, $4  }
0x4e: {  	_ = 	snop  }
0x4f: {  	s12 =	sshrl.u32 s11, $0x3  }
0x50: {  	s13 =	sand.u32 $0x7, s11;
	s12 =	sadd.s32 s3, s12  }
0x51: {  	[tilespmem:s9], [sflag:$0x2] =	stream.linear.gather [hbm4b:s12+s13], $0x40, $0x38;
	[tilespmem:$0x4080] =	vst v63  }
.LBB2_11:
0x52: {  	s2 =	simm.s32 $0x3  }
0x53: {  	_ =	swait.ge [sflag:s2], $0x2000  }
0x54: {  	[sflag:s2] =	ssyncset.done $0x0  }
0x55: {  	[sflag:s2] =	ssyncadd.s32 $0xFFFFE000  }
0x56: {  	_ =	sfence.sel $0x180000  }
0x57: {  	s3 =	simm.s32 $0x2;
	[bflag:$0x0] =	sbarrier.arrive $0xFFFF  }
0x58: {  	[sflag:s3] =	ssyncpa.u1 $0x1  }
0x59: {  	s31 =	simm.s32 $0x1;
	[sflag:s2] =	ssyncpa.u1 $0x1  }
0x5a: {  	[sflag:s31] =	ssyncpa.u1 $0x1  }
0x5b: {  	p0 =	sne.s32 s1, $0x0;
	_ =	strace $0x90000050  }
0x5c: {  	s0 =	sadd.s32 @!p0 $0x100000, s0;
	[bflag:$0x2] =	sbarrier.arrive $0xFFFF  }
0x5d: {  	[sflag:s0] =	ssyncadd.tile.s32 @!p0 $0x1;
	_ =	shalt  }
.Lfunc_end2:
_tile_overlayer_lowered:
.L_overlay_start_2:
0x5e: {  	(tag) =	ssettag $0x2  }
0x5f: {  	s0 =	rddreg [dreg:$0x0];
	s2 =	stileid.u32  }
0x60: {  	s1 =	rddreg [dreg:$0x1];
	p0 =	sne.s32 s2, $0x0  }
0x61: {  	s3 =	rddreg [dreg:$0x2];
	[bflag:$0x3] =	sbarrier.arrive $0xFFFF;
	s2 =	simm.s32 @!p0 $0x1C01  }
0x62: {  	[timem:s3], [sflag:s2] =	dma.local @!p0 [hbm:s0], s1  }
0x63: {  	s0 =	simm.s32 @!p0 $0x1  }
0x64: {  	_ =	swait.ge @!p0 [sflag:s0], s1  }
0x65: {  	s1 =	ssub.s32 @!p0 $0x0, s1;
	[sflag:s0] =	ssyncset.done @!p0 $0x0  }
0x66: {  	[sflag:s0] =	ssyncadd.s32 @!p0 s1  }
0x67: {  	[bflag:$0x3] =	sbarrier.arrive $0xFFFF  }
0x68: {  	_ =	shalt  }

// kernel: gather_offload_async_start.2
scs
__scs_entry_jumppad:
0x0: {  	(pc) =	sbr.rel $0x88, $3  }
0x1: {  	(tag) =	ssettag $0x0;
	lr =	simm.s32 $0x1  }
0x2: {  	[smem:$0x3F15] =	sst lr;
	_ =	strace $0xD0000000  }
0x3: {  	_ = 	snop  }
0x4: {  	_ = 	snop  }
0x5: {  	_ = 	snop  }
0x6: {  	_ = 	snop  }
0x7: {  	_ = 	snop  }
__scs_overlays_trampoline_lowered:
0x8: {  	[smem:$0x3F24] =	sst s0  }
0x9: {  	[smem:$0x3F25] =	sst s1  }
0xa: {  	[smem:$0x3F26] =	sst s2  }
0xb: {  	[smem:$0x3F27] =	sst s3  }
0xc: {  	[smem:$0x3F28] =	sst s4  }
0xd: {  	[smem:$0x3F29] =	sst s5  }
0xe: {  	[smem:$0x3F2A] =	sst s6  }
0xf: {  	[smem:$0x3F2B] =	sst s7  }
0x10: {  	[smem:$0x3F2C] =	sst s8  }
0x11: {  	[smem:$0x3F2D] =	sst s9;
	s0 =	simm.s32 @!p0 $0x0  }
0x12: {  	s1 =	sld [smem:$0x3F13];
	s0 =	simm.s32 @p0 $0x1  }
0x13: {  	[smem:$0x3F2E] =	sst s0;
	s0 =	simm.s32 @!p1 $0x0  }
0x14: {  	s2 =	sld [smem:$0x3F12];
	s0 =	simm.s32 @p1 $0x1  }
0x15: {  	[smem:$0x3F2F] =	sst s0;
	s0 =	simm.s32 @!p2 $0x0  }
0x16: {  	s3 =	sld [smem:$0x3FDB];
	s0 =	simm.s32 @p2 $0x1  }
0x17: {  	s4 =	simm.s32 $0x1BF5;
	[smem:$0x3F31] =	sst s0  }
0x18: {  	s0 =	sld [smem:$0x3F14];
	_ =	swait.ge [sflag:s4], $0x0  }
0x19: {  	s7 =	sld [smem:$0x3F15]  }
0x1a: {  	s8 =	sadd.s32 $0xFFFFE003, lr  }
0x1b: {  	s9 =	sadd.s32 $0xFFFFFEF7, lr;
	s5 =	simm.s32 $0xFFFFFFFF;
	p2 =	slt.u32 s8, $0xFFFFF086  }
0x1c: {  	p1 =	slt.u32 s9, $0xF7A;
	s5 =	simm.s32 @!p2 $0x0  }
0x1d: {  	s5 =	simm.s32 @p1 $0x1;
	p0 =	seq.s32 s7, s2  }
0x1e: {  	s7 =	smul.u32 @!p0 $0xF7A, s2;
	p2 =	seq.s32 @!p0 s5, $0x0  }
0x1f: {  	s9 =	smul.u32 $0xF7A, s1;
	s8 =	simm.s32 @!p0 $0x1BF5;
	p2 =	por !p2, p0  }
0x20: {  	[sflag:s8] =	ssyncset.s32 @!p0 $0xFFFFF086;
	s6 =	sadd.s32 @!p0 s3, s7;
	s7 =	simm.s32 @!p0 $0x108  }
0x21: {  	s3 =	sadd.s32 s3, s9;
	s6 =	sadd.s32 @!p0 $0x88, s6;
	s7 =	simm.s32 @p2 $0x1082  }
0x22: {  	[simem:s7], [sflag:s8] =	dma.local @!p0 [hbm:s6], $0xF7A  }
0x23: {  	s9 =	sor.u32 $0xD0000000, s2;
	s6 =	simm.s32 $0x108;
	_ =	swait.ge @!p0 [sflag:s8], $0x0  }
0x24: {  	s3 =	sadd.s32 $0x88, s3;
	s6 =	simm.s32 @!p1 $0x1082;
	[sflag:s4] =	ssyncset.s32 $0xFFFFF086  }
0x25: {  	[simem:s6], [sflag:s4] =	dma.local [hbm:s3], $0xF7A  }
0x26: {  	[smem:$0x3F15] =	sst s1;
	(tag) =	ssettag s2;
	_ =	strace s9  }
0x27: {  	s1 =	sld [smem:$0x3F25]  }
0x28: {  	s2 =	sld [smem:$0x3F26]  }
0x29: {  	s4 =	sld [smem:$0x3F28]  }
0x2a: {  	p0 =	seq.s32 s5, $0x0;
	s5 =	sld [smem:$0x3F29]  }
0x2b: {  	s6 =	sld [smem:$0x3F2A]  }
0x2c: {  	s7 =	sld [smem:$0x3F2B]  }
0x2d: {  	s3 =	simm.s32 $0x108;
	s8 =	sld [smem:$0x3F2C]  }
0x2e: {  	s3 =	simm.s32 @!p0 $0x1082;
	s9 =	sld [smem:$0x3F2D]  }
0x2f: {  	lr =	sadd.s32 s0, s3;
	s0 =	sld [smem:$0x3F24]  }
0x30: {  	s3 =	sld [smem:$0x3F27]  }
0x31: {  	[smem:$0x3F30] =	sst s10  }
0x32: {  	s10 =	sld [smem:$0x3F2E];
	_ =	sdelay $0x3  }
0x33: {  	p0 =	seq.s32 s10, $0x1;
	s10 =	sld [smem:$0x3F30];
	_ =	sdelay $0x3  }
0x34: {  	[smem:$0x3F30] =	sst s10  }
0x35: {  	s10 =	sld [smem:$0x3F2F];
	_ =	sdelay $0x3  }
0x36: {  	p1 =	seq.s32 s10, $0x1;
	s10 =	sld [smem:$0x3F30];
	_ =	sdelay $0x3  }
0x37: {  	[smem:$0x3F30] =	sst s10  }
0x38: {  	s10 =	sld [smem:$0x3F31]  }
0x39: {  	_ = 	snop;
	(pc) =	sbr.ind lr, $3  }
0x3a: {  	_ = 	snop  }
0x3b: {  	_ = 	snop  }
0x3c: {  	p2 =	seq.s32 s10, $0x1;
	s10 =	sld [smem:$0x3F30]  }
0x3d: {  	_ =	shalt  }
0x3e: {  	_ =	shalt  }
0x3f: {  	_ =	shalt  }
0x40: {  	_ =	shalt  }
0x41: {  	_ =	shalt  }
0x42: {  	_ =	shalt  }
0x43: {  	_ =	shalt  }
0x44: {  	_ =	shalt  }
0x45: {  	_ =	shalt  }
0x46: {  	_ =	shalt  }
0x47: {  	_ =	shalt  }
0x48: {  	_ =	shalt  }
0x49: {  	_ =	shalt  }
0x4a: {  	_ =	shalt  }
0x4b: {  	_ =	shalt  }
0x4c: {  	_ =	shalt  }
0x4d: {  	_ =	shalt  }
0x4e: {  	_ =	shalt  }
0x4f: {  	_ =	shalt  }
0x50: {  	_ =	shalt  }
0x51: {  	_ =	shalt  }
0x52: {  	_ =	shalt  }
0x53: {  	_ =	shalt  }
0x54: {  	_ =	shalt  }
0x55: {  	_ =	shalt  }
0x56: {  	_ =	shalt  }
0x57: {  	_ =	shalt  }
0x58: {  	_ =	shalt  }
0x59: {  	_ =	shalt  }
0x5a: {  	_ =	shalt  }
0x5b: {  	_ =	shalt  }
0x5c: {  	_ =	shalt  }
0x5d: {  	_ =	shalt  }
0x5e: {  	_ =	shalt  }
0x5f: {  	_ =	shalt  }
0x60: {  	_ =	shalt  }
0x61: {  	_ =	shalt  }
0x62: {  	_ =	shalt  }
0x63: {  	_ =	shalt  }
0x64: {  	_ =	shalt  }
0x65: {  	_ =	shalt  }
0x66: {  	_ =	shalt  }
0x67: {  	_ =	shalt  }
0x68: {  	_ =	shalt  }
0x69: {  	_ =	shalt  }
0x6a: {  	_ =	shalt  }
0x6b: {  	_ =	shalt  }
0x6c: {  	_ =	shalt  }
0x6d: {  	_ =	shalt  }
0x6e: {  	_ =	shalt  }
0x6f: {  	_ =	shalt  }
0x70: {  	_ =	shalt  }
0x71: {  	_ =	shalt  }
0x72: {  	_ =	shalt  }
0x73: {  	_ =	shalt  }
0x74: {  	_ =	shalt  }
0x75: {  	_ =	shalt  }
0x76: {  	_ =	shalt  }
0x77: {  	_ =	shalt  }
0x78: {  	_ =	shalt  }
0x79: {  	_ =	shalt  }
0x7a: {  	_ =	shalt  }
0x7b: {  	_ =	shalt  }
0x7c: {  	_ =	shalt  }
0x7d: {  	_ =	shalt  }
0x7e: {  	_ =	shalt  }
0x7f: {  	_ =	shalt  }
0x80: {  	_ =	shalt  }
0x81: {  	_ =	shalt  }
0x82: {  	_ =	shalt  }
0x83: {  	_ =	shalt  }
0x84: {  	_ =	shalt  }
0x85: {  	_ =	shalt  }
0x86: {  	_ =	shalt  }
0x87: {  	_ =	shalt  }
.Lfunc_end0:
.L_simem_size_0:
called_computation.3_lowered:
.L_overlay_start_0:
0x88: {  	s2 =	sld [smem:$0x3FD9]  }
0x89: {  	s3 =	sld [smem:$0x3FFE];
	_ =	sdelay $0x1  }
0x8a: {  	s1 =	srdreg.scid  }
0x8b: {  	s0 =	sand.u32 $0x1, s1  }
0x8c: {  	s16 =	sshll.u32 s0, $0xA;
	s2 =	sadd.s32 s3, s2  }
0x8d: {  	s2 =	sadd.s32 s2, s16  }
0x8e: {  	[smem:$0x3F3C] =	sst s2  }
0x8f: {  	_ = 	snop  }
0x90: {  	(tm) =	ssettm $0x1  }
0x91: {  	s17 =	sld [smem:$0x3FFB];
	_ =	sdelay $0x3  }
0x92: {  	_ =	strace s17  }
0x93: {  	s2 =	sld [smem:$0x3FFC];
	_ =	sdelay $0x3  }
0x94: {  	_ =	strace s2  }
0x95: {  	s2 =	sld [smem:$0x3FFD];
	_ =	sdelay $0x3  }
0x96: {  	_ =	strace s2  }
0x97: {  	_ =	strace $0x8FFFFFFF  }
0x98: {  	s18 =	sld [smem:$0x3FDB];
	_ =	sdelay $0x1  }
0x99: {  	s19 =	simm.s32 $_scs_section_size  }
0x9a: {  	s4 =	simm.s32 $_size__tile_overlayer_lowered;
	s5 =	simm.s32 $_tile_overlayer_lowered  }
0x9b: {  	s22 =	simm.s32 $0x1BFF;
	s21 =	sshll.u32 s5, $0x1;
	s2 =	sadd.s32 s19, s18  }
0x9c: {  	s6 =	simm.s32 $0x0;
	s20 =	sshll.u32 s4, $0x1;
	s4 =	sadd.s32 s21, s2  }
0x9d: {  	[timem:s6], [sflag:s22] =	dma.local [hbm:s4], s20  }
0x9e: {  	_ =	swait.ge [sflag:s22], s20  }
0x9f: {  	s3 =	ssub.s32 $0x0, s20;
	[sflag:s22] =	ssyncset.done $0x0  }
0xa0: {  	[sflag:s22] =	ssyncadd.s32 s3;
	_ =	sdelay $0x1  }
0xa1: {  	s23 =	simm.s32 $0x1B8B  }
0xa2: {  	_ =	swait.ge [sflag:s23], $0x1  }
0xa3: {  	[sflag:s23] =	ssyncset.done $0x0  }
0xa4: {  	s25 =	simm.s32 $0x1B8E;
	s24 =	sld [smem:$0x3FFE];
	[sflag:s23] =	ssyncadd.s32 $0xFFFFFFFF  }
0xa5: {  	s26 =	simm.s32 $execute0_lowered;
	[smem:$0x3FD2] =	sst s25  }
0xa6: {  	s4 =	sshll.u32 s26, $0x1;
	_ =	strace $0x80000058;
	[dreg:$0x1] =	wrdreg $0xFFFFFFFF  }
0xa7: {  	s28 =	simm.s32 $_size_execute0_lowered;
	s2 =	sadd.s32 s2, s4;
	[dreg:$0x0] =	wrdreg $0x0  }
0xa8: {  	s4 =	sshll.u32 s28, $0x1;
	[dreg:$0x2] =	wrdreg s2  }
0xa9: {  	[dreg:$0x3] =	wrdreg s4  }
0xaa: {  	[dreg:$0x4] =	wrdreg $0xC0  }
0xab: {  	_ =	task [dreg:s6], $0x5FFFF  }
0xac: {  	[dreg:$0x1] =	wrdreg $0xFFFFFFFF  }
0xad: {  	[dreg:$0x0] =	wrdreg $0x60  }
0xae: {  	[dreg:$0x2] =	wrdreg s24  }
0xaf: {  	[dreg:$0x3] =	wrdreg $0x9  }
0xb0: {  	_ =	task.clear_ibuf [dreg:s6], $0x4FFFF;
	_ =	strace $0x90000058  }
0xb1: {  	s29 =	simm.s32 $0x9;
	_ =	strace $0x8000005A  }
0xb2: {  	_ =	swait.ge [sflag:s29], $0x1  }
0xb3: {  	[sflag:s29] =	ssyncadd.s32 $0xFFFFFFFF  }
0xb4: {  	_ =	strace $0x9000005A  }
0xb5: {  	_ =	sfence  }
0xb6: {  	s30 =	sld [smem:$0x0];
	_ =	sdelay $0x2  }
0xb7: {  	s31 =	sshll.u32 s1, $0xD;
	s1 =	sshrl.u32 s1, $0x2  }
0xb8: {  	s3 =	sand.u32 $0x4000, s31;
	s1 =	sadd.s32 s1, s30  }
0xb9: {  	s0 =	sor.u32 s3, s0;
	s1 =	sshll.u32 s1, $0x11  }
0xba: {  	s0 =	sor.u32 s1, s0  }
0xbb: {  	s0 =	sadd.s32 $0x8F2B, s0  }
0xbc: {  	[sflag:s0] =	ssyncadd.remote.s32 $0x1  }
0xbd: {  	_ =	sfence.sel $0xFFFF  }
0xbe: {  	[dreg:$0x0] =	wrdreg $0xFFFFFFFF;
	(pc) =	sbr.abs _section_cstart, $3  }
0xbf: {  	[dreg:$0x1] =	wrdreg $0xFFFFFFFF  }
0xc0: {  	_ =	task.clear_ibuf [dreg:s6], $0x2FFFF;
	_ =	strace $0x9FFFFFFF  }
0xc1: {  	(tm) =	ssettm $0x7FFFFFFF  }
tec
execute0_lowered:
.L_overlay_start_1:
0x0: {  	(tag) =	ssettag $0x1  }
0x1: {  	s7 =	rddreg [dreg:$0x0]  }
0x2: {  	s0 =	rddreg [dreg:$0x1];
	_ =	strace $0x80000059  }
0x3: {  	s1 =	srdreg.scid;
	s4 =	simm.s32 $0x1;
	s9 =	simm.s32 $0x3  }
0x4: {  	s11 =	simm.s32 $0x0;
	p0 =	por $0x0, $0x0;
	s5 =	sshll.u32 s1, $0x4  }
.Ltmp0:
0x5: {  	s1 =	stileid.u32;
	s5 =	sand.u32 $0x10, s5;
	(pc) =	sbr.rel .LBB2_1-.Ltmp0, $4  }
0x6: {  	s2 =	sadd.s32 $0x200, s7;
	s3 =	sadd.s32 $0x102000, s7;
	s6 =	sor.u32 s1, s5  }
0x7: {  	[sflag:s4] =	ssyncpa.u1 $0x0;
	s5 =	simm.s32 $0x2;
	s6 =	sshll.u32 s6, $0xA  }
0x8: {  	s7 =	sadd.s32 $0x207400, s7;
	[sflag:s5] =	ssyncpa.u1 $0x0;
	s8 =	sadd.s32 $0x400, s6  }
0x9: {  	vm0 =	vmmov $0xff;
	vm1 =	vcmask $0x3F20;
	[sflag:s9] =	ssyncpa.u1 $0x0;
	s10 =	smov.u32 s6;
	s9 =	simm.s32 $0x0  }
.LBB2_7:
0xa: {  	p1 =	slt.u32 s9, $0x2;
	s11 =	sadd.s32 $0x100, s10  }
0xb: {  	s13 =	smov.u32 s6;
	s9 =	sadd.s32 $0x1, s9;
	p2 =	slt.s32 s11, s8  }
0xc: {  	s13 =	smov.u32 @p2 s11;
	p2 =	sne.s32 s9, $0x6  }
.Ltmp1:
0xd: {  	_ = 	snop;
	(pc) =	sbr.rel @!p2 .LBB2_8-.Ltmp1, $4  }
0xe: {  	s12 =	simm.s32 @!p1 $0x3  }
0xf: {  	_ =	swait.ge @!p1 [sflag:s12], $0x8000  }
0x10: {  	p0 =	por !p0, !p0;
	[sflag:s12] =	ssyncset.done @!p1 $0x0  }
0x11: {  	s11 =	smov.u32 s10;
	s10 =	smov.u32 s13;
	[sflag:s12] =	ssyncadd.s32 @!p1 $0xFFFF8000  }
.LBB2_1:
0x12: {  	p1 =	sgt.u32 s9, $0x3  }
0x13: {  	s12 =	sxor.u32 @!p1 $0xFFFFFFFF, s9  }
0x14: {  	s13 =	sshrl.u32 @!p1 s10, $0x3;
	s12 =	sshll.u32 @!p1 s12, $0x8  }
0x15: {  	s14 =	sand.u32 @!p1 $0x7, s10;
	s13 =	sadd.s32 @!p1 s3, s13;
	s12 =	sand.u32 @!p1 $0x100, s12  }
0x16: {  	[tilespmem:s12], [sflag:$0x2] =	stream.linear.gather @!p1 [hbm4b:s13+s14], $0x100, $0x38;
	[tilespmem:$0x10200] =	vst v63  }
0x17: {  	p1 =	seq.s32 s9, $0x0  }
0x18: {  	p2 =	seq.s32 @!p1 s9, $0x5  }
0x19: {  	p1 =	por p1, p2  }
.Ltmp2:
0x1a: {  	_ = 	snop;
	(pc) =	sbr.rel @p1 .LBB2_7-.Ltmp2, $1  }
0x1b: {  	_ =	sdelay $0x3  }
0x1c: {  	s12 =	simm.s32 $0x1  }
0x1d: {  	_ =	swait.ge [sflag:s5], $0x100;
	s12 =	simm.s32 @!p0 $0x0  }
0x1e: {  	[sflag:s5] =	ssyncset.done $0x0;
	s14 =	sshll.u32 s12, $0x8  }
0x1f: {  	[sflag:s5] =	ssyncadd.s32 $0xFFFFFF00;
	s13 =	sadd.s32 $0x0, s14  }
0x20: {  	v0 =	vld.msk [tilespmem:s13+$0x0 ss:$0x1], $0xffff;
	_ =	sdelay $0x4  }
0x21: {  	v1 =	vshll.u32 v0, $0x3  }
0x22: {  	vm2 =	veq.s32 v0, $0x80000000;
	v0 =	vshll.u32 v0, $0x12;
	v1 =	vand.u32 $0x3FF80, v1  }
0x23: {  	v0 =	vand.u32 $0x3C0000, v0;
	v1 =	vsel vm2, $0xFFFFFF80, v1  }
0x24: {  	v0 =	vsel vm2, $0xFFFC0000, v0;
	v2 =	vand.u32 $0xFFFFFC00, v1  }
0x25: {  	v1 =	vand.u32 $0x380, v1;
	v0 =	vadd.s32 v0, v2  }
0x26: {  	v0 =	vor.u32 v1, v0  }
0x27: {  	v0 =	vshrl.u32 v0, $0x3;
	_ =	sdelay $0x2  }
0x28: {  	s12 =	sshll.u32 s12, $0xF  }
0x29: {  	s12 =	sor.u32 $0x200, s12  }
0x2a: {  	[tilespmem:s12], [sflag:$0x1] =	stream.indirect_vreg.gather [hbm:s2], $0x80, v0, vm0, $0x38;
	[tilespmem:$0x10200] =	vst v63  }
0x2b: {  	s15 =	sadd.s32 $0x10, s14;
	s13 =	sadd.s32 $0x400, s12  }
0x2c: {  	[tilespmem:s13], [sflag:$0x1] =	stream.indirect_vreg.gather [hbm:s2], $0x80, v0, vm1, $0x38;
	[tilespmem:$0x10200] =	vst v63  }
0x2d: {  	s16 =	simm.s32 $0x80;
	v0 =	vld.msk [tilespmem:s15+$0x0 ss:$0x1], $0xffff;
	s15 =	smov.u32 s12  }
.LBB2_3:
0x2e: {  	p1 =	sne.s32 s16, $0x3C0;
	_ =	sdelay $0x4  }
0x2f: {  	v1 =	vshll.u32 v0, $0x3  }
0x30: {  	vm2 =	veq.s32 v0, $0x80000000;
	v0 =	vshll.u32 v0, $0x12;
	v1 =	vand.u32 $0x3FF80, v1  }
0x31: {  	v0 =	vand.u32 $0x3C0000, v0;
	v1 =	vsel vm2, $0xFFFFFF80, v1  }
0x32: {  	v0 =	vsel vm2, $0xFFFC0000, v0;
	v2 =	vand.u32 $0xFFFFFC00, v1  }
0x33: {  	v1 =	vand.u32 $0x380, v1;
	v0 =	vadd.s32 v0, v2  }
0x34: {  	v0 =	vor.u32 v1, v0  }
0x35: {  	v0 =	vshrl.u32 v0, $0x3;
	_ =	sdelay $0x3  }
.Ltmp3:
0x36: {  	s17 =	sshra.s32 s16, $0x2;
	s15 =	sadd.s32 $0x800, s15;
	(pc) =	sbr.rel @p1 .LBB2_3-.Ltmp3, $4  }
0x37: {  	[tilespmem:s15], [sflag:$0x1] =	stream.indirect_vreg.gather [hbm:s2], $0x80, v0, vm0, $0x38;
	[tilespmem:$0x10200] =	vst v63  }
0x38: {  	s17 =	sadd.s32 s17, s14;
	s18 =	sadd.s32 $0x400, s15  }
0x39: {  	[tilespmem:s18], [sflag:$0x1] =	stream.indirect_vreg.gather [hbm:s2], $0x80, v0, vm1, $0x38;
	[tilespmem:$0x10200] =	vst v63  }
0x3a: {  	s16 =	sadd.s32 $0x40, s16;
	v0 =	vld.msk [tilespmem:s17+$0x0 ss:$0x1], $0xffff  }
0x3b: {  	_ =	sdelay $0x3  }
0x3c: {  	v1 =	vshll.u32 v0, $0x3  }
0x3d: {  	vm2 =	veq.s32 v0, $0x80000000;
	v63 =	vshll.u32 v0, $0x12;
	v1 =	vand.u32 $0x3FF80, v1  }
0x3e: {  	v0 =	vand.u32 $0x3C0000, v63;
	v1 =	vsel vm2, $0xFFFFFF80, v1  }
0x3f: {  	v0 =	vsel vm2, $0xFFFC0000, v0;
	v2 =	vand.u32 $0xFFFFFC00, v1  }
0x40: {  	v1 =	vand.u32 $0x380, v1;
	v0 =	vadd.s32 v0, v2  }
0x41: {  	v0 =	vor.u32 v1, v0  }
0x42: {  	v0 =	vshrl.u32 v0, $0x3;
	_ =	sdelay $0x3  }
0x43: {  	s14 =	sadd.s32 $0x800, s15  }
0x44: {  	[tilespmem:s14], [sflag:$0x1] =	stream.indirect_vreg.gather [hbm:s2], $0x80, v0, vm0, $0x38;
	[tilespmem:$0x10200] =	vst v63  }
0x45: {  	s14 =	sadd.s32 $0x400, s14  }
0x46: {  	[tilespmem:s14], [sflag:$0x1] =	stream.indirect_vreg.gather [hbm:s2], $0x80, v0, vm1, $0x38;
	[tilespmem:$0x10200] =	vst v63  }
0x47: {  	s11 =	sshll.u32 s11, $0x4;
	_ =	swait.ge [sflag:s4], $0x8000  }
0x48: {  	s11 =	sadd.s32 s11, s7;
	[sflag:s4] =	ssyncset.done $0x0  }
0x49: {  	s15 =	sadd.s32 $0x0, s11;
	s14 =	simm.s32 $0x80;
	[sflag:s4] =	ssyncadd.s32 $0xFFFF8000  }
.LBB2_5:
0x4a: {  	[hbm:s15] =	stream.linear.scatter [tilespmem:s12], [sflag:$0x3], $0x400, $0x38;
	[tilespmem:$0x10200] =	vst v63  }
0x4b: {  	s15 =	smov.u32 s14;
	s12 =	smov.u32 s13;
	p1 =	sne.s32 s14, $0xF80  }
.Ltmp4:
0x4c: {  	s14 =	sadd.s32 $0x80, s14;
	(pc) =	sbr.rel @p1 .LBB2_5-.Ltmp4, $2  }
0x4d: {  	_ =	sdelay $0x2  }
0x4e: {  	s13 =	sadd.s32 $0x400, s13;
	s15 =	sadd.s32 s15, s11  }
.Ltmp5:
0x4f: {  	(pc) =	sbr.rel .LBB2_7-.Ltmp5, $2  }
0x50: {  	_ =	sdelay $0x2  }
0x51: {  	[hbm:s15] =	stream.linear.scatter [tilespmem:s12], [sflag:$0x3], $0x400, $0x38;
	[tilespmem:$0x10200] =	vst v63  }
.LBB2_8:
0x52: {  	_ =	sfence.sel $0x180000  }
0x53: {  	s2 =	simm.s32 $0x2;
	[bflag:$0x0] =	sbarrier.arrive $0xFFFF  }
0x54: {  	s30 =	simm.s32 $0x3;
	[sflag:s2] =	ssyncpa.u1 $0x1  }
0x55: {  	s31 =	simm.s32 $0x1;
	[sflag:s30] =	ssyncpa.u1 $0x1  }
0x56: {  	[sflag:s31] =	ssyncpa.u1 $0x1  }
0x57: {  	p0 =	sne.s32 s1, $0x0;
	_ =	strace $0x90000059  }
0x58: {  	s0 =	sadd.s32 @!p0 $0x100000, s0;
	[bflag:$0x2] =	sbarrier.arrive $0xFFFF  }
0x59: {  	[sflag:s0] =	ssyncadd.tile.s32 @!p0 $0x1;
	_ =	shalt  }
.Lfunc_end2:
_tile_overlayer_lowered:
.L_overlay_start_2:
0x5a: {  	(tag) =	ssettag $0x2  }
0x5b: {  	s0 =	rddreg [dreg:$0x0];
	s2 =	stileid.u32  }
0x5c: {  	s1 =	rddreg [dreg:$0x1];
	p0 =	sne.s32 s2, $0x0  }
0x5d: {  	s3 =	rddreg [dreg:$0x2];
	[bflag:$0x3] =	sbarrier.arrive $0xFFFF;
	s2 =	simm.s32 @!p0 $0x1C01  }
0x5e: {  	[timem:s3], [sflag:s2] =	dma.local @!p0 [hbm:s0], s1  }
0x5f: {  	s0 =	simm.s32 @!p0 $0x1  }
0x60: {  	_ =	swait.ge @!p0 [sflag:s0], s1  }
0x61: {  	s1 =	ssub.s32 @!p0 $0x0, s1;
	[sflag:s0] =	ssyncset.done @!p0 $0x0  }
0x62: {  	[sflag:s0] =	ssyncadd.s32 @!p0 s1  }
0x63: {  	[bflag:$0x3] =	sbarrier.arrive $0xFFFF  }
0x64: {  	_ =	shalt  }

// kernel: gather_offload_async_start.3
scs
__scs_entry_jumppad:
0x0: {  	(pc) =	sbr.rel $0x88, $3  }
0x1: {  	(tag) =	ssettag $0x0;
	lr =	simm.s32 $0x1  }
0x2: {  	[smem:$0x3F15] =	sst lr;
	_ =	strace $0xD0000000  }
0x3: {  	_ = 	snop  }
0x4: {  	_ = 	snop  }
0x5: {  	_ = 	snop  }
0x6: {  	_ = 	snop  }
0x7: {  	_ = 	snop  }
__scs_overlays_trampoline_lowered:
0x8: {  	[smem:$0x3F24] =	sst s0  }
0x9: {  	[smem:$0x3F25] =	sst s1  }
0xa: {  	[smem:$0x3F26] =	sst s2  }
0xb: {  	[smem:$0x3F27] =	sst s3  }
0xc: {  	[smem:$0x3F28] =	sst s4  }
0xd: {  	[smem:$0x3F29] =	sst s5  }
0xe: {  	[smem:$0x3F2A] =	sst s6  }
0xf: {  	[smem:$0x3F2B] =	sst s7  }
0x10: {  	[smem:$0x3F2C] =	sst s8  }
0x11: {  	[smem:$0x3F2D] =	sst s9;
	s0 =	simm.s32 @!p0 $0x0  }
0x12: {  	s1 =	sld [smem:$0x3F13];
	s0 =	simm.s32 @p0 $0x1  }
0x13: {  	[smem:$0x3F2E] =	sst s0;
	s0 =	simm.s32 @!p1 $0x0  }
0x14: {  	s2 =	sld [smem:$0x3F12];
	s0 =	simm.s32 @p1 $0x1  }
0x15: {  	[smem:$0x3F2F] =	sst s0;
	s0 =	simm.s32 @!p2 $0x0  }
0x16: {  	s3 =	sld [smem:$0x3FDB];
	s0 =	simm.s32 @p2 $0x1  }
0x17: {  	s4 =	simm.s32 $0x1BF5;
	[smem:$0x3F31] =	sst s0  }
0x18: {  	s0 =	sld [smem:$0x3F14];
	_ =	swait.ge [sflag:s4], $0x0  }
0x19: {  	s7 =	sld [smem:$0x3F15]  }
0x1a: {  	s8 =	sadd.s32 $0xFFFFE003, lr  }
0x1b: {  	s9 =	sadd.s32 $0xFFFFFEF7, lr;
	s5 =	simm.s32 $0xFFFFFFFF;
	p2 =	slt.u32 s8, $0xFFFFF086  }
0x1c: {  	p1 =	slt.u32 s9, $0xF7A;
	s5 =	simm.s32 @!p2 $0x0  }
0x1d: {  	s5 =	simm.s32 @p1 $0x1;
	p0 =	seq.s32 s7, s2  }
0x1e: {  	s7 =	smul.u32 @!p0 $0xF7A, s2;
	p2 =	seq.s32 @!p0 s5, $0x0  }
0x1f: {  	s9 =	smul.u32 $0xF7A, s1;
	s8 =	simm.s32 @!p0 $0x1BF5;
	p2 =	por !p2, p0  }
0x20: {  	[sflag:s8] =	ssyncset.s32 @!p0 $0xFFFFF086;
	s6 =	sadd.s32 @!p0 s3, s7;
	s7 =	simm.s32 @!p0 $0x108  }
0x21: {  	s3 =	sadd.s32 s3, s9;
	s6 =	sadd.s32 @!p0 $0x88, s6;
	s7 =	simm.s32 @p2 $0x1082  }
0x22: {  	[simem:s7], [sflag:s8] =	dma.local @!p0 [hbm:s6], $0xF7A  }
0x23: {  	s9 =	sor.u32 $0xD0000000, s2;
	s6 =	simm.s32 $0x108;
	_ =	swait.ge @!p0 [sflag:s8], $0x0  }
0x24: {  	s3 =	sadd.s32 $0x88, s3;
	s6 =	simm.s32 @!p1 $0x1082;
	[sflag:s4] =	ssyncset.s32 $0xFFFFF086  }
0x25: {  	[simem:s6], [sflag:s4] =	dma.local [hbm:s3], $0xF7A  }
0x26: {  	[smem:$0x3F15] =	sst s1;
	(tag) =	ssettag s2;
	_ =	strace s9  }
0x27: {  	s1 =	sld [smem:$0x3F25]  }
0x28: {  	s2 =	sld [smem:$0x3F26]  }
0x29: {  	s4 =	sld [smem:$0x3F28]  }
0x2a: {  	p0 =	seq.s32 s5, $0x0;
	s5 =	sld [smem:$0x3F29]  }
0x2b: {  	s6 =	sld [smem:$0x3F2A]  }
0x2c: {  	s7 =	sld [smem:$0x3F2B]  }
0x2d: {  	s3 =	simm.s32 $0x108;
	s8 =	sld [smem:$0x3F2C]  }
0x2e: {  	s3 =	simm.s32 @!p0 $0x1082;
	s9 =	sld [smem:$0x3F2D]  }
0x2f: {  	lr =	sadd.s32 s0, s3;
	s0 =	sld [smem:$0x3F24]  }
0x30: {  	s3 =	sld [smem:$0x3F27]  }
0x31: {  	[smem:$0x3F30] =	sst s10  }
0x32: {  	s10 =	sld [smem:$0x3F2E];
	_ =	sdelay $0x3  }
0x33: {  	p0 =	seq.s32 s10, $0x1;
	s10 =	sld [smem:$0x3F30];
	_ =	sdelay $0x3  }
0x34: {  	[smem:$0x3F30] =	sst s10  }
0x35: {  	s10 =	sld [smem:$0x3F2F];
	_ =	sdelay $0x3  }
0x36: {  	p1 =	seq.s32 s10, $0x1;
	s10 =	sld [smem:$0x3F30];
	_ =	sdelay $0x3  }
0x37: {  	[smem:$0x3F30] =	sst s10  }
0x38: {  	s10 =	sld [smem:$0x3F31]  }
0x39: {  	_ = 	snop;
	(pc) =	sbr.ind lr, $3  }
0x3a: {  	_ = 	snop  }
0x3b: {  	_ = 	snop  }
0x3c: {  	p2 =	seq.s32 s10, $0x1;
	s10 =	sld [smem:$0x3F30]  }
0x3d: {  	_ =	shalt  }
0x3e: {  	_ =	shalt  }
0x3f: {  	_ =	shalt  }
0x40: {  	_ =	shalt  }
0x41: {  	_ =	shalt  }
0x42: {  	_ =	shalt  }
0x43: {  	_ =	shalt  }
0x44: {  	_ =	shalt  }
0x45: {  	_ =	shalt  }
0x46: {  	_ =	shalt  }
0x47: {  	_ =	shalt  }
0x48: {  	_ =	shalt  }
0x49: {  	_ =	shalt  }
0x4a: {  	_ =	shalt  }
0x4b: {  	_ =	shalt  }
0x4c: {  	_ =	shalt  }
0x4d: {  	_ =	shalt  }
0x4e: {  	_ =	shalt  }
0x4f: {  	_ =	shalt  }
0x50: {  	_ =	shalt  }
0x51: {  	_ =	shalt  }
0x52: {  	_ =	shalt  }
0x53: {  	_ =	shalt  }
0x54: {  	_ =	shalt  }
0x55: {  	_ =	shalt  }
0x56: {  	_ =	shalt  }
0x57: {  	_ =	shalt  }
0x58: {  	_ =	shalt  }
0x59: {  	_ =	shalt  }
0x5a: {  	_ =	shalt  }
0x5b: {  	_ =	shalt  }
0x5c: {  	_ =	shalt  }
0x5d: {  	_ =	shalt  }
0x5e: {  	_ =	shalt  }
0x5f: {  	_ =	shalt  }
0x60: {  	_ =	shalt  }
0x61: {  	_ =	shalt  }
0x62: {  	_ =	shalt  }
0x63: {  	_ =	shalt  }
0x64: {  	_ =	shalt  }
0x65: {  	_ =	shalt  }
0x66: {  	_ =	shalt  }
0x67: {  	_ =	shalt  }
0x68: {  	_ =	shalt  }
0x69: {  	_ =	shalt  }
0x6a: {  	_ =	shalt  }
0x6b: {  	_ =	shalt  }
0x6c: {  	_ =	shalt  }
0x6d: {  	_ =	shalt  }
0x6e: {  	_ =	shalt  }
0x6f: {  	_ =	shalt  }
0x70: {  	_ =	shalt  }
0x71: {  	_ =	shalt  }
0x72: {  	_ =	shalt  }
0x73: {  	_ =	shalt  }
0x74: {  	_ =	shalt  }
0x75: {  	_ =	shalt  }
0x76: {  	_ =	shalt  }
0x77: {  	_ =	shalt  }
0x78: {  	_ =	shalt  }
0x79: {  	_ =	shalt  }
0x7a: {  	_ =	shalt  }
0x7b: {  	_ =	shalt  }
0x7c: {  	_ =	shalt  }
0x7d: {  	_ =	shalt  }
0x7e: {  	_ =	shalt  }
0x7f: {  	_ =	shalt  }
0x80: {  	_ =	shalt  }
0x81: {  	_ =	shalt  }
0x82: {  	_ =	shalt  }
0x83: {  	_ =	shalt  }
0x84: {  	_ =	shalt  }
0x85: {  	_ =	shalt  }
0x86: {  	_ =	shalt  }
0x87: {  	_ =	shalt  }
.Lfunc_end0:
.L_simem_size_0:
called_computation.4_lowered:
.L_overlay_start_0:
0x88: {  	s2 =	sld [smem:$0x3FD9]  }
0x89: {  	s3 =	sld [smem:$0x3FFE];
	_ =	sdelay $0x1  }
0x8a: {  	s1 =	srdreg.scid  }
0x8b: {  	s0 =	sand.u32 $0x1, s1  }
0x8c: {  	s17 =	sshll.u32 s0, $0xA;
	s2 =	sadd.s32 s3, s2  }
0x8d: {  	s2 =	sadd.s32 s2, s17  }
0x8e: {  	[smem:$0x3F3C] =	sst s2  }
0x8f: {  	_ = 	snop  }
0x90: {  	s2 =	sld [smem:$0x3FD0];
	(tm) =	ssettm $0x1  }
0x91: {  	s18 =	sld [smem:$0x3FFB];
	_ =	sdelay $0x3  }
0x92: {  	_ =	strace s18  }
0x93: {  	s3 =	sld [smem:$0x3FFC];
	_ =	sdelay $0x3  }
0x94: {  	_ =	strace s3  }
0x95: {  	s3 =	sld [smem:$0x3FFD];
	_ =	sdelay $0x3  }
0x96: {  	_ =	strace s3  }
0x97: {  	_ =	strace $0x8FFFFFFF  }
0x98: {  	s19 =	sld [smem:$0x3FDB];
	_ =	sdelay $0x1  }
0x99: {  	s4 =	simm.s32 $_scs_section_size  }
0x9a: {  	s5 =	simm.s32 $_size__tile_overlayer_lowered;
	s6 =	simm.s32 $_tile_overlayer_lowered  }
0x9b: {  	s22 =	simm.s32 $0x1BFF;
	s21 =	sshll.u32 s6, $0x1;
	s3 =	sadd.s32 s4, s19  }
0x9c: {  	s7 =	simm.s32 $0x0;
	s20 =	sshll.u32 s5, $0x1;
	s5 =	sadd.s32 s21, s3  }
0x9d: {  	[timem:s7], [sflag:s22] =	dma.local [hbm:s5], s20  }
0x9e: {  	_ =	swait.ge [sflag:s22], s20  }
0x9f: {  	s4 =	ssub.s32 $0x0, s20;
	[sflag:s22] =	ssyncset.done $0x0  }
0xa0: {  	[sflag:s22] =	ssyncadd.s32 s4;
	_ =	sdelay $0x1  }
0xa1: {  	s23 =	simm.s32 $0x1B8B  }
0xa2: {  	_ =	swait.ge [sflag:s23], $0x1  }
0xa3: {  	[sflag:s23] =	ssyncset.done $0x0  }
0xa4: {  	s25 =	simm.s32 $0x1B8E;
	s24 =	sld [smem:$0x3FFE];
	[sflag:s23] =	ssyncadd.s32 $0xFFFFFFFF  }
0xa5: {  	s26 =	simm.s32 $execute0_lowered;
	[smem:$0x3FD2] =	sst s25  }
0xa6: {  	s5 =	sshll.u32 s26, $0x1;
	_ =	strace $0x80000046;
	[dreg:$0x1] =	wrdreg $0xFFFFFFFF  }
0xa7: {  	s28 =	simm.s32 $_size_execute0_lowered;
	s3 =	sadd.s32 s3, s5;
	[dreg:$0x0] =	wrdreg $0x0  }
0xa8: {  	s5 =	sshll.u32 s28, $0x1;
	[dreg:$0x2] =	wrdreg s3  }
0xa9: {  	[dreg:$0x3] =	wrdreg s5  }
0xaa: {  	[dreg:$0x4] =	wrdreg $0xC0  }
0xab: {  	_ =	task [dreg:s7], $0x5FFFF  }
0xac: {  	[dreg:$0x1] =	wrdreg $0xFFFFFFFF  }
0xad: {  	[dreg:$0x0] =	wrdreg $0x60  }
0xae: {  	[dreg:$0x2] =	wrdreg s24  }
0xaf: {  	[dreg:$0x3] =	wrdreg s2  }
0xb0: {  	[dreg:$0x4] =	wrdreg $0x9  }
0xb1: {  	_ =	task.clear_ibuf [dreg:s7], $0x5FFFF;
	_ =	strace $0x90000046  }
0xb2: {  	s29 =	simm.s32 $0x9;
	_ =	strace $0x80000048  }
0xb3: {  	_ =	swait.ge [sflag:s29], $0x1  }
0xb4: {  	[sflag:s29] =	ssyncadd.s32 $0xFFFFFFFF  }
0xb5: {  	_ =	strace $0x90000048  }
0xb6: {  	_ =	sfence  }
0xb7: {  	s30 =	sld [smem:$0x0];
	_ =	sdelay $0x2  }
0xb8: {  	s31 =	sshll.u32 s1, $0xD;
	s1 =	sshrl.u32 s1, $0x2  }
0xb9: {  	s3 =	sand.u32 $0x4000, s31;
	s1 =	sadd.s32 s1, s30  }
0xba: {  	s0 =	sor.u32 s3, s0;
	s1 =	sshll.u32 s1, $0x11  }
0xbb: {  	s0 =	sor.u32 s1, s0  }
0xbc: {  	s0 =	sadd.s32 $0x8F2B, s0  }
0xbd: {  	[sflag:s0] =	ssyncadd.remote.s32 $0x1  }
0xbe: {  	_ =	sfence.sel $0xFFFF  }
0xbf: {  	[dreg:$0x0] =	wrdreg $0xFFFFFFFF;
	(pc) =	sbr.abs _section_cstart, $3  }
0xc0: {  	[dreg:$0x1] =	wrdreg $0xFFFFFFFF  }
0xc1: {  	_ =	task.clear_ibuf [dreg:s7], $0x2FFFF;
	_ =	strace $0x9FFFFFFF  }
0xc2: {  	(tm) =	ssettm $0x7FFFFFFF  }
0xc3: {  	_ =	shalt  }
tec
execute0_lowered:
.L_overlay_start_1:
0x0: {  	(tag) =	ssettag $0x1  }
0x1: {  	s7 =	rddreg [dreg:$0x0]  }
0x2: {  	s2 =	rddreg [dreg:$0x1]  }
0x3: {  	s0 =	rddreg [dreg:$0x2]  }
0x4: {  	s1 =	srdreg.scid;
	_ =	strace $0x80000047;
	s4 =	simm.s32 $0x1  }
0x5: {  	s9 =	simm.s32 $0x3;
	s12 =	simm.s32 $0x0;
	s5 =	sshll.u32 s1, $0x4  }
.Ltmp0:
0x6: {  	s1 =	stileid.u32;
	s5 =	sand.u32 $0x10, s5;
	(pc) =	sbr.rel .LBB2_1-.Ltmp0, $4  }
0x7: {  	s10 =	simm.s32 $0x0;
	s3 =	sadd.s32 $0x200, s7;
	s6 =	sor.u32 s1, s5  }
0x8: {  	[sflag:s4] =	ssyncpa.u1 $0x0;
	s5 =	simm.s32 $0x2;
	s6 =	sshll.u32 s6, $0x8  }
0x9: {  	s7 =	sadd.s32 $0x100200, s7;
	[sflag:s5] =	ssyncpa.u1 $0x0;
	s8 =	sadd.s32 $0x100, s6  }
0xa: {  	vm0 =	vmmov $0xff;
	vm1 =	vcmask $0x3F20;
	[sflag:s9] =	ssyncpa.u1 $0x0;
	s9 =	simm.s32 $0x100;
	s11 =	smov.u32 s6  }
.LBB2_9:
0xb: {  	p0 =	seq.s32 s10, $0x2  }
.Ltmp1:
0xc: {  	_ = 	snop;
	(pc) =	sbr.rel @p0 .LBB2_11-.Ltmp1, $1  }
0xd: {  	_ =	sdelay $0x3  }
.LBB2_10:
0xe: {  	s12 =	sadd.s32 $0x100, s11  }
0xf: {  	s13 =	smov.u32 s6;
	p0 =	slt.s32 s12, s8  }
0x10: {  	s13 =	smov.u32 @p0 s12  }
0x11: {  	s10 =	sadd.s32 $0x1, s10;
	s12 =	smov.u32 s11;
	s11 =	smov.u32 s13  }
.LBB2_1:
0x12: {  	p0 =	sne.s32 s10, $0x0  }
.Ltmp2:
0x13: {  	_ = 	snop;
	(pc) =	sbr.rel @!p0 .LBB2_2-.Ltmp2, $1  }
0x14: {  	_ =	sdelay $0x3  }
0x15: {  	s13 =	sand.u32 $0x1, s10  }
0x16: {  	p0 =	seq.s32 s13, $0x0  }
.Ltmp3:
0x17: {  	_ = 	snop;
	(pc) =	sbr.rel @p0 .LBB2_9-.Ltmp3, $1  }
0x18: {  	_ =	sdelay $0x3  }
0x19: {  	_ =	swait.ge [sflag:s5], $0x100  }
0x1a: {  	[sflag:s5] =	ssyncset.done $0x0  }
0x1b: {  	s13 =	simm.s32 $0x0;
	[sflag:s5] =	ssyncadd.s32 $0xFFFFFF00  }
0x1c: {  	v0 =	vld.msk [tilespmem:s13+$0x100 ss:$0x1], $0xffff;
	_ =	sdelay $0x4  }
0x1d: {  	v1 =	vshll.u32 v0, $0x3  }
0x1e: {  	vm2 =	veq.s32 v0, $0x80000000;
	v0 =	vshll.u32 v0, $0x12;
	v1 =	vand.u32 $0x3FF80, v1  }
0x1f: {  	v0 =	vand.u32 $0x3C0000, v0;
	v1 =	vsel vm2, $0xFFFFFF80, v1  }
0x20: {  	v0 =	vsel vm2, $0xFFFC0000, v0;
	v2 =	vand.u32 $0xFFFFFC00, v1  }
0x21: {  	v1 =	vand.u32 $0x380, v1;
	v0 =	vadd.s32 v0, v2  }
0x22: {  	v0 =	vor.u32 v1, v0  }
0x23: {  	v0 =	vshrl.u32 v0, $0x3;
	_ =	sdelay $0x3  }
0x24: {  	s13 =	simm.s32 $0x8200  }
0x25: {  	[tilespmem:s13], [sflag:$0x1] =	stream.indirect_vreg.gather [hbm:s3], $0x80, v0, vm0, $0x38;
	[tilespmem:$0x10200] =	vst v63  }
0x26: {  	s14 =	simm.s32 $0x8600;
	s31 =	simm.s32 $0x10  }
0x27: {  	[tilespmem:s14], [sflag:$0x1] =	stream.indirect_vreg.gather [hbm:s3], $0x80, v0, vm1, $0x38;
	[tilespmem:$0x10200] =	vst v63  }
0x28: {  	s14 =	simm.s32 $0x80;
	v0 =	vld.msk [tilespmem:s31+$0x100 ss:$0x1], $0xffff  }
.LBB2_5:
0x29: {  	p0 =	sne.s32 s14, $0x3C0;
	_ =	sdelay $0x4  }
0x2a: {  	v1 =	vshll.u32 v0, $0x3  }
0x2b: {  	vm2 =	veq.s32 v0, $0x80000000;
	v0 =	vshll.u32 v0, $0x12;
	v1 =	vand.u32 $0x3FF80, v1  }
0x2c: {  	v0 =	vand.u32 $0x3C0000, v0;
	v1 =	vsel vm2, $0xFFFFFF80, v1  }
0x2d: {  	v0 =	vsel vm2, $0xFFFC0000, v0;
	v2 =	vand.u32 $0xFFFFFC00, v1  }
0x2e: {  	v1 =	vand.u32 $0x380, v1;
	v0 =	vadd.s32 v0, v2  }
0x2f: {  	v0 =	vor.u32 v1, v0  }
0x30: {  	v0 =	vshrl.u32 v0, $0x3;
	_ =	sdelay $0x3  }
.Ltmp4:
0x31: {  	s13 =	sadd.s32 $0x800, s13;
	(pc) =	sbr.rel @p0 .LBB2_5-.Ltmp4, $4  }
0x32: {  	[tilespmem:s13], [sflag:$0x1] =	stream.indirect_vreg.gather [hbm:s3], $0x80, v0, vm0, $0x38;
	[tilespmem:$0x10200] =	vst v63  }
0x33: {  	s15 =	sshra.s32 s14, $0x2;
	s16 =	sadd.s32 $0x400, s13  }
0x34: {  	[tilespmem:s16], [sflag:$0x1] =	stream.indirect_vreg.gather [hbm:s3], $0x80, v0, vm1, $0x38;
	[tilespmem:$0x10200] =	vst v63  }
0x35: {  	s14 =	sadd.s32 $0x40, s14;
	v0 =	vld.msk [tilespmem:s15+$0x100 ss:$0x1], $0xffff  }
0x36: {  	_ =	sdelay $0x3  }
0x37: {  	v1 =	vshll.u32 v0, $0x3  }
0x38: {  	vm2 =	veq.s32 v0, $0x80000000;
	v63 =	vshll.u32 v0, $0x12;
	v1 =	vand.u32 $0x3FF80, v1  }
0x39: {  	v0 =	vand.u32 $0x3C0000, v63;
	v1 =	vsel vm2, $0xFFFFFF80, v1  }
0x3a: {  	v0 =	vsel vm2, $0xFFFC0000, v0;
	v2 =	vand.u32 $0xFFFFFC00, v1  }
0x3b: {  	v1 =	vand.u32 $0x380, v1;
	v0 =	vadd.s32 v0, v2  }
0x3c: {  	v0 =	vor.u32 v1, v0  }
0x3d: {  	v0 =	vshrl.u32 v0, $0x3;
	_ =	sdelay $0x3  }
0x3e: {  	s13 =	sadd.s32 $0x800, s13  }
0x3f: {  	[tilespmem:s13], [sflag:$0x1] =	stream.indirect_vreg.gather [hbm:s3], $0x80, v0, vm0, $0x38;
	[tilespmem:$0x10200] =	vst v63  }
0x40: {  	s13 =	sadd.s32 $0x400, s13  }
0x41: {  	[tilespmem:s13], [sflag:$0x1] =	stream.indirect_vreg.gather [hbm:s3], $0x80, v0, vm1, $0x38;
	[tilespmem:$0x10200] =	vst v63  }
0x42: {  	s12 =	sshll.u32 s12, $0x4;
	s14 =	simm.s32 $0x80;
	_ =	swait.ge [sflag:s4], $0x8000  }
0x43: {  	s15 =	simm.s32 $0x8600;
	s12 =	sadd.s32 s12, s2;
	[sflag:s4] =	ssyncset.done $0x0  }
0x44: {  	s16 =	sadd.s32 $0x0, s12;
	s13 =	simm.s32 $0x8200;
	[sflag:s4] =	ssyncadd.s32 $0xFFFF8000  }
.LBB2_7:
0x45: {  	[hbm:s16] =	stream.linear.scatter [tilespmem:s13], [sflag:$0x3], $0x400, $0x38;
	[tilespmem:$0x10200] =	vst v63  }
0x46: {  	s16 =	smov.u32 s14;
	s13 =	smov.u32 s15;
	p0 =	sne.s32 s14, $0xF80  }
.Ltmp5:
0x47: {  	s14 =	sadd.s32 $0x80, s14;
	(pc) =	sbr.rel @p0 .LBB2_7-.Ltmp5, $2  }
0x48: {  	_ =	sdelay $0x2  }
0x49: {  	s15 =	sadd.s32 $0x400, s15;
	s16 =	sadd.s32 s16, s12  }
.Ltmp6:
0x4a: {  	(pc) =	sbr.rel .LBB2_9-.Ltmp6, $2  }
0x4b: {  	_ =	sdelay $0x2  }
0x4c: {  	[hbm:s16] =	stream.linear.scatter [tilespmem:s13], [sflag:$0x3], $0x400, $0x38;
	[tilespmem:$0x10200] =	vst v63  }
.LBB2_2:
.Ltmp7:
0x4d: {  	(pc) =	sbr.rel .LBB2_10-.Ltmp7, $4  }
0x4e: {  	_ = 	snop  }
0x4f: {  	s12 =	sshrl.u32 s11, $0x3  }
0x50: {  	s13 =	sand.u32 $0x7, s11;
	s12 =	sadd.s32 s7, s12  }
0x51: {  	[tilespmem:s9], [sflag:$0x2] =	stream.linear.gather [hbm4b:s12+s13], $0x100, $0x38;
	[tilespmem:$0x10200] =	vst v63  }
.LBB2_11:
0x52: {  	s2 =	simm.s32 $0x3  }
0x53: {  	_ =	swait.ge [sflag:s2], $0x8000  }
0x54: {  	[sflag:s2] =	ssyncset.done $0x0  }
0x55: {  	[sflag:s2] =	ssyncadd.s32 $0xFFFF8000  }
0x56: {  	_ =	sfence.sel $0x180000  }
0x57: {  	s3 =	simm.s32 $0x2;
	[bflag:$0x0] =	sbarrier.arrive $0xFFFF  }
0x58: {  	[sflag:s3] =	ssyncpa.u1 $0x1  }
0x59: {  	s31 =	simm.s32 $0x1;
	[sflag:s2] =	ssyncpa.u1 $0x1  }
0x5a: {  	[sflag:s31] =	ssyncpa.u1 $0x1  }
0x5b: {  	p0 =	sne.s32 s1, $0x0;
	_ =	strace $0x90000047  }
0x5c: {  	s0 =	sadd.s32 @!p0 $0x100000, s0;
	[bflag:$0x2] =	sbarrier.arrive $0xFFFF  }
0x5d: {  	[sflag:s0] =	ssyncadd.tile.s32 @!p0 $0x1;
	_ =	shalt  }
.Lfunc_end2:
_tile_overlayer_lowered:
.L_overlay_start_2:
0x5e: {  	(tag) =	ssettag $0x2  }
0x5f: {  	s0 =	rddreg [dreg:$0x0];
	s2 =	stileid.u32  }
0x60: {  	s1 =	rddreg [dreg:$0x1];
	p0 =	sne.s32 s2, $0x0  }
0x61: {  	s3 =	rddreg [dreg:$0x2];
	[bflag:$0x3] =	sbarrier.arrive $0xFFFF;
	s2 =	simm.s32 @!p0 $0x1C01  }
0x62: {  	[timem:s3], [sflag:s2] =	dma.local @!p0 [hbm:s0], s1  }
0x63: {  	s0 =	simm.s32 @!p0 $0x1  }
0x64: {  	_ =	swait.ge @!p0 [sflag:s0], s1  }
0x65: {  	s1 =	ssub.s32 @!p0 $0x0, s1;
	[sflag:s0] =	ssyncset.done @!p0 $0x0  }
0x66: {  	[sflag:s0] =	ssyncadd.s32 @!p0 s1  }
0x67: {  	[bflag:$0x3] =	sbarrier.arrive $0xFFFF  }
0x68: {  	_ =	shalt  }

// kernel: gather_offload_async_start.4
scs
__scs_entry_jumppad:
0x0: {  	(pc) =	sbr.rel $0x88, $3  }
0x1: {  	(tag) =	ssettag $0x0;
	lr =	simm.s32 $0x1  }
0x2: {  	[smem:$0x3F15] =	sst lr;
	_ =	strace $0xD0000000  }
0x3: {  	_ = 	snop  }
0x4: {  	_ = 	snop  }
0x5: {  	_ = 	snop  }
0x6: {  	_ = 	snop  }
0x7: {  	_ = 	snop  }
__scs_overlays_trampoline_lowered:
0x8: {  	[smem:$0x3F24] =	sst s0  }
0x9: {  	[smem:$0x3F25] =	sst s1  }
0xa: {  	[smem:$0x3F26] =	sst s2  }
0xb: {  	[smem:$0x3F27] =	sst s3  }
0xc: {  	[smem:$0x3F28] =	sst s4  }
0xd: {  	[smem:$0x3F29] =	sst s5  }
0xe: {  	[smem:$0x3F2A] =	sst s6  }
0xf: {  	[smem:$0x3F2B] =	sst s7  }
0x10: {  	[smem:$0x3F2C] =	sst s8  }
0x11: {  	[smem:$0x3F2D] =	sst s9;
	s0 =	simm.s32 @!p0 $0x0  }
0x12: {  	s1 =	sld [smem:$0x3F13];
	s0 =	simm.s32 @p0 $0x1  }
0x13: {  	[smem:$0x3F2E] =	sst s0;
	s0 =	simm.s32 @!p1 $0x0  }
0x14: {  	s2 =	sld [smem:$0x3F12];
	s0 =	simm.s32 @p1 $0x1  }
0x15: {  	[smem:$0x3F2F] =	sst s0;
	s0 =	simm.s32 @!p2 $0x0  }
0x16: {  	s3 =	sld [smem:$0x3FDB];
	s0 =	simm.s32 @p2 $0x1  }
0x17: {  	s4 =	simm.s32 $0x1BF5;
	[smem:$0x3F31] =	sst s0  }
0x18: {  	s0 =	sld [smem:$0x3F14];
	_ =	swait.ge [sflag:s4], $0x0  }
0x19: {  	s7 =	sld [smem:$0x3F15]  }
0x1a: {  	s8 =	sadd.s32 $0xFFFFE003, lr  }
0x1b: {  	s9 =	sadd.s32 $0xFFFFFEF7, lr;
	s5 =	simm.s32 $0xFFFFFFFF;
	p2 =	slt.u32 s8, $0xFFFFF086  }
0x1c: {  	p1 =	slt.u32 s9, $0xF7A;
	s5 =	simm.s32 @!p2 $0x0  }
0x1d: {  	s5 =	simm.s32 @p1 $0x1;
	p0 =	seq.s32 s7, s2  }
0x1e: {  	s7 =	smul.u32 @!p0 $0xF7A, s2;
	p2 =	seq.s32 @!p0 s5, $0x0  }
0x1f: {  	s9 =	smul.u32 $0xF7A, s1;
	s8 =	simm.s32 @!p0 $0x1BF5;
	p2 =	por !p2, p0  }
0x20: {  	[sflag:s8] =	ssyncset.s32 @!p0 $0xFFFFF086;
	s6 =	sadd.s32 @!p0 s3, s7;
	s7 =	simm.s32 @!p0 $0x108  }
0x21: {  	s3 =	sadd.s32 s3, s9;
	s6 =	sadd.s32 @!p0 $0x88, s6;
	s7 =	simm.s32 @p2 $0x1082  }
0x22: {  	[simem:s7], [sflag:s8] =	dma.local @!p0 [hbm:s6], $0xF7A  }
0x23: {  	s9 =	sor.u32 $0xD0000000, s2;
	s6 =	simm.s32 $0x108;
	_ =	swait.ge @!p0 [sflag:s8], $0x0  }
0x24: {  	s3 =	sadd.s32 $0x88, s3;
	s6 =	simm.s32 @!p1 $0x1082;
	[sflag:s4] =	ssyncset.s32 $0xFFFFF086  }
0x25: {  	[simem:s6], [sflag:s4] =	dma.local [hbm:s3], $0xF7A  }
0x26: {  	[smem:$0x3F15] =	sst s1;
	(tag) =	ssettag s2;
	_ =	strace s9  }
0x27: {  	s1 =	sld [smem:$0x3F25]  }
0x28: {  	s2 =	sld [smem:$0x3F26]  }
0x29: {  	s4 =	sld [smem:$0x3F28]  }
0x2a: {  	p0 =	seq.s32 s5, $0x0;
	s5 =	sld [smem:$0x3F29]  }
0x2b: {  	s6 =	sld [smem:$0x3F2A]  }
0x2c: {  	s7 =	sld [smem:$0x3F2B]  }
0x2d: {  	s3 =	simm.s32 $0x108;
	s8 =	sld [smem:$0x3F2C]  }
0x2e: {  	s3 =	simm.s32 @!p0 $0x1082;
	s9 =	sld [smem:$0x3F2D]  }
0x2f: {  	lr =	sadd.s32 s0, s3;
	s0 =	sld [smem:$0x3F24]  }
0x30: {  	s3 =	sld [smem:$0x3F27]  }
0x31: {  	[smem:$0x3F30] =	sst s10  }
0x32: {  	s10 =	sld [smem:$0x3F2E];
	_ =	sdelay $0x3  }
0x33: {  	p0 =	seq.s32 s10, $0x1;
	s10 =	sld [smem:$0x3F30];
	_ =	sdelay $0x3  }
0x34: {  	[smem:$0x3F30] =	sst s10  }
0x35: {  	s10 =	sld [smem:$0x3F2F];
	_ =	sdelay $0x3  }
0x36: {  	p1 =	seq.s32 s10, $0x1;
	s10 =	sld [smem:$0x3F30];
	_ =	sdelay $0x3  }
0x37: {  	[smem:$0x3F30] =	sst s10  }
0x38: {  	s10 =	sld [smem:$0x3F31]  }
0x39: {  	_ = 	snop;
	(pc) =	sbr.ind lr, $3  }
0x3a: {  	_ = 	snop  }
0x3b: {  	_ = 	snop  }
0x3c: {  	p2 =	seq.s32 s10, $0x1;
	s10 =	sld [smem:$0x3F30]  }
0x3d: {  	_ =	shalt  }
0x3e: {  	_ =	shalt  }
0x3f: {  	_ =	shalt  }
0x40: {  	_ =	shalt  }
0x41: {  	_ =	shalt  }
0x42: {  	_ =	shalt  }
0x43: {  	_ =	shalt  }
0x44: {  	_ =	shalt  }
0x45: {  	_ =	shalt  }
0x46: {  	_ =	shalt  }
0x47: {  	_ =	shalt  }
0x48: {  	_ =	shalt  }
0x49: {  	_ =	shalt  }
0x4a: {  	_ =	shalt  }
0x4b: {  	_ =	shalt  }
0x4c: {  	_ =	shalt  }
0x4d: {  	_ =	shalt  }
0x4e: {  	_ =	shalt  }
0x4f: {  	_ =	shalt  }
0x50: {  	_ =	shalt  }
0x51: {  	_ =	shalt  }
0x52: {  	_ =	shalt  }
0x53: {  	_ =	shalt  }
0x54: {  	_ =	shalt  }
0x55: {  	_ =	shalt  }
0x56: {  	_ =	shalt  }
0x57: {  	_ =	shalt  }
0x58: {  	_ =	shalt  }
0x59: {  	_ =	shalt  }
0x5a: {  	_ =	shalt  }
0x5b: {  	_ =	shalt  }
0x5c: {  	_ =	shalt  }
0x5d: {  	_ =	shalt  }
0x5e: {  	_ =	shalt  }
0x5f: {  	_ =	shalt  }
0x60: {  	_ =	shalt  }
0x61: {  	_ =	shalt  }
0x62: {  	_ =	shalt  }
0x63: {  	_ =	shalt  }
0x64: {  	_ =	shalt  }
0x65: {  	_ =	shalt  }
0x66: {  	_ =	shalt  }
0x67: {  	_ =	shalt  }
0x68: {  	_ =	shalt  }
0x69: {  	_ =	shalt  }
0x6a: {  	_ =	shalt  }
0x6b: {  	_ =	shalt  }
0x6c: {  	_ =	shalt  }
0x6d: {  	_ =	shalt  }
0x6e: {  	_ =	shalt  }
0x6f: {  	_ =	shalt  }
0x70: {  	_ =	shalt  }
0x71: {  	_ =	shalt  }
0x72: {  	_ =	shalt  }
0x73: {  	_ =	shalt  }
0x74: {  	_ =	shalt  }
0x75: {  	_ =	shalt  }
0x76: {  	_ =	shalt  }
0x77: {  	_ =	shalt  }
0x78: {  	_ =	shalt  }
0x79: {  	_ =	shalt  }
0x7a: {  	_ =	shalt  }
0x7b: {  	_ =	shalt  }
0x7c: {  	_ =	shalt  }
0x7d: {  	_ =	shalt  }
0x7e: {  	_ =	shalt  }
0x7f: {  	_ =	shalt  }
0x80: {  	_ =	shalt  }
0x81: {  	_ =	shalt  }
0x82: {  	_ =	shalt  }
0x83: {  	_ =	shalt  }
0x84: {  	_ =	shalt  }
0x85: {  	_ =	shalt  }
0x86: {  	_ =	shalt  }
0x87: {  	_ =	shalt  }
.Lfunc_end0:
.L_simem_size_0:
called_computation.5_lowered:
.L_overlay_start_0:
0x88: {  	s2 =	sld [smem:$0x3FD9]  }
0x89: {  	s3 =	sld [smem:$0x3FFE];
	_ =	sdelay $0x1  }
0x8a: {  	s1 =	srdreg.scid  }
0x8b: {  	s0 =	sand.u32 $0x1, s1  }
0x8c: {  	s17 =	sshll.u32 s0, $0xA;
	s2 =	sadd.s32 s3, s2  }
0x8d: {  	s2 =	sadd.s32 s2, s17  }
0x8e: {  	[smem:$0x3F3C] =	sst s2  }
0x8f: {  	_ = 	snop  }
0x90: {  	s2 =	sld [smem:$0x3FD0];
	(tm) =	ssettm $0x1  }
0x91: {  	s18 =	sld [smem:$0x3FFB];
	_ =	sdelay $0x3  }
0x92: {  	_ =	strace s18  }
0x93: {  	s3 =	sld [smem:$0x3FFC];
	_ =	sdelay $0x3  }
0x94: {  	_ =	strace s3  }
0x95: {  	s3 =	sld [smem:$0x3FFD];
	_ =	sdelay $0x3  }
0x96: {  	_ =	strace s3  }
0x97: {  	_ =	strace $0x8FFFFFFF  }
0x98: {  	s19 =	sld [smem:$0x3FDB];
	_ =	sdelay $0x1  }
0x99: {  	s4 =	simm.s32 $_scs_section_size  }
0x9a: {  	s5 =	simm.s32 $_size__tile_overlayer_lowered;
	s6 =	simm.s32 $_tile_overlayer_lowered  }
0x9b: {  	s22 =	simm.s32 $0x1BFF;
	s21 =	sshll.u32 s6, $0x1;
	s3 =	sadd.s32 s4, s19  }
0x9c: {  	s7 =	simm.s32 $0x0;
	s20 =	sshll.u32 s5, $0x1;
	s5 =	sadd.s32 s21, s3  }
0x9d: {  	[timem:s7], [sflag:s22] =	dma.local [hbm:s5], s20  }
0x9e: {  	_ =	swait.ge [sflag:s22], s20  }
0x9f: {  	s4 =	ssub.s32 $0x0, s20;
	[sflag:s22] =	ssyncset.done $0x0  }
0xa0: {  	[sflag:s22] =	ssyncadd.s32 s4;
	_ =	sdelay $0x1  }
0xa1: {  	s23 =	simm.s32 $0x1B8B  }
0xa2: {  	_ =	swait.ge [sflag:s23], $0x1  }
0xa3: {  	[sflag:s23] =	ssyncset.done $0x0  }
0xa4: {  	s25 =	simm.s32 $0x1B8E;
	s24 =	sld [smem:$0x3FFE];
	[sflag:s23] =	ssyncadd.s32 $0xFFFFFFFF  }
0xa5: {  	s26 =	simm.s32 $execute0_lowered;
	[smem:$0x3FD2] =	sst s25  }
0xa6: {  	s5 =	sshll.u32 s26, $0x1;
	_ =	strace $0x8000004C;
	[dreg:$0x1] =	wrdreg $0xFFFFFFFF  }
0xa7: {  	s28 =	simm.s32 $_size_execute0_lowered;
	s3 =	sadd.s32 s3, s5;
	[dreg:$0x0] =	wrdreg $0x0  }
0xa8: {  	s5 =	sshll.u32 s28, $0x1;
	[dreg:$0x2] =	wrdreg s3  }
0xa9: {  	[dreg:$0x3] =	wrdreg s5  }
0xaa: {  	[dreg:$0x4] =	wrdreg $0xC0  }
0xab: {  	_ =	task [dreg:s7], $0x5FFFF  }
0xac: {  	[dreg:$0x1] =	wrdreg $0xFFFFFFFF  }
0xad: {  	[dreg:$0x0] =	wrdreg $0x60  }
0xae: {  	[dreg:$0x2] =	wrdreg s2  }
0xaf: {  	[dreg:$0x3] =	wrdreg s24  }
0xb0: {  	[dreg:$0x4] =	wrdreg $0x9  }
0xb1: {  	_ =	task.clear_ibuf [dreg:s7], $0x5FFFF;
	_ =	strace $0x9000004C  }
0xb2: {  	s29 =	simm.s32 $0x9;
	_ =	strace $0x8000004E  }
0xb3: {  	_ =	swait.ge [sflag:s29], $0x1  }
0xb4: {  	[sflag:s29] =	ssyncadd.s32 $0xFFFFFFFF  }
0xb5: {  	_ =	strace $0x9000004E  }
0xb6: {  	_ =	sfence  }
0xb7: {  	s30 =	sld [smem:$0x0];
	_ =	sdelay $0x2  }
0xb8: {  	s31 =	sshll.u32 s1, $0xD;
	s1 =	sshrl.u32 s1, $0x2  }
0xb9: {  	s3 =	sand.u32 $0x4000, s31;
	s1 =	sadd.s32 s1, s30  }
0xba: {  	s0 =	sor.u32 s3, s0;
	s1 =	sshll.u32 s1, $0x11  }
0xbb: {  	s0 =	sor.u32 s1, s0  }
0xbc: {  	s0 =	sadd.s32 $0x8F2B, s0  }
0xbd: {  	[sflag:s0] =	ssyncadd.remote.s32 $0x1  }
0xbe: {  	_ =	sfence.sel $0xFFFF  }
0xbf: {  	[dreg:$0x0] =	wrdreg $0xFFFFFFFF;
	(pc) =	sbr.abs _section_cstart, $3  }
0xc0: {  	[dreg:$0x1] =	wrdreg $0xFFFFFFFF  }
0xc1: {  	_ =	task.clear_ibuf [dreg:s7], $0x2FFFF;
	_ =	strace $0x9FFFFFFF  }
0xc2: {  	(tm) =	ssettm $0x7FFFFFFF  }
0xc3: {  	_ =	shalt  }
tec
execute0_lowered:
.L_overlay_start_1:
0x0: {  	(tag) =	ssettag $0x1  }
0x1: {  	s2 =	rddreg [dreg:$0x0]  }
0x2: {  	s7 =	rddreg [dreg:$0x1]  }
0x3: {  	s0 =	rddreg [dreg:$0x2]  }
0x4: {  	s1 =	srdreg.scid;
	_ =	strace $0x8000004D;
	s4 =	simm.s32 $0x1  }
0x5: {  	s9 =	simm.s32 $0x3;
	s12 =	simm.s32 $0x0;
	s5 =	sshll.u32 s1, $0x4  }
.Ltmp0:
0x6: {  	s1 =	stileid.u32;
	s5 =	sand.u32 $0x10, s5;
	(pc) =	sbr.rel .LBB2_1-.Ltmp0, $4  }
0x7: {  	s10 =	simm.s32 $0x0;
	s3 =	sadd.s32 $0x133800, s7;
	s6 =	sor.u32 s1, s5  }
0x8: {  	[sflag:s4] =	ssyncpa.u1 $0x0;
	s5 =	simm.s32 $0x2;
	s6 =	sshll.u32 s6, $0x8  }
0x9: {  	s7 =	sadd.s32 $0x103400, s7;
	[sflag:s5] =	ssyncpa.u1 $0x0;
	s8 =	sadd.s32 $0x100, s6  }
0xa: {  	vm0 =	vmmov $0xff;
	vm1 =	vcmask $0x3F20;
	[sflag:s9] =	ssyncpa.u1 $0x0;
	s9 =	simm.s32 $0x100;
	s11 =	smov.u32 s6  }
.LBB2_9:
0xb: {  	p0 =	seq.s32 s10, $0x2  }
.Ltmp1:
0xc: {  	_ = 	snop;
	(pc) =	sbr.rel @p0 .LBB2_11-.Ltmp1, $1  }
0xd: {  	_ =	sdelay $0x3  }
.LBB2_10:
0xe: {  	s12 =	sadd.s32 $0x100, s11  }
0xf: {  	s13 =	smov.u32 s6;
	p0 =	slt.s32 s12, s8  }
0x10: {  	s13 =	smov.u32 @p0 s12  }
0x11: {  	s10 =	sadd.s32 $0x1, s10;
	s12 =	smov.u32 s11;
	s11 =	smov.u32 s13  }
.LBB2_1:
0x12: {  	p0 =	sne.s32 s10, $0x0  }
.Ltmp2:
0x13: {  	_ = 	snop;
	(pc) =	sbr.rel @!p0 .LBB2_2-.Ltmp2, $1  }
0x14: {  	_ =	sdelay $0x3  }
0x15: {  	s13 =	sand.u32 $0x1, s10  }
0x16: {  	p0 =	seq.s32 s13, $0x0  }
.Ltmp3:
0x17: {  	_ = 	snop;
	(pc) =	sbr.rel @p0 .LBB2_9-.Ltmp3, $1  }
0x18: {  	_ =	sdelay $0x3  }
0x19: {  	_ =	swait.ge [sflag:s5], $0x100  }
0x1a: {  	[sflag:s5] =	ssyncset.done $0x0  }
0x1b: {  	s13 =	simm.s32 $0x0;
	[sflag:s5] =	ssyncadd.s32 $0xFFFFFF00  }
0x1c: {  	v0 =	vld.msk [tilespmem:s13+$0x100 ss:$0x1], $0xffff;
	_ =	sdelay $0x4  }
0x1d: {  	v1 =	vshll.u32 v0, $0x3  }
0x1e: {  	vm2 =	veq.s32 v0, $0x80000000;
	v0 =	vshll.u32 v0, $0x10;
	v1 =	vand.u32 $0xFF80, v1  }
0x1f: {  	v0 =	vand.u32 $0xF0000, v0;
	v1 =	vsel vm2, $0xFFFFFF80, v1  }
0x20: {  	v0 =	vsel vm2, $0xFFFF0000, v0;
	v2 =	vand.u32 $0xFFFFFC00, v1  }
0x21: {  	v1 =	vand.u32 $0x380, v1;
	v0 =	vadd.s32 v0, v2  }
0x22: {  	v0 =	vor.u32 v1, v0  }
0x23: {  	v0 =	vshrl.u32 v0, $0x3;
	_ =	sdelay $0x3  }
0x24: {  	s13 =	simm.s32 $0x8200  }
0x25: {  	[tilespmem:s13], [sflag:$0x1] =	stream.indirect_vreg.gather [hbm:s2], $0x80, v0, vm0, $0x38;
	[tilespmem:$0x10200] =	vst v63  }
0x26: {  	s14 =	simm.s32 $0x8600;
	s31 =	simm.s32 $0x10  }
0x27: {  	[tilespmem:s14], [sflag:$0x1] =	stream.indirect_vreg.gather [hbm:s2], $0x80, v0, vm1, $0x38;
	[tilespmem:$0x10200] =	vst v63  }
0x28: {  	s14 =	simm.s32 $0x80;
	v0 =	vld.msk [tilespmem:s31+$0x100 ss:$0x1], $0xffff  }
.LBB2_5:
0x29: {  	p0 =	sne.s32 s14, $0x3C0;
	_ =	sdelay $0x4  }
0x2a: {  	v1 =	vshll.u32 v0, $0x3  }
0x2b: {  	vm2 =	veq.s32 v0, $0x80000000;
	v0 =	vshll.u32 v0, $0x10;
	v1 =	vand.u32 $0xFF80, v1  }
0x2c: {  	v0 =	vand.u32 $0xF0000, v0;
	v1 =	vsel vm2, $0xFFFFFF80, v1  }
0x2d: {  	v0 =	vsel vm2, $0xFFFF0000, v0;
	v2 =	vand.u32 $0xFFFFFC00, v1  }
0x2e: {  	v1 =	vand.u32 $0x380, v1;
	v0 =	vadd.s32 v0, v2  }
0x2f: {  	v0 =	vor.u32 v1, v0  }
0x30: {  	v0 =	vshrl.u32 v0, $0x3;
	_ =	sdelay $0x3  }
.Ltmp4:
0x31: {  	s13 =	sadd.s32 $0x800, s13;
	(pc) =	sbr.rel @p0 .LBB2_5-.Ltmp4, $4  }
0x32: {  	[tilespmem:s13], [sflag:$0x1] =	stream.indirect_vreg.gather [hbm:s2], $0x80, v0, vm0, $0x38;
	[tilespmem:$0x10200] =	vst v63  }
0x33: {  	s15 =	sshra.s32 s14, $0x2;
	s16 =	sadd.s32 $0x400, s13  }
0x34: {  	[tilespmem:s16], [sflag:$0x1] =	stream.indirect_vreg.gather [hbm:s2], $0x80, v0, vm1, $0x38;
	[tilespmem:$0x10200] =	vst v63  }
0x35: {  	s14 =	sadd.s32 $0x40, s14;
	v0 =	vld.msk [tilespmem:s15+$0x100 ss:$0x1], $0xffff  }
0x36: {  	_ =	sdelay $0x3  }
0x37: {  	v1 =	vshll.u32 v0, $0x3  }
0x38: {  	vm2 =	veq.s32 v0, $0x80000000;
	v63 =	vshll.u32 v0, $0x10;
	v1 =	vand.u32 $0xFF80, v1  }
0x39: {  	v0 =	vand.u32 $0xF0000, v63;
	v1 =	vsel vm2, $0xFFFFFF80, v1  }
0x3a: {  	v0 =	vsel vm2, $0xFFFF0000, v0;
	v2 =	vand.u32 $0xFFFFFC00, v1  }
0x3b: {  	v1 =	vand.u32 $0x380, v1;
	v0 =	vadd.s32 v0, v2  }
0x3c: {  	v0 =	vor.u32 v1, v0  }
0x3d: {  	v0 =	vshrl.u32 v0, $0x3;
	_ =	sdelay $0x3  }
0x3e: {  	s13 =	sadd.s32 $0x800, s13  }
0x3f: {  	[tilespmem:s13], [sflag:$0x1] =	stream.indirect_vreg.gather [hbm:s2], $0x80, v0, vm0, $0x38;
	[tilespmem:$0x10200] =	vst v63  }
0x40: {  	s13 =	sadd.s32 $0x400, s13  }
0x41: {  	[tilespmem:s13], [sflag:$0x1] =	stream.indirect_vreg.gather [hbm:s2], $0x80, v0, vm1, $0x38;
	[tilespmem:$0x10200] =	vst v63  }
0x42: {  	s12 =	sshll.u32 s12, $0x4;
	s14 =	simm.s32 $0x80;
	_ =	swait.ge [sflag:s4], $0x8000  }
0x43: {  	s15 =	simm.s32 $0x8600;
	s12 =	sadd.s32 s12, s7;
	[sflag:s4] =	ssyncset.done $0x0  }
0x44: {  	s16 =	sadd.s32 $0x0, s12;
	s13 =	simm.s32 $0x8200;
	[sflag:s4] =	ssyncadd.s32 $0xFFFF8000  }
.LBB2_7:
0x45: {  	[hbm:s16] =	stream.linear.scatter [tilespmem:s13], [sflag:$0x3], $0x400, $0x38;
	[tilespmem:$0x10200] =	vst v63  }
0x46: {  	s16 =	smov.u32 s14;
	s13 =	smov.u32 s15;
	p0 =	sne.s32 s14, $0xF80  }
.Ltmp5:
0x47: {  	s14 =	sadd.s32 $0x80, s14;
	(pc) =	sbr.rel @p0 .LBB2_7-.Ltmp5, $2  }
0x48: {  	_ =	sdelay $0x2  }
0x49: {  	s15 =	sadd.s32 $0x400, s15;
	s16 =	sadd.s32 s16, s12  }
.Ltmp6:
0x4a: {  	(pc) =	sbr.rel .LBB2_9-.Ltmp6, $2  }
0x4b: {  	_ =	sdelay $0x2  }
0x4c: {  	[hbm:s16] =	stream.linear.scatter [tilespmem:s13], [sflag:$0x3], $0x400, $0x38;
	[tilespmem:$0x10200] =	vst v63  }
.LBB2_2:
.Ltmp7:
0x4d: {  	(pc) =	sbr.rel .LBB2_10-.Ltmp7, $4  }
0x4e: {  	_ = 	snop  }
0x4f: {  	s12 =	sshrl.u32 s11, $0x3  }
0x50: {  	s13 =	sand.u32 $0x7, s11;
	s12 =	sadd.s32 s3, s12  }
0x51: {  	[tilespmem:s9], [sflag:$0x2] =	stream.linear.gather [hbm4b:s12+s13], $0x100, $0x38;
	[tilespmem:$0x10200] =	vst v63  }
.LBB2_11:
0x52: {  	s2 =	simm.s32 $0x3  }
0x53: {  	_ =	swait.ge [sflag:s2], $0x8000  }
0x54: {  	[sflag:s2] =	ssyncset.done $0x0  }
0x55: {  	[sflag:s2] =	ssyncadd.s32 $0xFFFF8000  }
0x56: {  	_ =	sfence.sel $0x180000  }
0x57: {  	s3 =	simm.s32 $0x2;
	[bflag:$0x0] =	sbarrier.arrive $0xFFFF  }
0x58: {  	[sflag:s3] =	ssyncpa.u1 $0x1  }
0x59: {  	s31 =	simm.s32 $0x1;
	[sflag:s2] =	ssyncpa.u1 $0x1  }
0x5a: {  	[sflag:s31] =	ssyncpa.u1 $0x1  }
0x5b: {  	p0 =	sne.s32 s1, $0x0;
	_ =	strace $0x9000004D  }
0x5c: {  	s0 =	sadd.s32 @!p0 $0x100000, s0;
	[bflag:$0x2] =	sbarrier.arrive $0xFFFF  }
0x5d: {  	[sflag:s0] =	ssyncadd.tile.s32 @!p0 $0x1;
	_ =	shalt  }
.Lfunc_end2:
_tile_overlayer_lowered:
.L_overlay_start_2:
0x5e: {  	(tag) =	ssettag $0x2  }
0x5f: {  	s0 =	rddreg [dreg:$0x0];
	s2 =	stileid.u32  }
0x60: {  	s1 =	rddreg [dreg:$0x1];
	p0 =	sne.s32 s2, $0x0  }
0x61: {  	s3 =	rddreg [dreg:$0x2];
	[bflag:$0x3] =	sbarrier.arrive $0xFFFF;
	s2 =	simm.s32 @!p0 $0x1C01  }
0x62: {  	[timem:s3], [sflag:s2] =	dma.local @!p0 [hbm:s0], s1  }
0x63: {  	s0 =	simm.s32 @!p0 $0x1  }
0x64: {  	_ =	swait.ge @!p0 [sflag:s0], s1  }
0x65: {  	s1 =	ssub.s32 @!p0 $0x0, s1;
	[sflag:s0] =	ssyncset.done @!p0 $0x0  }
0x66: {  	[sflag:s0] =	ssyncadd.s32 @!p0 s1  }
0x67: {  	[bflag:$0x3] =	sbarrier.arrive $0xFFFF  }
0x68: {  	_ =	shalt  }

// kernel: gather_offload_async_start.5
scs
__scs_entry_jumppad:
0x0: {  	(pc) =	sbr.rel $0x88, $3  }
0x1: {  	(tag) =	ssettag $0x0;
	lr =	simm.s32 $0x1  }
0x2: {  	[smem:$0x3F15] =	sst lr;
	_ =	strace $0xD0000000  }
0x3: {  	_ = 	snop  }
0x4: {  	_ = 	snop  }
0x5: {  	_ = 	snop  }
0x6: {  	_ = 	snop  }
0x7: {  	_ = 	snop  }
__scs_overlays_trampoline_lowered:
0x8: {  	[smem:$0x3F24] =	sst s0  }
0x9: {  	[smem:$0x3F25] =	sst s1  }
0xa: {  	[smem:$0x3F26] =	sst s2  }
0xb: {  	[smem:$0x3F27] =	sst s3  }
0xc: {  	[smem:$0x3F28] =	sst s4  }
0xd: {  	[smem:$0x3F29] =	sst s5  }
0xe: {  	[smem:$0x3F2A] =	sst s6  }
0xf: {  	[smem:$0x3F2B] =	sst s7  }
0x10: {  	[smem:$0x3F2C] =	sst s8  }
0x11: {  	[smem:$0x3F2D] =	sst s9;
	s0 =	simm.s32 @!p0 $0x0  }
0x12: {  	s1 =	sld [smem:$0x3F13];
	s0 =	simm.s32 @p0 $0x1  }
0x13: {  	[smem:$0x3F2E] =	sst s0;
	s0 =	simm.s32 @!p1 $0x0  }
0x14: {  	s2 =	sld [smem:$0x3F12];
	s0 =	simm.s32 @p1 $0x1  }
0x15: {  	[smem:$0x3F2F] =	sst s0;
	s0 =	simm.s32 @!p2 $0x0  }
0x16: {  	s3 =	sld [smem:$0x3FDB];
	s0 =	simm.s32 @p2 $0x1  }
0x17: {  	s4 =	simm.s32 $0x1BF5;
	[smem:$0x3F31] =	sst s0  }
0x18: {  	s0 =	sld [smem:$0x3F14];
	_ =	swait.ge [sflag:s4], $0x0  }
0x19: {  	s7 =	sld [smem:$0x3F15]  }
0x1a: {  	s8 =	sadd.s32 $0xFFFFE003, lr  }
0x1b: {  	s9 =	sadd.s32 $0xFFFFFEF7, lr;
	s5 =	simm.s32 $0xFFFFFFFF;
	p2 =	slt.u32 s8, $0xFFFFF086  }
0x1c: {  	p1 =	slt.u32 s9, $0xF7A;
	s5 =	simm.s32 @!p2 $0x0  }
0x1d: {  	s5 =	simm.s32 @p1 $0x1;
	p0 =	seq.s32 s7, s2  }
0x1e: {  	s7 =	smul.u32 @!p0 $0xF7A, s2;
	p2 =	seq.s32 @!p0 s5, $0x0  }
0x1f: {  	s9 =	smul.u32 $0xF7A, s1;
	s8 =	simm.s32 @!p0 $0x1BF5;
	p2 =	por !p2, p0  }
0x20: {  	[sflag:s8] =	ssyncset.s32 @!p0 $0xFFFFF086;
	s6 =	sadd.s32 @!p0 s3, s7;
	s7 =	simm.s32 @!p0 $0x108  }
0x21: {  	s3 =	sadd.s32 s3, s9;
	s6 =	sadd.s32 @!p0 $0x88, s6;
	s7 =	simm.s32 @p2 $0x1082  }
0x22: {  	[simem:s7], [sflag:s8] =	dma.local @!p0 [hbm:s6], $0xF7A  }
0x23: {  	s9 =	sor.u32 $0xD0000000, s2;
	s6 =	simm.s32 $0x108;
	_ =	swait.ge @!p0 [sflag:s8], $0x0  }
0x24: {  	s3 =	sadd.s32 $0x88, s3;
	s6 =	simm.s32 @!p1 $0x1082;
	[sflag:s4] =	ssyncset.s32 $0xFFFFF086  }
0x25: {  	[simem:s6], [sflag:s4] =	dma.local [hbm:s3], $0xF7A  }
0x26: {  	[smem:$0x3F15] =	sst s1;
	(tag) =	ssettag s2;
	_ =	strace s9  }
0x27: {  	s1 =	sld [smem:$0x3F25]  }
0x28: {  	s2 =	sld [smem:$0x3F26]  }
0x29: {  	s4 =	sld [smem:$0x3F28]  }
0x2a: {  	p0 =	seq.s32 s5, $0x0;
	s5 =	sld [smem:$0x3F29]  }
0x2b: {  	s6 =	sld [smem:$0x3F2A]  }
0x2c: {  	s7 =	sld [smem:$0x3F2B]  }
0x2d: {  	s3 =	simm.s32 $0x108;
	s8 =	sld [smem:$0x3F2C]  }
0x2e: {  	s3 =	simm.s32 @!p0 $0x1082;
	s9 =	sld [smem:$0x3F2D]  }
0x2f: {  	lr =	sadd.s32 s0, s3;
	s0 =	sld [smem:$0x3F24]  }
0x30: {  	s3 =	sld [smem:$0x3F27]  }
0x31: {  	[smem:$0x3F30] =	sst s10  }
0x32: {  	s10 =	sld [smem:$0x3F2E];
	_ =	sdelay $0x3  }
0x33: {  	p0 =	seq.s32 s10, $0x1;
	s10 =	sld [smem:$0x3F30];
	_ =	sdelay $0x3  }
0x34: {  	[smem:$0x3F30] =	sst s10  }
0x35: {  	s10 =	sld [smem:$0x3F2F];
	_ =	sdelay $0x3  }
0x36: {  	p1 =	seq.s32 s10, $0x1;
	s10 =	sld [smem:$0x3F30];
	_ =	sdelay $0x3  }
0x37: {  	[smem:$0x3F30] =	sst s10  }
0x38: {  	s10 =	sld [smem:$0x3F31]  }
0x39: {  	_ = 	snop;
	(pc) =	sbr.ind lr, $3  }
0x3a: {  	_ = 	snop  }
0x3b: {  	_ = 	snop  }
0x3c: {  	p2 =	seq.s32 s10, $0x1;
	s10 =	sld [smem:$0x3F30]  }
0x3d: {  	_ =	shalt  }
0x3e: {  	_ =	shalt  }
0x3f: {  	_ =	shalt  }
0x40: {  	_ =	shalt  }
0x41: {  	_ =	shalt  }
0x42: {  	_ =	shalt  }
0x43: {  	_ =	shalt  }
0x44: {  	_ =	shalt  }
0x45: {  	_ =	shalt  }
0x46: {  	_ =	shalt  }
0x47: {  	_ =	shalt  }
0x48: {  	_ =	shalt  }
0x49: {  	_ =	shalt  }
0x4a: {  	_ =	shalt  }
0x4b: {  	_ =	shalt  }
0x4c: {  	_ =	shalt  }
0x4d: {  	_ =	shalt  }
0x4e: {  	_ =	shalt  }
0x4f: {  	_ =	shalt  }
0x50: {  	_ =	shalt  }
0x51: {  	_ =	shalt  }
0x52: {  	_ =	shalt  }
0x53: {  	_ =	shalt  }
0x54: {  	_ =	shalt  }
0x55: {  	_ =	shalt  }
0x56: {  	_ =	shalt  }
0x57: {  	_ =	shalt  }
0x58: {  	_ =	shalt  }
0x59: {  	_ =	shalt  }
0x5a: {  	_ =	shalt  }
0x5b: {  	_ =	shalt  }
0x5c: {  	_ =	shalt  }
0x5d: {  	_ =	shalt  }
0x5e: {  	_ =	shalt  }
0x5f: {  	_ =	shalt  }
0x60: {  	_ =	shalt  }
0x61: {  	_ =	shalt  }
0x62: {  	_ =	shalt  }
0x63: {  	_ =	shalt  }
0x64: {  	_ =	shalt  }
0x65: {  	_ =	shalt  }
0x66: {  	_ =	shalt  }
0x67: {  	_ =	shalt  }
0x68: {  	_ =	shalt  }
0x69: {  	_ =	shalt  }
0x6a: {  	_ =	shalt  }
0x6b: {  	_ =	shalt  }
0x6c: {  	_ =	shalt  }
0x6d: {  	_ =	shalt  }
0x6e: {  	_ =	shalt  }
0x6f: {  	_ =	shalt  }
0x70: {  	_ =	shalt  }
0x71: {  	_ =	shalt  }
0x72: {  	_ =	shalt  }
0x73: {  	_ =	shalt  }
0x74: {  	_ =	shalt  }
0x75: {  	_ =	shalt  }
0x76: {  	_ =	shalt  }
0x77: {  	_ =	shalt  }
0x78: {  	_ =	shalt  }
0x79: {  	_ =	shalt  }
0x7a: {  	_ =	shalt  }
0x7b: {  	_ =	shalt  }
0x7c: {  	_ =	shalt  }
0x7d: {  	_ =	shalt  }
0x7e: {  	_ =	shalt  }
0x7f: {  	_ =	shalt  }
0x80: {  	_ =	shalt  }
0x81: {  	_ =	shalt  }
0x82: {  	_ =	shalt  }
0x83: {  	_ =	shalt  }
0x84: {  	_ =	shalt  }
0x85: {  	_ =	shalt  }
0x86: {  	_ =	shalt  }
0x87: {  	_ =	shalt  }
.Lfunc_end0:
.L_simem_size_0:
called_computation.6_lowered:
.L_overlay_start_0:
0x88: {  	s2 =	sld [smem:$0x3FD9]  }
0x89: {  	s3 =	sld [smem:$0x3FFE];
	_ =	sdelay $0x1  }
0x8a: {  	s1 =	srdreg.scid  }
0x8b: {  	s0 =	sand.u32 $0x1, s1  }
0x8c: {  	s16 =	sshll.u32 s0, $0xA;
	s2 =	sadd.s32 s3, s2  }
0x8d: {  	s2 =	sadd.s32 s2, s16  }
0x8e: {  	[smem:$0x3F3C] =	sst s2  }
0x8f: {  	_ = 	snop  }
0x90: {  	(tm) =	ssettm $0x1  }
0x91: {  	s17 =	sld [smem:$0x3FFB];
	_ =	sdelay $0x3  }
0x92: {  	_ =	strace s17  }
0x93: {  	s2 =	sld [smem:$0x3FFC];
	_ =	sdelay $0x3  }
0x94: {  	_ =	strace s2  }
0x95: {  	s2 =	sld [smem:$0x3FFD];
	_ =	sdelay $0x3  }
0x96: {  	_ =	strace s2  }
0x97: {  	_ =	strace $0x8FFFFFFF  }
0x98: {  	s18 =	sld [smem:$0x3FDB];
	_ =	sdelay $0x1  }
0x99: {  	s19 =	simm.s32 $_scs_section_size  }
0x9a: {  	s4 =	simm.s32 $_size__tile_overlayer_lowered;
	s5 =	simm.s32 $_tile_overlayer_lowered  }
0x9b: {  	s22 =	simm.s32 $0x1BFF;
	s21 =	sshll.u32 s5, $0x1;
	s2 =	sadd.s32 s19, s18  }
0x9c: {  	s6 =	simm.s32 $0x0;
	s20 =	sshll.u32 s4, $0x1;
	s4 =	sadd.s32 s21, s2  }
0x9d: {  	[timem:s6], [sflag:s22] =	dma.local [hbm:s4], s20  }
0x9e: {  	_ =	swait.ge [sflag:s22], s20  }
0x9f: {  	s3 =	ssub.s32 $0x0, s20;
	[sflag:s22] =	ssyncset.done $0x0  }
0xa0: {  	[sflag:s22] =	ssyncadd.s32 s3;
	_ =	sdelay $0x1  }
0xa1: {  	s23 =	simm.s32 $0x1B8B  }
0xa2: {  	_ =	swait.ge [sflag:s23], $0x1  }
0xa3: {  	[sflag:s23] =	ssyncset.done $0x0  }
0xa4: {  	s25 =	simm.s32 $0x1B8E;
	s24 =	sld [smem:$0x3FFE];
	[sflag:s23] =	ssyncadd.s32 $0xFFFFFFFF  }
0xa5: {  	s26 =	simm.s32 $execute0_lowered;
	[smem:$0x3FD2] =	sst s25  }
0xa6: {  	s4 =	sshll.u32 s26, $0x1;
	_ =	strace $0x80000052;
	[dreg:$0x1] =	wrdreg $0xFFFFFFFF  }
0xa7: {  	s28 =	simm.s32 $_size_execute0_lowered;
	s2 =	sadd.s32 s2, s4;
	[dreg:$0x0] =	wrdreg $0x0  }
0xa8: {  	s4 =	sshll.u32 s28, $0x1;
	[dreg:$0x2] =	wrdreg s2  }
0xa9: {  	[dreg:$0x3] =	wrdreg s4  }
0xaa: {  	[dreg:$0x4] =	wrdreg $0xC0  }
0xab: {  	_ =	task [dreg:s6], $0x5FFFF  }
0xac: {  	[dreg:$0x1] =	wrdreg $0xFFFFFFFF  }
0xad: {  	[dreg:$0x0] =	wrdreg $0x60  }
0xae: {  	[dreg:$0x2] =	wrdreg s24  }
0xaf: {  	[dreg:$0x3] =	wrdreg $0x9  }
0xb0: {  	_ =	task.clear_ibuf [dreg:s6], $0x4FFFF;
	_ =	strace $0x90000052  }
0xb1: {  	s29 =	simm.s32 $0x9;
	_ =	strace $0x80000054  }
0xb2: {  	_ =	swait.ge [sflag:s29], $0x1  }
0xb3: {  	[sflag:s29] =	ssyncadd.s32 $0xFFFFFFFF  }
0xb4: {  	_ =	strace $0x90000054  }
0xb5: {  	_ =	sfence  }
0xb6: {  	s30 =	sld [smem:$0x0];
	_ =	sdelay $0x2  }
0xb7: {  	s31 =	sshll.u32 s1, $0xD;
	s1 =	sshrl.u32 s1, $0x2  }
0xb8: {  	s3 =	sand.u32 $0x4000, s31;
	s1 =	sadd.s32 s1, s30  }
0xb9: {  	s0 =	sor.u32 s3, s0;
	s1 =	sshll.u32 s1, $0x11  }
0xba: {  	s0 =	sor.u32 s1, s0  }
0xbb: {  	s0 =	sadd.s32 $0x8F2B, s0  }
0xbc: {  	[sflag:s0] =	ssyncadd.remote.s32 $0x1  }
0xbd: {  	_ =	sfence.sel $0xFFFF  }
0xbe: {  	[dreg:$0x0] =	wrdreg $0xFFFFFFFF;
	(pc) =	sbr.abs _section_cstart, $3  }
0xbf: {  	[dreg:$0x1] =	wrdreg $0xFFFFFFFF  }
0xc0: {  	_ =	task.clear_ibuf [dreg:s6], $0x2FFFF;
	_ =	strace $0x9FFFFFFF  }
0xc1: {  	(tm) =	ssettm $0x7FFFFFFF  }
tec
execute0_lowered:
.L_overlay_start_1:
0x0: {  	(tag) =	ssettag $0x1  }
0x1: {  	s7 =	rddreg [dreg:$0x0]  }
0x2: {  	s0 =	rddreg [dreg:$0x1];
	_ =	strace $0x80000053  }
0x3: {  	s1 =	srdreg.scid;
	s4 =	simm.s32 $0x1;
	s9 =	simm.s32 $0x3  }
0x4: {  	s12 =	simm.s32 $0x0;
	s10 =	simm.s32 $0x0;
	s5 =	sshll.u32 s1, $0x4  }
.Ltmp0:
0x5: {  	s1 =	stileid.u32;
	s5 =	sand.u32 $0x10, s5;
	(pc) =	sbr.rel .LBB2_1-.Ltmp0, $4  }
0x6: {  	s2 =	sadd.s32 $0x115400, s7;
	s3 =	sadd.s32 $0x13AC00, s7;
	s6 =	sor.u32 s1, s5  }
0x7: {  	[sflag:s4] =	ssyncpa.u1 $0x0;
	s5 =	simm.s32 $0x2;
	s6 =	sshll.u32 s6, $0x6  }
0x8: {  	s7 =	sadd.s32 $0x1E7400, s7;
	[sflag:s5] =	ssyncpa.u1 $0x0;
	s8 =	sadd.s32 $0x40, s6  }
0x9: {  	vm0 =	vmmov $0xff;
	vm1 =	vcmask $0x3F20;
	[sflag:s9] =	ssyncpa.u1 $0x0;
	s9 =	simm.s32 $0x40;
	s11 =	smov.u32 s6  }
.LBB2_10:
0xa: {  	[hbm:s16] =	stream.linear.scatter [tilespmem:s13], [sflag:$0x3], $0x800, $0x38;
	[tilespmem:$0x8080] =	vst v63  }
.LBB2_11:
0xb: {  	p0 =	seq.s32 s10, $0x2  }
.Ltmp1:
0xc: {  	_ = 	snop;
	(pc) =	sbr.rel @p0 .LBB2_13-.Ltmp1, $1  }
0xd: {  	_ =	sdelay $0x3  }
.LBB2_12:
0xe: {  	s12 =	sadd.s32 $0x40, s11  }
0xf: {  	s13 =	smov.u32 s6;
	p0 =	slt.s32 s12, s8  }
0x10: {  	s13 =	smov.u32 @p0 s12  }
0x11: {  	s10 =	sadd.s32 $0x1, s10;
	s12 =	smov.u32 s11;
	s11 =	smov.u32 s13  }
.LBB2_1:
0x12: {  	p0 =	sne.s32 s10, $0x0  }
.Ltmp2:
0x13: {  	_ = 	snop;
	(pc) =	sbr.rel @!p0 .LBB2_2-.Ltmp2, $1  }
0x14: {  	_ =	sdelay $0x3  }
0x15: {  	s13 =	sand.u32 $0x1, s10  }
0x16: {  	p0 =	seq.s32 s13, $0x0  }
.Ltmp3:
0x17: {  	_ = 	snop;
	(pc) =	sbr.rel @p0 .LBB2_11-.Ltmp3, $1  }
0x18: {  	_ =	sdelay $0x3  }
0x19: {  	_ =	swait.ge [sflag:s5], $0x40  }
0x1a: {  	[sflag:s5] =	ssyncset.done $0x0  }
0x1b: {  	s13 =	simm.s32 $0x0;
	[sflag:s5] =	ssyncadd.s32 $0xFFFFFFC0  }
.LBB2_5:
0x1c: {  	s14 =	sshll.u32 s13, $0x4  }
0x1d: {  	s14 =	sand.u32 $0x3FFFFFF0, s14  }
0x1e: {  	v0 =	vld.msk [tilespmem:s14+$0x40 ss:$0x1], $0xffff;
	_ =	sdelay $0x4  }
0x1f: {  	v1 =	vshrl.u32 v0, $0x4  }
0x20: {  	vm2 =	veq.s32 v0, $0x80000000;
	v1 =	vand.u32 $0x7F, v1  }
0x21: {  	v0 =	vshll.u32 v0, $0xF;
	v1 =	vsel vm2, $0xFFFFFFFF, v1  }
0x22: {  	v0 =	vand.u32 $0x78000, v0;
	v2 =	vshll.u32 v1, $0x8  }
0x23: {  	v0 =	vsel vm2, $0xFFFF8000, v0;
	v1 =	vshll.u32 v1, $0x7;
	v2 =	vand.u32 $0xFFFFF800, v2  }
0x24: {  	s31 =	sshll.u32 s13, $0xC;
	v1 =	vand.u32 $0x380, v1;
	v0 =	vadd.s32 v0, v2  }
0x25: {  	s14 =	sand.u32 $0x3FFFF000, s31;
	v0 =	vor.u32 v1, v0  }
0x26: {  	p0 =	por $0x1, $0x1;
	s15 =	simm.s32 $0x0;
	s14 =	sadd.s32 $0x4080, s14;
	v0 =	vshrl.u32 v0, $0x3  }
.LBB2_6:
0x27: {  	_ =	sdelay $0x1  }
0x28: {  	s15 =	sshra.s32 s15, $0x2;
	p1 =	por p0, p0  }
.Ltmp4:
0x29: {  	s15 =	sadd.s32 s15, s14;
	(pc) =	sbr.rel @p1 .LBB2_6-.Ltmp4, $4  }
0x2a: {  	[tilespmem:s15], [sflag:$0x1] =	stream.indirect_vreg.gather [hbm:s2], $0x80, v0, vm0, $0x38;
	[tilespmem:$0x8080] =	vst v63  }
0x2b: {  	s15 =	sadd.s32 $0x800, s15  }
0x2c: {  	[tilespmem:s15], [sflag:$0x1] =	stream.indirect_vreg.gather [hbm:s2], $0x80, v0, vm1, $0x38;
	[tilespmem:$0x8080] =	vst v63  }
0x2d: {  	p0 =	por $0x0, $0x0;
	v0 =	vadd.s32 $0x80, v0;
	s15 =	simm.s32 $0x1000  }
0x2e: {  	s13 =	sadd.s32 $0x1, s13  }
0x2f: {  	p0 =	sne.s32 s13, $0x4  }
.Ltmp5:
0x30: {  	_ = 	snop;
	(pc) =	sbr.rel @p0 .LBB2_5-.Ltmp5, $1  }
0x31: {  	_ =	sdelay $0x3  }
0x32: {  	s13 =	sshll.u32 s12, $0x5  }
0x33: {  	_ =	swait.ge [sflag:s4], $0x4000;
	s31 =	sshll.u32 s12, $0x4;
	s13 =	sand.u32 $0xFFFFFF00, s13  }
0x34: {  	s14 =	simm.s32 $0x100;
	s12 =	sand.u32 $0x70, s31;
	s13 =	sadd.s32 s13, s7  }
0x35: {  	s15 =	simm.s32 $0x4880;
	[sflag:s4] =	ssyncset.done $0x0;
	s12 =	sadd.s32 s12, s13  }
0x36: {  	[sflag:s4] =	ssyncadd.s32 $0xFFFFC000;
	s13 =	simm.s32 $0x4080;
	s16 =	sadd.s32 $0x0, s12  }
.LBB2_9:
0x37: {  	[hbm:s16] =	stream.linear.scatter [tilespmem:s13], [sflag:$0x3], $0x800, $0x38;
	[tilespmem:$0x8080] =	vst v63  }
0x38: {  	s16 =	smov.u32 s14;
	s13 =	smov.u32 s15;
	p0 =	sne.s32 s14, $0x700  }
.Ltmp6:
0x39: {  	s14 =	sadd.s32 $0x100, s14;
	(pc) =	sbr.rel @p0 .LBB2_9-.Ltmp6, $2  }
0x3a: {  	_ =	sdelay $0x2  }
0x3b: {  	s15 =	sadd.s32 $0x800, s15;
	s16 =	sadd.s32 s16, s12  }
.Ltmp7:
0x3c: {  	_ = 	snop;
	(pc) =	sbr.rel .LBB2_10-.Ltmp7, $1  }
0x3d: {  	_ =	sdelay $0x3  }
.LBB2_2:
.Ltmp8:
0x3e: {  	(pc) =	sbr.rel .LBB2_12-.Ltmp8, $4  }
0x3f: {  	_ = 	snop  }
0x40: {  	s12 =	sshrl.u32 s11, $0x3  }
0x41: {  	s13 =	sand.u32 $0x7, s11;
	s12 =	sadd.s32 s3, s12  }
0x42: {  	[tilespmem:s9], [sflag:$0x2] =	stream.linear.gather [hbm4b:s12+s13], $0x40, $0x38;
	[tilespmem:$0x8080] =	vst v63  }
.LBB2_13:
0x43: {  	s2 =	simm.s32 $0x3  }
0x44: {  	_ =	swait.ge [sflag:s2], $0x4000  }
0x45: {  	[sflag:s2] =	ssyncset.done $0x0  }
0x46: {  	[sflag:s2] =	ssyncadd.s32 $0xFFFFC000  }
0x47: {  	_ =	sfence.sel $0x180000  }
0x48: {  	s3 =	simm.s32 $0x2;
	[bflag:$0x0] =	sbarrier.arrive $0xFFFF  }
0x49: {  	[sflag:s3] =	ssyncpa.u1 $0x1  }
0x4a: {  	s31 =	simm.s32 $0x1;
	[sflag:s2] =	ssyncpa.u1 $0x1  }
0x4b: {  	[sflag:s31] =	ssyncpa.u1 $0x1  }
0x4c: {  	p0 =	sne.s32 s1, $0x0;
	_ =	strace $0x90000053  }
0x4d: {  	s0 =	sadd.s32 @!p0 $0x100000, s0;
	[bflag:$0x2] =	sbarrier.arrive $0xFFFF  }
0x4e: {  	[sflag:s0] =	ssyncadd.tile.s32 @!p0 $0x1;
	_ =	shalt  }
.Lfunc_end2:
_tile_overlayer_lowered:
.L_overlay_start_2:
0x4f: {  	(tag) =	ssettag $0x2  }
0x50: {  	s0 =	rddreg [dreg:$0x0];
	s2 =	stileid.u32  }
0x51: {  	s1 =	rddreg [dreg:$0x1];
	p0 =	sne.s32 s2, $0x0  }
0x52: {  	s3 =	rddreg [dreg:$0x2];
	[bflag:$0x3] =	sbarrier.arrive $0xFFFF;
	s2 =	simm.s32 @!p0 $0x1C01  }
0x53: {  	[timem:s3], [sflag:s2] =	dma.local @!p0 [hbm:s0], s1  }
0x54: {  	s0 =	simm.s32 @!p0 $0x1  }
0x55: {  	_ =	swait.ge @!p0 [sflag:s0], s1  }
0x56: {  	s1 =	ssub.s32 @!p0 $0x0, s1;
	[sflag:s0] =	ssyncset.done @!p0 $0x0  }
0x57: {  	[sflag:s0] =	ssyncadd.s32 @!p0 s1  }
0x58: {  	[bflag:$0x3] =	sbarrier.arrive $0xFFFF  }
0x59: {  	_ =	shalt  }

// kernel: gather_offload_async_start.6
scs
__scs_entry_jumppad:
0x0: {  	(pc) =	sbr.rel $0x88, $3  }
0x1: {  	(tag) =	ssettag $0x0;
	lr =	simm.s32 $0x1  }
0x2: {  	[smem:$0x3F15] =	sst lr;
	_ =	strace $0xD0000000  }
0x3: {  	_ = 	snop  }
0x4: {  	_ = 	snop  }
0x5: {  	_ = 	snop  }
0x6: {  	_ = 	snop  }
0x7: {  	_ = 	snop  }
__scs_overlays_trampoline_lowered:
0x8: {  	[smem:$0x3F24] =	sst s0  }
0x9: {  	[smem:$0x3F25] =	sst s1  }
0xa: {  	[smem:$0x3F26] =	sst s2  }
0xb: {  	[smem:$0x3F27] =	sst s3  }
0xc: {  	[smem:$0x3F28] =	sst s4  }
0xd: {  	[smem:$0x3F29] =	sst s5  }
0xe: {  	[smem:$0x3F2A] =	sst s6  }
0xf: {  	[smem:$0x3F2B] =	sst s7  }
0x10: {  	[smem:$0x3F2C] =	sst s8  }
0x11: {  	[smem:$0x3F2D] =	sst s9;
	s0 =	simm.s32 @!p0 $0x0  }
0x12: {  	s1 =	sld [smem:$0x3F13];
	s0 =	simm.s32 @p0 $0x1  }
0x13: {  	[smem:$0x3F2E] =	sst s0;
	s0 =	simm.s32 @!p1 $0x0  }
0x14: {  	s2 =	sld [smem:$0x3F12];
	s0 =	simm.s32 @p1 $0x1  }
0x15: {  	[smem:$0x3F2F] =	sst s0;
	s0 =	simm.s32 @!p2 $0x0  }
0x16: {  	s3 =	sld [smem:$0x3FDB];
	s0 =	simm.s32 @p2 $0x1  }
0x17: {  	s4 =	simm.s32 $0x1BF5;
	[smem:$0x3F31] =	sst s0  }
0x18: {  	s0 =	sld [smem:$0x3F14];
	_ =	swait.ge [sflag:s4], $0x0  }
0x19: {  	s7 =	sld [smem:$0x3F15]  }
0x1a: {  	s8 =	sadd.s32 $0xFFFFE003, lr  }
0x1b: {  	s9 =	sadd.s32 $0xFFFFFEF7, lr;
	s5 =	simm.s32 $0xFFFFFFFF;
	p2 =	slt.u32 s8, $0xFFFFF086  }
0x1c: {  	p1 =	slt.u32 s9, $0xF7A;
	s5 =	simm.s32 @!p2 $0x0  }
0x1d: {  	s5 =	simm.s32 @p1 $0x1;
	p0 =	seq.s32 s7, s2  }
0x1e: {  	s7 =	smul.u32 @!p0 $0xF7A, s2;
	p2 =	seq.s32 @!p0 s5, $0x0  }
0x1f: {  	s9 =	smul.u32 $0xF7A, s1;
	s8 =	simm.s32 @!p0 $0x1BF5;
	p2 =	por !p2, p0  }
0x20: {  	[sflag:s8] =	ssyncset.s32 @!p0 $0xFFFFF086;
	s6 =	sadd.s32 @!p0 s3, s7;
	s7 =	simm.s32 @!p0 $0x108  }
0x21: {  	s3 =	sadd.s32 s3, s9;
	s6 =	sadd.s32 @!p0 $0x88, s6;
	s7 =	simm.s32 @p2 $0x1082  }
0x22: {  	[simem:s7], [sflag:s8] =	dma.local @!p0 [hbm:s6], $0xF7A  }
0x23: {  	s9 =	sor.u32 $0xD0000000, s2;
	s6 =	simm.s32 $0x108;
	_ =	swait.ge @!p0 [sflag:s8], $0x0  }
0x24: {  	s3 =	sadd.s32 $0x88, s3;
	s6 =	simm.s32 @!p1 $0x1082;
	[sflag:s4] =	ssyncset.s32 $0xFFFFF086  }
0x25: {  	[simem:s6], [sflag:s4] =	dma.local [hbm:s3], $0xF7A  }
0x26: {  	[smem:$0x3F15] =	sst s1;
	(tag) =	ssettag s2;
	_ =	strace s9  }
0x27: {  	s1 =	sld [smem:$0x3F25]  }
0x28: {  	s2 =	sld [smem:$0x3F26]  }
0x29: {  	s4 =	sld [smem:$0x3F28]  }
0x2a: {  	p0 =	seq.s32 s5, $0x0;
	s5 =	sld [smem:$0x3F29]  }
0x2b: {  	s6 =	sld [smem:$0x3F2A]  }
0x2c: {  	s7 =	sld [smem:$0x3F2B]  }
0x2d: {  	s3 =	simm.s32 $0x108;
	s8 =	sld [smem:$0x3F2C]  }
0x2e: {  	s3 =	simm.s32 @!p0 $0x1082;
	s9 =	sld [smem:$0x3F2D]  }
0x2f: {  	lr =	sadd.s32 s0, s3;
	s0 =	sld [smem:$0x3F24]  }
0x30: {  	s3 =	sld [smem:$0x3F27]  }
0x31: {  	[smem:$0x3F30] =	sst s10  }
0x32: {  	s10 =	sld [smem:$0x3F2E];
	_ =	sdelay $0x3  }
0x33: {  	p0 =	seq.s32 s10, $0x1;
	s10 =	sld [smem:$0x3F30];
	_ =	sdelay $0x3  }
0x34: {  	[smem:$0x3F30] =	sst s10  }
0x35: {  	s10 =	sld [smem:$0x3F2F];
	_ =	sdelay $0x3  }
0x36: {  	p1 =	seq.s32 s10, $0x1;
	s10 =	sld [smem:$0x3F30];
	_ =	sdelay $0x3  }
0x37: {  	[smem:$0x3F30] =	sst s10  }
0x38: {  	s10 =	sld [smem:$0x3F31]  }
0x39: {  	_ = 	snop;
	(pc) =	sbr.ind lr, $3  }
0x3a: {  	_ = 	snop  }
0x3b: {  	_ = 	snop  }
0x3c: {  	p2 =	seq.s32 s10, $0x1;
	s10 =	sld [smem:$0x3F30]  }
0x3d: {  	_ =	shalt  }
0x3e: {  	_ =	shalt  }
0x3f: {  	_ =	shalt  }
0x40: {  	_ =	shalt  }
0x41: {  	_ =	shalt  }
0x42: {  	_ =	shalt  }
0x43: {  	_ =	shalt  }
0x44: {  	_ =	shalt  }
0x45: {  	_ =	shalt  }
0x46: {  	_ =	shalt  }
0x47: {  	_ =	shalt  }
0x48: {  	_ =	shalt  }
0x49: {  	_ =	shalt  }
0x4a: {  	_ =	shalt  }
0x4b: {  	_ =	shalt  }
0x4c: {  	_ =	shalt  }
0x4d: {  	_ =	shalt  }
0x4e: {  	_ =	shalt  }
0x4f: {  	_ =	shalt  }
0x50: {  	_ =	shalt  }
0x51: {  	_ =	shalt  }
0x52: {  	_ =	shalt  }
0x53: {  	_ =	shalt  }
0x54: {  	_ =	shalt  }
0x55: {  	_ =	shalt  }
0x56: {  	_ =	shalt  }
0x57: {  	_ =	shalt  }
0x58: {  	_ =	shalt  }
0x59: {  	_ =	shalt  }
0x5a: {  	_ =	shalt  }
0x5b: {  	_ =	shalt  }
0x5c: {  	_ =	shalt  }
0x5d: {  	_ =	shalt  }
0x5e: {  	_ =	shalt  }
0x5f: {  	_ =	shalt  }
0x60: {  	_ =	shalt  }
0x61: {  	_ =	shalt  }
0x62: {  	_ =	shalt  }
0x63: {  	_ =	shalt  }
0x64: {  	_ =	shalt  }
0x65: {  	_ =	shalt  }
0x66: {  	_ =	shalt  }
0x67: {  	_ =	shalt  }
0x68: {  	_ =	shalt  }
0x69: {  	_ =	shalt  }
0x6a: {  	_ =	shalt  }
0x6b: {  	_ =	shalt  }
0x6c: {  	_ =	shalt  }
0x6d: {  	_ =	shalt  }
0x6e: {  	_ =	shalt  }
0x6f: {  	_ =	shalt  }
0x70: {  	_ =	shalt  }
0x71: {  	_ =	shalt  }
0x72: {  	_ =	shalt  }
0x73: {  	_ =	shalt  }
0x74: {  	_ =	shalt  }
0x75: {  	_ =	shalt  }
0x76: {  	_ =	shalt  }
0x77: {  	_ =	shalt  }
0x78: {  	_ =	shalt  }
0x79: {  	_ =	shalt  }
0x7a: {  	_ =	shalt  }
0x7b: {  	_ =	shalt  }
0x7c: {  	_ =	shalt  }
0x7d: {  	_ =	shalt  }
0x7e: {  	_ =	shalt  }
0x7f: {  	_ =	shalt  }
0x80: {  	_ =	shalt  }
0x81: {  	_ =	shalt  }
0x82: {  	_ =	shalt  }
0x83: {  	_ =	shalt  }
0x84: {  	_ =	shalt  }
0x85: {  	_ =	shalt  }
0x86: {  	_ =	shalt  }
0x87: {  	_ =	shalt  }
.Lfunc_end0:
.L_simem_size_0:
called_computation.7_lowered:
.L_overlay_start_0:
0x88: {  	s2 =	sld [smem:$0x3FD9]  }
0x89: {  	s3 =	sld [smem:$0x3FFE];
	_ =	sdelay $0x1  }
0x8a: {  	s1 =	srdreg.scid  }
0x8b: {  	s0 =	sand.u32 $0x1, s1  }
0x8c: {  	s16 =	sshll.u32 s0, $0xA;
	s2 =	sadd.s32 s3, s2  }
0x8d: {  	s2 =	sadd.s32 s2, s16  }
0x8e: {  	[smem:$0x3F3C] =	sst s2  }
0x8f: {  	_ = 	snop  }
0x90: {  	(tm) =	ssettm $0x1  }
0x91: {  	s17 =	sld [smem:$0x3FFB];
	_ =	sdelay $0x3  }
0x92: {  	_ =	strace s17  }
0x93: {  	s2 =	sld [smem:$0x3FFC];
	_ =	sdelay $0x3  }
0x94: {  	_ =	strace s2  }
0x95: {  	s2 =	sld [smem:$0x3FFD];
	_ =	sdelay $0x3  }
0x96: {  	_ =	strace s2  }
0x97: {  	_ =	strace $0x8FFFFFFF  }
0x98: {  	s18 =	sld [smem:$0x3FDB];
	_ =	sdelay $0x1  }
0x99: {  	s19 =	simm.s32 $_scs_section_size  }
0x9a: {  	s4 =	simm.s32 $_size__tile_overlayer_lowered;
	s5 =	simm.s32 $_tile_overlayer_lowered  }
0x9b: {  	s22 =	simm.s32 $0x1BFF;
	s21 =	sshll.u32 s5, $0x1;
	s2 =	sadd.s32 s19, s18  }
0x9c: {  	s6 =	simm.s32 $0x0;
	s20 =	sshll.u32 s4, $0x1;
	s4 =	sadd.s32 s21, s2  }
0x9d: {  	[timem:s6], [sflag:s22] =	dma.local [hbm:s4], s20  }
0x9e: {  	_ =	swait.ge [sflag:s22], s20  }
0x9f: {  	s3 =	ssub.s32 $0x0, s20;
	[sflag:s22] =	ssyncset.done $0x0  }
0xa0: {  	[sflag:s22] =	ssyncadd.s32 s3;
	_ =	sdelay $0x1  }
0xa1: {  	s23 =	simm.s32 $0x1B8B  }
0xa2: {  	_ =	swait.ge [sflag:s23], $0x1  }
0xa3: {  	[sflag:s23] =	ssyncset.done $0x0  }
0xa4: {  	s25 =	simm.s32 $0x1B8E;
	s24 =	sld [smem:$0x3FFE];
	[sflag:s23] =	ssyncadd.s32 $0xFFFFFFFF  }
0xa5: {  	s26 =	simm.s32 $execute0_lowered;
	[smem:$0x3FD2] =	sst s25  }
0xa6: {  	s4 =	sshll.u32 s26, $0x1;
	_ =	strace $0x80000055;
	[dreg:$0x1] =	wrdreg $0xFFFFFFFF  }
0xa7: {  	s28 =	simm.s32 $_size_execute0_lowered;
	s2 =	sadd.s32 s2, s4;
	[dreg:$0x0] =	wrdreg $0x0  }
0xa8: {  	s4 =	sshll.u32 s28, $0x1;
	[dreg:$0x2] =	wrdreg s2  }
0xa9: {  	[dreg:$0x3] =	wrdreg s4  }
0xaa: {  	[dreg:$0x4] =	wrdreg $0xC0  }
0xab: {  	_ =	task [dreg:s6], $0x5FFFF  }
0xac: {  	[dreg:$0x1] =	wrdreg $0xFFFFFFFF  }
0xad: {  	[dreg:$0x0] =	wrdreg $0x60  }
0xae: {  	[dreg:$0x2] =	wrdreg s24  }
0xaf: {  	[dreg:$0x3] =	wrdreg $0x9  }
0xb0: {  	_ =	task.clear_ibuf [dreg:s6], $0x4FFFF;
	_ =	strace $0x90000055  }
0xb1: {  	s29 =	simm.s32 $0x9;
	_ =	strace $0x80000057  }
0xb2: {  	_ =	swait.ge [sflag:s29], $0x1  }
0xb3: {  	[sflag:s29] =	ssyncadd.s32 $0xFFFFFFFF  }
0xb4: {  	_ =	strace $0x90000057  }
0xb5: {  	_ =	sfence  }
0xb6: {  	s30 =	sld [smem:$0x0];
	_ =	sdelay $0x2  }
0xb7: {  	s31 =	sshll.u32 s1, $0xD;
	s1 =	sshrl.u32 s1, $0x2  }
0xb8: {  	s3 =	sand.u32 $0x4000, s31;
	s1 =	sadd.s32 s1, s30  }
0xb9: {  	s0 =	sor.u32 s3, s0;
	s1 =	sshll.u32 s1, $0x11  }
0xba: {  	s0 =	sor.u32 s1, s0  }
0xbb: {  	s0 =	sadd.s32 $0x8F2B, s0  }
0xbc: {  	[sflag:s0] =	ssyncadd.remote.s32 $0x1  }
0xbd: {  	_ =	sfence.sel $0xFFFF  }
0xbe: {  	[dreg:$0x0] =	wrdreg $0xFFFFFFFF;
	(pc) =	sbr.abs _section_cstart, $3  }
0xbf: {  	[dreg:$0x1] =	wrdreg $0xFFFFFFFF  }
0xc0: {  	_ =	task.clear_ibuf [dreg:s6], $0x2FFFF;
	_ =	strace $0x9FFFFFFF  }
0xc1: {  	(tm) =	ssettm $0x7FFFFFFF  }
tec
execute0_lowered:
.L_overlay_start_1:
0x0: {  	(tag) =	ssettag $0x1  }
0x1: {  	s7 =	rddreg [dreg:$0x0]  }
0x2: {  	s0 =	rddreg [dreg:$0x1];
	_ =	strace $0x80000056  }
0x3: {  	s1 =	srdreg.scid;
	s4 =	simm.s32 $0x1;
	s9 =	simm.s32 $0x3  }
0x4: {  	s12 =	simm.s32 $0x0;
	s10 =	simm.s32 $0x0;
	s5 =	sshll.u32 s1, $0x4  }
.Ltmp0:
0x5: {  	s1 =	stileid.u32;
	s5 =	sand.u32 $0x10, s5;
	(pc) =	sbr.rel .LBB2_1-.Ltmp0, $4  }
0x6: {  	s2 =	sadd.s32 $0x1E7400, s7;
	s3 =	sadd.s32 $0x101600, s7;
	s6 =	sor.u32 s1, s5  }
0x7: {  	[sflag:s4] =	ssyncpa.u1 $0x0;
	s5 =	simm.s32 $0x2;
	s6 =	sshll.u32 s6, $0x6  }
0x8: {  	s7 =	sadd.s32 $0x1F7400, s7;
	[sflag:s5] =	ssyncpa.u1 $0x0;
	s8 =	sadd.s32 $0x40, s6  }
0x9: {  	vm0 =	vmmov $0xff;
	vm1 =	vcmask $0x3F20;
	[sflag:s9] =	ssyncpa.u1 $0x0;
	s9 =	simm.s32 $0x40;
	s11 =	smov.u32 s6  }
.LBB2_10:
0xa: {  	[hbm:s16] =	stream.linear.scatter [tilespmem:s13], [sflag:$0x3], $0x800, $0x38;
	[tilespmem:$0x8080] =	vst v63  }
.LBB2_11:
0xb: {  	p0 =	seq.s32 s10, $0x2  }
.Ltmp1:
0xc: {  	_ = 	snop;
	(pc) =	sbr.rel @p0 .LBB2_13-.Ltmp1, $1  }
0xd: {  	_ =	sdelay $0x3  }
.LBB2_12:
0xe: {  	s12 =	sadd.s32 $0x40, s11  }
0xf: {  	s13 =	smov.u32 s6;
	p0 =	slt.s32 s12, s8  }
0x10: {  	s13 =	smov.u32 @p0 s12  }
0x11: {  	s10 =	sadd.s32 $0x1, s10;
	s12 =	smov.u32 s11;
	s11 =	smov.u32 s13  }
.LBB2_1:
0x12: {  	p0 =	sne.s32 s10, $0x0  }
.Ltmp2:
0x13: {  	_ = 	snop;
	(pc) =	sbr.rel @!p0 .LBB2_2-.Ltmp2, $1  }
0x14: {  	_ =	sdelay $0x3  }
0x15: {  	s13 =	sand.u32 $0x1, s10  }
0x16: {  	p0 =	seq.s32 s13, $0x0  }
.Ltmp3:
0x17: {  	_ = 	snop;
	(pc) =	sbr.rel @p0 .LBB2_11-.Ltmp3, $1  }
0x18: {  	_ =	sdelay $0x3  }
0x19: {  	_ =	swait.ge [sflag:s5], $0x40  }
0x1a: {  	[sflag:s5] =	ssyncset.done $0x0  }
0x1b: {  	s13 =	simm.s32 $0x0;
	[sflag:s5] =	ssyncadd.s32 $0xFFFFFFC0  }
.LBB2_5:
0x1c: {  	s14 =	sshll.u32 s13, $0x4  }
0x1d: {  	s14 =	sand.u32 $0x3FFFFFF0, s14  }
0x1e: {  	v0 =	vld.msk [tilespmem:s14+$0x40 ss:$0x1], $0xffff;
	_ =	sdelay $0x4  }
0x1f: {  	v1 =	vshrl.u32 v0, $0x4  }
0x20: {  	vm2 =	veq.s32 v0, $0x80000000;
	v1 =	vand.u32 $0x7F, v1  }
0x21: {  	v0 =	vshll.u32 v0, $0xF;
	v1 =	vsel vm2, $0xFFFFFFFF, v1  }
0x22: {  	v0 =	vand.u32 $0x78000, v0;
	v2 =	vshll.u32 v1, $0x8  }
0x23: {  	v0 =	vsel vm2, $0xFFFF8000, v0;
	v1 =	vshll.u32 v1, $0x7;
	v2 =	vand.u32 $0xFFFFF800, v2  }
0x24: {  	s31 =	sshll.u32 s13, $0xC;
	v1 =	vand.u32 $0x380, v1;
	v0 =	vadd.s32 v0, v2  }
0x25: {  	s14 =	sand.u32 $0x3FFFF000, s31;
	v0 =	vor.u32 v1, v0  }
0x26: {  	p0 =	por $0x1, $0x1;
	s15 =	simm.s32 $0x0;
	s14 =	sadd.s32 $0x4080, s14;
	v0 =	vshrl.u32 v0, $0x3  }
.LBB2_6:
0x27: {  	_ =	sdelay $0x1  }
0x28: {  	s15 =	sshra.s32 s15, $0x2;
	p1 =	por p0, p0  }
.Ltmp4:
0x29: {  	s15 =	sadd.s32 s15, s14;
	(pc) =	sbr.rel @p1 .LBB2_6-.Ltmp4, $4  }
0x2a: {  	[tilespmem:s15], [sflag:$0x1] =	stream.indirect_vreg.gather [hbm:s2], $0x80, v0, vm0, $0x38;
	[tilespmem:$0x8080] =	vst v63  }
0x2b: {  	s15 =	sadd.s32 $0x800, s15  }
0x2c: {  	[tilespmem:s15], [sflag:$0x1] =	stream.indirect_vreg.gather [hbm:s2], $0x80, v0, vm1, $0x38;
	[tilespmem:$0x8080] =	vst v63  }
0x2d: {  	p0 =	por $0x0, $0x0;
	v0 =	vadd.s32 $0x80, v0;
	s15 =	simm.s32 $0x1000  }
0x2e: {  	s13 =	sadd.s32 $0x1, s13  }
0x2f: {  	p0 =	sne.s32 s13, $0x4  }
.Ltmp5:
0x30: {  	_ = 	snop;
	(pc) =	sbr.rel @p0 .LBB2_5-.Ltmp5, $1  }
0x31: {  	_ =	sdelay $0x3  }
0x32: {  	s13 =	sshll.u32 s12, $0x5  }
0x33: {  	_ =	swait.ge [sflag:s4], $0x4000;
	s31 =	sshll.u32 s12, $0x4;
	s13 =	sand.u32 $0xFFFFFF00, s13  }
0x34: {  	s14 =	simm.s32 $0x100;
	s12 =	sand.u32 $0x70, s31;
	s13 =	sadd.s32 s13, s7  }
0x35: {  	s15 =	simm.s32 $0x4880;
	[sflag:s4] =	ssyncset.done $0x0;
	s12 =	sadd.s32 s12, s13  }
0x36: {  	[sflag:s4] =	ssyncadd.s32 $0xFFFFC000;
	s13 =	simm.s32 $0x4080;
	s16 =	sadd.s32 $0x0, s12  }
.LBB2_9:
0x37: {  	[hbm:s16] =	stream.linear.scatter [tilespmem:s13], [sflag:$0x3], $0x800, $0x38;
	[tilespmem:$0x8080] =	vst v63  }
0x38: {  	s16 =	smov.u32 s14;
	s13 =	smov.u32 s15;
	p0 =	sne.s32 s14, $0x700  }
.Ltmp6:
0x39: {  	s14 =	sadd.s32 $0x100, s14;
	(pc) =	sbr.rel @p0 .LBB2_9-.Ltmp6, $2  }
0x3a: {  	_ =	sdelay $0x2  }
0x3b: {  	s15 =	sadd.s32 $0x800, s15;
	s16 =	sadd.s32 s16, s12  }
.Ltmp7:
0x3c: {  	_ = 	snop;
	(pc) =	sbr.rel .LBB2_10-.Ltmp7, $1  }
0x3d: {  	_ =	sdelay $0x3  }
.LBB2_2:
.Ltmp8:
0x3e: {  	(pc) =	sbr.rel .LBB2_12-.Ltmp8, $4  }
0x3f: {  	_ = 	snop  }
0x40: {  	s12 =	sshrl.u32 s11, $0x3  }
0x41: {  	s13 =	sand.u32 $0x7, s11;
	s12 =	sadd.s32 s3, s12  }
0x42: {  	[tilespmem:s9], [sflag:$0x2] =	stream.linear.gather [hbm4b:s12+s13], $0x40, $0x38;
	[tilespmem:$0x8080] =	vst v63  }
.LBB2_13:
0x43: {  	s2 =	simm.s32 $0x3  }
0x44: {  	_ =	swait.ge [sflag:s2], $0x4000  }
0x45: {  	[sflag:s2] =	ssyncset.done $0x0  }
0x46: {  	[sflag:s2] =	ssyncadd.s32 $0xFFFFC000  }
0x47: {  	_ =	sfence.sel $0x180000  }
0x48: {  	s3 =	simm.s32 $0x2;
	[bflag:$0x0] =	sbarrier.arrive $0xFFFF  }
0x49: {  	[sflag:s3] =	ssyncpa.u1 $0x1  }
0x4a: {  	s31 =	simm.s32 $0x1;
	[sflag:s2] =	ssyncpa.u1 $0x1  }
0x4b: {  	[sflag:s31] =	ssyncpa.u1 $0x1  }
0x4c: {  	p0 =	sne.s32 s1, $0x0;
	_ =	strace $0x90000056  }
0x4d: {  	s0 =	sadd.s32 @!p0 $0x100000, s0;
	[bflag:$0x2] =	sbarrier.arrive $0xFFFF  }
0x4e: {  	[sflag:s0] =	ssyncadd.tile.s32 @!p0 $0x1;
	_ =	shalt  }
.Lfunc_end2:
_tile_overlayer_lowered:
.L_overlay_start_2:
0x4f: {  	(tag) =	ssettag $0x2  }
0x50: {  	s0 =	rddreg [dreg:$0x0];
	s2 =	stileid.u32  }
0x51: {  	s1 =	rddreg [dreg:$0x1];
	p0 =	sne.s32 s2, $0x0  }
0x52: {  	s3 =	rddreg [dreg:$0x2];
	[bflag:$0x3] =	sbarrier.arrive $0xFFFF;
	s2 =	simm.s32 @!p0 $0x1C01  }
0x53: {  	[timem:s3], [sflag:s2] =	dma.local @!p0 [hbm:s0], s1  }
0x54: {  	s0 =	simm.s32 @!p0 $0x1  }
0x55: {  	_ =	swait.ge @!p0 [sflag:s0], s1  }
0x56: {  	s1 =	ssub.s32 @!p0 $0x0, s1;
	[sflag:s0] =	ssyncset.done @!p0 $0x0  }
0x57: {  	[sflag:s0] =	ssyncadd.s32 @!p0 s1  }
0x58: {  	[bflag:$0x3] =	sbarrier.arrive $0xFFFF  }
0x59: {  	_ =	shalt  }

// kernel: gather_offload_async_start.7
scs
__scs_entry_jumppad:
0x0: {  	(pc) =	sbr.rel $0x88, $3  }
0x1: {  	(tag) =	ssettag $0x0;
	lr =	simm.s32 $0x1  }
0x2: {  	[smem:$0x3F15] =	sst lr;
	_ =	strace $0xD0000000  }
0x3: {  	_ = 	snop  }
0x4: {  	_ = 	snop  }
0x5: {  	_ = 	snop  }
0x6: {  	_ = 	snop  }
0x7: {  	_ = 	snop  }
__scs_overlays_trampoline_lowered:
0x8: {  	[smem:$0x3F24] =	sst s0  }
0x9: {  	[smem:$0x3F25] =	sst s1  }
0xa: {  	[smem:$0x3F26] =	sst s2  }
0xb: {  	[smem:$0x3F27] =	sst s3  }
0xc: {  	[smem:$0x3F28] =	sst s4  }
0xd: {  	[smem:$0x3F29] =	sst s5  }
0xe: {  	[smem:$0x3F2A] =	sst s6  }
0xf: {  	[smem:$0x3F2B] =	sst s7  }
0x10: {  	[smem:$0x3F2C] =	sst s8  }
0x11: {  	[smem:$0x3F2D] =	sst s9;
	s0 =	simm.s32 @!p0 $0x0  }
0x12: {  	s1 =	sld [smem:$0x3F13];
	s0 =	simm.s32 @p0 $0x1  }
0x13: {  	[smem:$0x3F2E] =	sst s0;
	s0 =	simm.s32 @!p1 $0x0  }
0x14: {  	s2 =	sld [smem:$0x3F12];
	s0 =	simm.s32 @p1 $0x1  }
0x15: {  	[smem:$0x3F2F] =	sst s0;
	s0 =	simm.s32 @!p2 $0x0  }
0x16: {  	s3 =	sld [smem:$0x3FDB];
	s0 =	simm.s32 @p2 $0x1  }
0x17: {  	s4 =	simm.s32 $0x1BF5;
	[smem:$0x3F31] =	sst s0  }
0x18: {  	s0 =	sld [smem:$0x3F14];
	_ =	swait.ge [sflag:s4], $0x0  }
0x19: {  	s7 =	sld [smem:$0x3F15]  }
0x1a: {  	s8 =	sadd.s32 $0xFFFFE003, lr  }
0x1b: {  	s9 =	sadd.s32 $0xFFFFFEF7, lr;
	s5 =	simm.s32 $0xFFFFFFFF;
	p2 =	slt.u32 s8, $0xFFFFF086  }
0x1c: {  	p1 =	slt.u32 s9, $0xF7A;
	s5 =	simm.s32 @!p2 $0x0  }
0x1d: {  	s5 =	simm.s32 @p1 $0x1;
	p0 =	seq.s32 s7, s2  }
0x1e: {  	s7 =	smul.u32 @!p0 $0xF7A, s2;
	p2 =	seq.s32 @!p0 s5, $0x0  }
0x1f: {  	s9 =	smul.u32 $0xF7A, s1;
	s8 =	simm.s32 @!p0 $0x1BF5;
	p2 =	por !p2, p0  }
0x20: {  	[sflag:s8] =	ssyncset.s32 @!p0 $0xFFFFF086;
	s6 =	sadd.s32 @!p0 s3, s7;
	s7 =	simm.s32 @!p0 $0x108  }
0x21: {  	s3 =	sadd.s32 s3, s9;
	s6 =	sadd.s32 @!p0 $0x88, s6;
	s7 =	simm.s32 @p2 $0x1082  }
0x22: {  	[simem:s7], [sflag:s8] =	dma.local @!p0 [hbm:s6], $0xF7A  }
0x23: {  	s9 =	sor.u32 $0xD0000000, s2;
	s6 =	simm.s32 $0x108;
	_ =	swait.ge @!p0 [sflag:s8], $0x0  }
0x24: {  	s3 =	sadd.s32 $0x88, s3;
	s6 =	simm.s32 @!p1 $0x1082;
	[sflag:s4] =	ssyncset.s32 $0xFFFFF086  }
0x25: {  	[simem:s6], [sflag:s4] =	dma.local [hbm:s3], $0xF7A  }
0x26: {  	[smem:$0x3F15] =	sst s1;
	(tag) =	ssettag s2;
	_ =	strace s9  }
0x27: {  	s1 =	sld [smem:$0x3F25]  }
0x28: {  	s2 =	sld [smem:$0x3F26]  }
0x29: {  	s4 =	sld [smem:$0x3F28]  }
0x2a: {  	p0 =	seq.s32 s5, $0x0;
	s5 =	sld [smem:$0x3F29]  }
0x2b: {  	s6 =	sld [smem:$0x3F2A]  }
0x2c: {  	s7 =	sld [smem:$0x3F2B]  }
0x2d: {  	s3 =	simm.s32 $0x108;
	s8 =	sld [smem:$0x3F2C]  }
0x2e: {  	s3 =	simm.s32 @!p0 $0x1082;
	s9 =	sld [smem:$0x3F2D]  }
0x2f: {  	lr =	sadd.s32 s0, s3;
	s0 =	sld [smem:$0x3F24]  }
0x30: {  	s3 =	sld [smem:$0x3F27]  }
0x31: {  	[smem:$0x3F30] =	sst s10  }
0x32: {  	s10 =	sld [smem:$0x3F2E];
	_ =	sdelay $0x3  }
0x33: {  	p0 =	seq.s32 s10, $0x1;
	s10 =	sld [smem:$0x3F30];
	_ =	sdelay $0x3  }
0x34: {  	[smem:$0x3F30] =	sst s10  }
0x35: {  	s10 =	sld [smem:$0x3F2F];
	_ =	sdelay $0x3  }
0x36: {  	p1 =	seq.s32 s10, $0x1;
	s10 =	sld [smem:$0x3F30];
	_ =	sdelay $0x3  }
0x37: {  	[smem:$0x3F30] =	sst s10  }
0x38: {  	s10 =	sld [smem:$0x3F31]  }
0x39: {  	_ = 	snop;
	(pc) =	sbr.ind lr, $3  }
0x3a: {  	_ = 	snop  }
0x3b: {  	_ = 	snop  }
0x3c: {  	p2 =	seq.s32 s10, $0x1;
	s10 =	sld [smem:$0x3F30]  }
0x3d: {  	_ =	shalt  }
0x3e: {  	_ =	shalt  }
0x3f: {  	_ =	shalt  }
0x40: {  	_ =	shalt  }
0x41: {  	_ =	shalt  }
0x42: {  	_ =	shalt  }
0x43: {  	_ =	shalt  }
0x44: {  	_ =	shalt  }
0x45: {  	_ =	shalt  }
0x46: {  	_ =	shalt  }
0x47: {  	_ =	shalt  }
0x48: {  	_ =	shalt  }
0x49: {  	_ =	shalt  }
0x4a: {  	_ =	shalt  }
0x4b: {  	_ =	shalt  }
0x4c: {  	_ =	shalt  }
0x4d: {  	_ =	shalt  }
0x4e: {  	_ =	shalt  }
0x4f: {  	_ =	shalt  }
0x50: {  	_ =	shalt  }
0x51: {  	_ =	shalt  }
0x52: {  	_ =	shalt  }
0x53: {  	_ =	shalt  }
0x54: {  	_ =	shalt  }
0x55: {  	_ =	shalt  }
0x56: {  	_ =	shalt  }
0x57: {  	_ =	shalt  }
0x58: {  	_ =	shalt  }
0x59: {  	_ =	shalt  }
0x5a: {  	_ =	shalt  }
0x5b: {  	_ =	shalt  }
0x5c: {  	_ =	shalt  }
0x5d: {  	_ =	shalt  }
0x5e: {  	_ =	shalt  }
0x5f: {  	_ =	shalt  }
0x60: {  	_ =	shalt  }
0x61: {  	_ =	shalt  }
0x62: {  	_ =	shalt  }
0x63: {  	_ =	shalt  }
0x64: {  	_ =	shalt  }
0x65: {  	_ =	shalt  }
0x66: {  	_ =	shalt  }
0x67: {  	_ =	shalt  }
0x68: {  	_ =	shalt  }
0x69: {  	_ =	shalt  }
0x6a: {  	_ =	shalt  }
0x6b: {  	_ =	shalt  }
0x6c: {  	_ =	shalt  }
0x6d: {  	_ =	shalt  }
0x6e: {  	_ =	shalt  }
0x6f: {  	_ =	shalt  }
0x70: {  	_ =	shalt  }
0x71: {  	_ =	shalt  }
0x72: {  	_ =	shalt  }
0x73: {  	_ =	shalt  }
0x74: {  	_ =	shalt  }
0x75: {  	_ =	shalt  }
0x76: {  	_ =	shalt  }
0x77: {  	_ =	shalt  }
0x78: {  	_ =	shalt  }
0x79: {  	_ =	shalt  }
0x7a: {  	_ =	shalt  }
0x7b: {  	_ =	shalt  }
0x7c: {  	_ =	shalt  }
0x7d: {  	_ =	shalt  }
0x7e: {  	_ =	shalt  }
0x7f: {  	_ =	shalt  }
0x80: {  	_ =	shalt  }
0x81: {  	_ =	shalt  }
0x82: {  	_ =	shalt  }
0x83: {  	_ =	shalt  }
0x84: {  	_ =	shalt  }
0x85: {  	_ =	shalt  }
0x86: {  	_ =	shalt  }
0x87: {  	_ =	shalt  }
.Lfunc_end0:
.L_simem_size_0:
called_computation.8_lowered:
.L_overlay_start_0:
0x88: {  	s2 =	sld [smem:$0x3FD9]  }
0x89: {  	s3 =	sld [smem:$0x3FFE];
	_ =	sdelay $0x1  }
0x8a: {  	s1 =	srdreg.scid  }
0x8b: {  	s0 =	sand.u32 $0x1, s1  }
0x8c: {  	s17 =	sshll.u32 s0, $0xA;
	s2 =	sadd.s32 s3, s2  }
0x8d: {  	s2 =	sadd.s32 s2, s17  }
0x8e: {  	[smem:$0x3F3C] =	sst s2  }
0x8f: {  	_ = 	snop  }
0x90: {  	(tm) =	ssettm $0x1  }
0x91: {  	s18 =	sld [smem:$0x3FFB];
	_ =	sdelay $0x3  }
0x92: {  	_ =	strace s18  }
0x93: {  	s2 =	sld [smem:$0x3FFC];
	_ =	sdelay $0x3  }
0x94: {  	_ =	strace s2  }
0x95: {  	s2 =	sld [smem:$0x3FFD];
	_ =	sdelay $0x3  }
0x96: {  	_ =	strace s2  }
0x97: {  	_ =	strace $0x8FFFFFFF  }
0x98: {  	s19 =	sld [smem:$0x3FDB];
	_ =	sdelay $0x1  }
0x99: {  	s20 =	simm.s32 $_scs_section_size  }
0x9a: {  	s4 =	simm.s32 $_size__tile_overlayer_lowered;
	s5 =	simm.s32 $_tile_overlayer_lowered  }
0x9b: {  	s6 =	simm.s32 $0x1BFF;
	s21 =	sshll.u32 s5, $0x1;
	s3 =	sadd.s32 s20, s19  }
0x9c: {  	s22 =	simm.s32 $0x0;
	s4 =	sshll.u32 s4, $0x1;
	s5 =	sadd.s32 s21, s3  }
0x9d: {  	[timem:s22], [sflag:s6] =	dma.local [hbm:s5], s4  }
0x9e: {  	_ =	swait.ge [sflag:s6], s4  }
0x9f: {  	s4 =	ssub.s32 $0x0, s4;
	[sflag:s6] =	ssyncset.done $0x0  }
0xa0: {  	[sflag:s6] =	ssyncadd.s32 s4;
	_ =	sdelay $0x1  }
0xa1: {  	s23 =	simm.s32 $0x1B8B  }
0xa2: {  	_ =	swait.ge [sflag:s23], $0x1  }
0xa3: {  	[sflag:s23] =	ssyncset.done $0x0  }
0xa4: {  	[sflag:s23] =	ssyncadd.s32 $0xFFFFFFFF  }
0xa5: {  	s4 =	sld [smem:$0x0]  }
0xa6: {  	s5 =	sand.u32 $0xFFFFFFFE, s1  }
0xa7: {  	p0 =	sne.s32 s1, s5  }
0xa8: {  	s5 =	sshll.u32 @p0 s5, $0xE  }
0xa9: {  	s5 =	sadd.s32 @p0 $0x11B8D, s5;
	s6 =	sshll.u32 @p0 s4, $0x11  }
0xaa: {  	s5 =	sor.u32 @p0 s6, s5  }
0xab: {  	[sflag:s5] =	ssyncadd.remote.s32 @p0 $0x1;
	_ =	sdelay $0x1  }
0xac: {  	s5 =	simm.s32 @p0 $0x1B8D  }
0xad: {  	_ =	swait.eq @p0 [sflag:s5], $0x1  }
0xae: {  	[sflag:s5] =	ssyncadd.s32 @p0 $0xFFFFFFFF  }
0xaf: {  	s6 =	sshll.u32 @!p0 s1, $0xE  }
0xb0: {  	s6 =	sor.u32 @!p0 $0x4000, s6;
	s5 =	simm.s32 @!p0 $0x1B8D  }
0xb1: {  	s4 =	sshll.u32 @!p0 s4, $0x11;
	s6 =	sadd.s32 @!p0 $0x11B8D, s6;
	_ =	swait.eq @!p0 [sflag:s5], $0x1  }
0xb2: {  	s4 =	sor.u32 @!p0 s4, s6;
	[sflag:s5] =	ssyncadd.s32 @!p0 $0xFFFFFFFF  }
0xb3: {  	s25 =	simm.s32 $0x1B8E;
	s24 =	sld [smem:$0x3FFE];
	[sflag:s4] =	ssyncadd.remote.s32 @!p0 $0x1  }
0xb4: {  	s26 =	simm.s32 $execute0_lowered;
	[smem:$0x3FD2] =	sst s25  }
0xb5: {  	s5 =	sshll.u32 s26, $0x1;
	_ =	strace $0x8000005B;
	[dreg:$0x1] =	wrdreg $0xFFFFFFFF  }
0xb6: {  	s28 =	simm.s32 $_size_execute0_lowered;
	s3 =	sadd.s32 s3, s5;
	[dreg:$0x0] =	wrdreg $0x0  }
0xb7: {  	s5 =	sshll.u32 s28, $0x1;
	[dreg:$0x2] =	wrdreg s3  }
0xb8: {  	[dreg:$0x3] =	wrdreg s5  }
0xb9: {  	[dreg:$0x4] =	wrdreg $0xC0  }
0xba: {  	_ =	task [dreg:s22], $0x5FFFF  }
0xbb: {  	[dreg:$0x1] =	wrdreg $0xFFFFFFFF  }
0xbc: {  	[dreg:$0x0] =	wrdreg $0x60  }
0xbd: {  	[dreg:$0x2] =	wrdreg s24  }
0xbe: {  	[dreg:$0x3] =	wrdreg $0xA  }
0xbf: {  	_ =	task.clear_ibuf [dreg:s22], $0x4FFFF;
	_ =	strace $0x9000005B  }
0xc0: {  	s29 =	simm.s32 $0xA;
	_ =	strace $0x8000005D  }
0xc1: {  	_ =	swait.ge [sflag:s29], $0x1  }
0xc2: {  	[sflag:s29] =	ssyncadd.s32 $0xFFFFFFFF  }
0xc3: {  	_ =	strace $0x9000005D  }
0xc4: {  	_ =	sfence  }
0xc5: {  	s30 =	sld [smem:$0x0];
	_ =	sdelay $0x2  }
0xc6: {  	s31 =	sshll.u32 s1, $0xD;
	s1 =	sshrl.u32 s1, $0x2  }
0xc7: {  	s4 =	sand.u32 $0x4000, s31;
	s1 =	sadd.s32 s1, s30  }
0xc8: {  	s0 =	sor.u32 s4, s0;
	s1 =	sshll.u32 s1, $0x11  }
0xc9: {  	s0 =	sor.u32 s1, s0  }
0xca: {  	s0 =	sadd.s32 $0x8F2B, s0  }
0xcb: {  	[sflag:s0] =	ssyncadd.remote.s32 $0x1  }
0xcc: {  	_ =	sfence.sel $0xFFFF  }
0xcd: {  	[dreg:$0x0] =	wrdreg $0xFFFFFFFF;
	(pc) =	sbr.abs _section_cstart, $3  }
0xce: {  	[dreg:$0x1] =	wrdreg $0xFFFFFFFF  }
0xcf: {  	_ =	task.clear_ibuf [dreg:s22], $0x2FFFF;
	_ =	strace $0x9FFFFFFF  }
0xd0: {  	(tm) =	ssettm $0x7FFFFFFF  }
0xd1: {  	_ =	shalt  }
tec
execute0_lowered:
.L_overlay_start_1:
0x0: {  	(tag) =	ssettag $0x1  }
0x1: {  	s7 =	rddreg [dreg:$0x0]  }
0x2: {  	s0 =	rddreg [dreg:$0x1];
	_ =	strace $0x8000005C  }
0x3: {  	s1 =	srdreg.scid;
	s4 =	simm.s32 $0x1;
	s9 =	simm.s32 $0x3  }
0x4: {  	s12 =	simm.s32 $0x0;
	s10 =	simm.s32 $0x0;
	s5 =	sshll.u32 s1, $0x4  }
.Ltmp0:
0x5: {  	s1 =	stileid.u32;
	s5 =	sand.u32 $0x10, s5;
	(pc) =	sbr.rel .LBB2_1-.Ltmp0, $4  }
0x6: {  	s2 =	sadd.s32 $0x1E7400, s7;
	s3 =	sadd.s32 $0x100400, s7;
	s6 =	sor.u32 s1, s5  }
0x7: {  	[sflag:s4] =	ssyncpa.u1 $0x0;
	s5 =	simm.s32 $0x2;
	s6 =	sshll.u32 s6, $0x6  }
0x8: {  	s7 =	sadd.s32 $0x1F7400, s7;
	[sflag:s5] =	ssyncpa.u1 $0x0;
	s8 =	sadd.s32 $0x40, s6  }
0x9: {  	vm0 =	vmmov $0xff;
	vm1 =	vcmask $0x3F20;
	[sflag:s9] =	ssyncpa.u1 $0x0;
	s9 =	simm.s32 $0x40;
	s11 =	smov.u32 s6  }
.LBB2_10:
0xa: {  	[hbm:s16] =	stream.linear.scatter [tilespmem:s13], [sflag:$0x3], $0x800, $0x38;
	[tilespmem:$0x8080] =	vst v63  }
.LBB2_11:
0xb: {  	p0 =	seq.s32 s10, $0x2  }
.Ltmp1:
0xc: {  	_ = 	snop;
	(pc) =	sbr.rel @p0 .LBB2_13-.Ltmp1, $1  }
0xd: {  	_ =	sdelay $0x3  }
.LBB2_12:
0xe: {  	s12 =	sadd.s32 $0x40, s11  }
0xf: {  	s13 =	smov.u32 s6;
	p0 =	slt.s32 s12, s8  }
0x10: {  	s13 =	smov.u32 @p0 s12  }
0x11: {  	s10 =	sadd.s32 $0x1, s10;
	s12 =	smov.u32 s11;
	s11 =	smov.u32 s13  }
.LBB2_1:
0x12: {  	p0 =	sne.s32 s10, $0x0  }
.Ltmp2:
0x13: {  	_ = 	snop;
	(pc) =	sbr.rel @!p0 .LBB2_2-.Ltmp2, $1  }
0x14: {  	_ =	sdelay $0x3  }
0x15: {  	s13 =	sand.u32 $0x1, s10  }
0x16: {  	p0 =	seq.s32 s13, $0x0  }
.Ltmp3:
0x17: {  	_ = 	snop;
	(pc) =	sbr.rel @p0 .LBB2_11-.Ltmp3, $1  }
0x18: {  	_ =	sdelay $0x3  }
0x19: {  	_ =	swait.ge [sflag:s5], $0x40  }
0x1a: {  	[sflag:s5] =	ssyncset.done $0x0  }
0x1b: {  	s13 =	simm.s32 $0x0;
	[sflag:s5] =	ssyncadd.s32 $0xFFFFFFC0  }
.LBB2_5:
0x1c: {  	s14 =	sshll.u32 s13, $0x4  }
0x1d: {  	s14 =	sand.u32 $0x3FFFFFF0, s14  }
0x1e: {  	v0 =	vld.msk [tilespmem:s14+$0x40 ss:$0x1], $0xffff;
	_ =	sdelay $0x4  }
0x1f: {  	v1 =	vshrl.u32 v0, $0x4  }
0x20: {  	vm2 =	veq.s32 v0, $0x80000000;
	v1 =	vand.u32 $0x7F, v1  }
0x21: {  	v0 =	vshll.u32 v0, $0xF;
	v1 =	vsel vm2, $0xFFFFFFFF, v1  }
0x22: {  	v0 =	vand.u32 $0x78000, v0;
	v2 =	vshll.u32 v1, $0x8  }
0x23: {  	v0 =	vsel vm2, $0xFFFF8000, v0;
	v1 =	vshll.u32 v1, $0x7;
	v2 =	vand.u32 $0xFFFFF800, v2  }
0x24: {  	s31 =	sshll.u32 s13, $0xC;
	v1 =	vand.u32 $0x380, v1;
	v0 =	vadd.s32 v0, v2  }
0x25: {  	s14 =	sand.u32 $0x3FFFF000, s31;
	v0 =	vor.u32 v1, v0  }
0x26: {  	p0 =	por $0x1, $0x1;
	s15 =	simm.s32 $0x0;
	s14 =	sadd.s32 $0x4080, s14;
	v0 =	vshrl.u32 v0, $0x3  }
.LBB2_6:
0x27: {  	_ =	sdelay $0x1  }
0x28: {  	s15 =	sshra.s32 s15, $0x2;
	p1 =	por p0, p0  }
.Ltmp4:
0x29: {  	s15 =	sadd.s32 s15, s14;
	(pc) =	sbr.rel @p1 .LBB2_6-.Ltmp4, $4  }
0x2a: {  	[tilespmem:s15], [sflag:$0x1] =	stream.indirect_vreg.gather [hbm:s2], $0x80, v0, vm0, $0x38;
	[tilespmem:$0x8080] =	vst v63  }
0x2b: {  	s15 =	sadd.s32 $0x800, s15  }
0x2c: {  	[tilespmem:s15], [sflag:$0x1] =	stream.indirect_vreg.gather [hbm:s2], $0x80, v0, vm1, $0x38;
	[tilespmem:$0x8080] =	vst v63  }
0x2d: {  	p0 =	por $0x0, $0x0;
	v0 =	vadd.s32 $0x80, v0;
	s15 =	simm.s32 $0x1000  }
0x2e: {  	s13 =	sadd.s32 $0x1, s13  }
0x2f: {  	p0 =	sne.s32 s13, $0x4  }
.Ltmp5:
0x30: {  	_ = 	snop;
	(pc) =	sbr.rel @p0 .LBB2_5-.Ltmp5, $1  }
0x31: {  	_ =	sdelay $0x3  }
0x32: {  	s13 =	sshll.u32 s12, $0x5  }
0x33: {  	_ =	swait.ge [sflag:s4], $0x4000;
	s31 =	sshll.u32 s12, $0x4;
	s13 =	sand.u32 $0xFFFFFF00, s13  }
0x34: {  	s14 =	simm.s32 $0x100;
	s12 =	sand.u32 $0x70, s31;
	s13 =	sadd.s32 s13, s7  }
0x35: {  	s15 =	simm.s32 $0x4880;
	[sflag:s4] =	ssyncset.done $0x0;
	s12 =	sadd.s32 s12, s13  }
0x36: {  	[sflag:s4] =	ssyncadd.s32 $0xFFFFC000;
	s13 =	simm.s32 $0x4080;
	s16 =	sadd.s32 $0x0, s12  }
.LBB2_9:
0x37: {  	[hbm:s16] =	stream.linear.scatter [tilespmem:s13], [sflag:$0x3], $0x800, $0x38;
	[tilespmem:$0x8080] =	vst v63  }
0x38: {  	s16 =	smov.u32 s14;
	s13 =	smov.u32 s15;
	p0 =	sne.s32 s14, $0x700  }
.Ltmp6:
0x39: {  	s14 =	sadd.s32 $0x100, s14;
	(pc) =	sbr.rel @p0 .LBB2_9-.Ltmp6, $2  }
0x3a: {  	_ =	sdelay $0x2  }
0x3b: {  	s15 =	sadd.s32 $0x800, s15;
	s16 =	sadd.s32 s16, s12  }
.Ltmp7:
0x3c: {  	_ = 	snop;
	(pc) =	sbr.rel .LBB2_10-.Ltmp7, $1  }
0x3d: {  	_ =	sdelay $0x3  }
.LBB2_2:
.Ltmp8:
0x3e: {  	(pc) =	sbr.rel .LBB2_12-.Ltmp8, $4  }
0x3f: {  	_ = 	snop  }
0x40: {  	s12 =	sshrl.u32 s11, $0x3  }
0x41: {  	s13 =	sand.u32 $0x7, s11;
	s12 =	sadd.s32 s3, s12  }
0x42: {  	[tilespmem:s9], [sflag:$0x2] =	stream.linear.gather [hbm4b:s12+s13], $0x40, $0x38;
	[tilespmem:$0x8080] =	vst v63  }
.LBB2_13:
0x43: {  	s2 =	simm.s32 $0x3  }
0x44: {  	_ =	swait.ge [sflag:s2], $0x4000  }
0x45: {  	[sflag:s2] =	ssyncset.done $0x0  }
0x46: {  	[sflag:s2] =	ssyncadd.s32 $0xFFFFC000  }
0x47: {  	_ =	sfence.sel $0x180000  }
0x48: {  	s3 =	simm.s32 $0x2;
	[bflag:$0x0] =	sbarrier.arrive $0xFFFF  }
0x49: {  	[sflag:s3] =	ssyncpa.u1 $0x1  }
0x4a: {  	s31 =	simm.s32 $0x1;
	[sflag:s2] =	ssyncpa.u1 $0x1  }
0x4b: {  	[sflag:s31] =	ssyncpa.u1 $0x1  }
0x4c: {  	p0 =	sne.s32 s1, $0x0;
	_ =	strace $0x9000005C  }
0x4d: {  	s0 =	sadd.s32 @!p0 $0x100000, s0;
	[bflag:$0x2] =	sbarrier.arrive $0xFFFF  }
0x4e: {  	[sflag:s0] =	ssyncadd.tile.s32 @!p0 $0x1;
	_ =	shalt  }
.Lfunc_end2:
_tile_overlayer_lowered:
.L_overlay_start_2:
0x4f: {  	(tag) =	ssettag $0x2  }
0x50: {  	s0 =	rddreg [dreg:$0x0];
	s2 =	stileid.u32  }
0x51: {  	s1 =	rddreg [dreg:$0x1];
	p0 =	sne.s32 s2, $0x0  }
0x52: {  	s3 =	rddreg [dreg:$0x2];
	[bflag:$0x3] =	sbarrier.arrive $0xFFFF;
	s2 =	simm.s32 @!p0 $0x1C01  }
0x53: {  	[timem:s3], [sflag:s2] =	dma.local @!p0 [hbm:s0], s1  }
0x54: {  	s0 =	simm.s32 @!p0 $0x1  }
0x55: {  	_ =	swait.ge @!p0 [sflag:s0], s1  }
0x56: {  	s1 =	ssub.s32 @!p0 $0x0, s1;
	[sflag:s0] =	ssyncset.done @!p0 $0x0  }
0x57: {  	[sflag:s0] =	ssyncadd.s32 @!p0 s1  }
0x58: {  	[bflag:$0x3] =	sbarrier.arrive $0xFFFF  }
0x59: {  	_ =	shalt  }

// kernel: gather_offload_async_start.8
scs
__scs_entry_jumppad:
0x0: {  	(pc) =	sbr.rel $0x88, $3  }
0x1: {  	(tag) =	ssettag $0x0;
	lr =	simm.s32 $0x1  }
0x2: {  	[smem:$0x3F15] =	sst lr;
	_ =	strace $0xD0000000  }
0x3: {  	_ = 	snop  }
0x4: {  	_ = 	snop  }
0x5: {  	_ = 	snop  }
0x6: {  	_ = 	snop  }
0x7: {  	_ = 	snop  }
__scs_overlays_trampoline_lowered:
0x8: {  	[smem:$0x3F24] =	sst s0  }
0x9: {  	[smem:$0x3F25] =	sst s1  }
0xa: {  	[smem:$0x3F26] =	sst s2  }
0xb: {  	[smem:$0x3F27] =	sst s3  }
0xc: {  	[smem:$0x3F28] =	sst s4  }
0xd: {  	[smem:$0x3F29] =	sst s5  }
0xe: {  	[smem:$0x3F2A] =	sst s6  }
0xf: {  	[smem:$0x3F2B] =	sst s7  }
0x10: {  	[smem:$0x3F2C] =	sst s8  }
0x11: {  	[smem:$0x3F2D] =	sst s9;
	s0 =	simm.s32 @!p0 $0x0  }
0x12: {  	s1 =	sld [smem:$0x3F13];
	s0 =	simm.s32 @p0 $0x1  }
0x13: {  	[smem:$0x3F2E] =	sst s0;
	s0 =	simm.s32 @!p1 $0x0  }
0x14: {  	s2 =	sld [smem:$0x3F12];
	s0 =	simm.s32 @p1 $0x1  }
0x15: {  	[smem:$0x3F2F] =	sst s0;
	s0 =	simm.s32 @!p2 $0x0  }
0x16: {  	s3 =	sld [smem:$0x3FDB];
	s0 =	simm.s32 @p2 $0x1  }
0x17: {  	s4 =	simm.s32 $0x1BF5;
	[smem:$0x3F31] =	sst s0  }
0x18: {  	s0 =	sld [smem:$0x3F14];
	_ =	swait.ge [sflag:s4], $0x0  }
0x19: {  	s7 =	sld [smem:$0x3F15]  }
0x1a: {  	s8 =	sadd.s32 $0xFFFFE003, lr  }
0x1b: {  	s9 =	sadd.s32 $0xFFFFFEF7, lr;
	s5 =	simm.s32 $0xFFFFFFFF;
	p2 =	slt.u32 s8, $0xFFFFF086  }
0x1c: {  	p1 =	slt.u32 s9, $0xF7A;
	s5 =	simm.s32 @!p2 $0x0  }
0x1d: {  	s5 =	simm.s32 @p1 $0x1;
	p0 =	seq.s32 s7, s2  }
0x1e: {  	s7 =	smul.u32 @!p0 $0xF7A, s2;
	p2 =	seq.s32 @!p0 s5, $0x0  }
0x1f: {  	s9 =	smul.u32 $0xF7A, s1;
	s8 =	simm.s32 @!p0 $0x1BF5;
	p2 =	por !p2, p0  }
0x20: {  	[sflag:s8] =	ssyncset.s32 @!p0 $0xFFFFF086;
	s6 =	sadd.s32 @!p0 s3, s7;
	s7 =	simm.s32 @!p0 $0x108  }
0x21: {  	s3 =	sadd.s32 s3, s9;
	s6 =	sadd.s32 @!p0 $0x88, s6;
	s7 =	simm.s32 @p2 $0x1082  }
0x22: {  	[simem:s7], [sflag:s8] =	dma.local @!p0 [hbm:s6], $0xF7A  }
0x23: {  	s9 =	sor.u32 $0xD0000000, s2;
	s6 =	simm.s32 $0x108;
	_ =	swait.ge @!p0 [sflag:s8], $0x0  }
0x24: {  	s3 =	sadd.s32 $0x88, s3;
	s6 =	simm.s32 @!p1 $0x1082;
	[sflag:s4] =	ssyncset.s32 $0xFFFFF086  }
0x25: {  	[simem:s6], [sflag:s4] =	dma.local [hbm:s3], $0xF7A  }
0x26: {  	[smem:$0x3F15] =	sst s1;
	(tag) =	ssettag s2;
	_ =	strace s9  }
0x27: {  	s1 =	sld [smem:$0x3F25]  }
0x28: {  	s2 =	sld [smem:$0x3F26]  }
0x29: {  	s4 =	sld [smem:$0x3F28]  }
0x2a: {  	p0 =	seq.s32 s5, $0x0;
	s5 =	sld [smem:$0x3F29]  }
0x2b: {  	s6 =	sld [smem:$0x3F2A]  }
0x2c: {  	s7 =	sld [smem:$0x3F2B]  }
0x2d: {  	s3 =	simm.s32 $0x108;
	s8 =	sld [smem:$0x3F2C]  }
0x2e: {  	s3 =	simm.s32 @!p0 $0x1082;
	s9 =	sld [smem:$0x3F2D]  }
0x2f: {  	lr =	sadd.s32 s0, s3;
	s0 =	sld [smem:$0x3F24]  }
0x30: {  	s3 =	sld [smem:$0x3F27]  }
0x31: {  	[smem:$0x3F30] =	sst s10  }
0x32: {  	s10 =	sld [smem:$0x3F2E];
	_ =	sdelay $0x3  }
0x33: {  	p0 =	seq.s32 s10, $0x1;
	s10 =	sld [smem:$0x3F30];
	_ =	sdelay $0x3  }
0x34: {  	[smem:$0x3F30] =	sst s10  }
0x35: {  	s10 =	sld [smem:$0x3F2F];
	_ =	sdelay $0x3  }
0x36: {  	p1 =	seq.s32 s10, $0x1;
	s10 =	sld [smem:$0x3F30];
	_ =	sdelay $0x3  }
0x37: {  	[smem:$0x3F30] =	sst s10  }
0x38: {  	s10 =	sld [smem:$0x3F31]  }
0x39: {  	_ = 	snop;
	(pc) =	sbr.ind lr, $3  }
0x3a: {  	_ = 	snop  }
0x3b: {  	_ = 	snop  }
0x3c: {  	p2 =	seq.s32 s10, $0x1;
	s10 =	sld [smem:$0x3F30]  }
0x3d: {  	_ =	shalt  }
0x3e: {  	_ =	shalt  }
0x3f: {  	_ =	shalt  }
0x40: {  	_ =	shalt  }
0x41: {  	_ =	shalt  }
0x42: {  	_ =	shalt  }
0x43: {  	_ =	shalt  }
0x44: {  	_ =	shalt  }
0x45: {  	_ =	shalt  }
0x46: {  	_ =	shalt  }
0x47: {  	_ =	shalt  }
0x48: {  	_ =	shalt  }
0x49: {  	_ =	shalt  }
0x4a: {  	_ =	shalt  }
0x4b: {  	_ =	shalt  }
0x4c: {  	_ =	shalt  }
0x4d: {  	_ =	shalt  }
0x4e: {  	_ =	shalt  }
0x4f: {  	_ =	shalt  }
0x50: {  	_ =	shalt  }
0x51: {  	_ =	shalt  }
0x52: {  	_ =	shalt  }
0x53: {  	_ =	shalt  }
0x54: {  	_ =	shalt  }
0x55: {  	_ =	shalt  }
0x56: {  	_ =	shalt  }
0x57: {  	_ =	shalt  }
0x58: {  	_ =	shalt  }
0x59: {  	_ =	shalt  }
0x5a: {  	_ =	shalt  }
0x5b: {  	_ =	shalt  }
0x5c: {  	_ =	shalt  }
0x5d: {  	_ =	shalt  }
0x5e: {  	_ =	shalt  }
0x5f: {  	_ =	shalt  }
0x60: {  	_ =	shalt  }
0x61: {  	_ =	shalt  }
0x62: {  	_ =	shalt  }
0x63: {  	_ =	shalt  }
0x64: {  	_ =	shalt  }
0x65: {  	_ =	shalt  }
0x66: {  	_ =	shalt  }
0x67: {  	_ =	shalt  }
0x68: {  	_ =	shalt  }
0x69: {  	_ =	shalt  }
0x6a: {  	_ =	shalt  }
0x6b: {  	_ =	shalt  }
0x6c: {  	_ =	shalt  }
0x6d: {  	_ =	shalt  }
0x6e: {  	_ =	shalt  }
0x6f: {  	_ =	shalt  }
0x70: {  	_ =	shalt  }
0x71: {  	_ =	shalt  }
0x72: {  	_ =	shalt  }
0x73: {  	_ =	shalt  }
0x74: {  	_ =	shalt  }
0x75: {  	_ =	shalt  }
0x76: {  	_ =	shalt  }
0x77: {  	_ =	shalt  }
0x78: {  	_ =	shalt  }
0x79: {  	_ =	shalt  }
0x7a: {  	_ =	shalt  }
0x7b: {  	_ =	shalt  }
0x7c: {  	_ =	shalt  }
0x7d: {  	_ =	shalt  }
0x7e: {  	_ =	shalt  }
0x7f: {  	_ =	shalt  }
0x80: {  	_ =	shalt  }
0x81: {  	_ =	shalt  }
0x82: {  	_ =	shalt  }
0x83: {  	_ =	shalt  }
0x84: {  	_ =	shalt  }
0x85: {  	_ =	shalt  }
0x86: {  	_ =	shalt  }
0x87: {  	_ =	shalt  }
.Lfunc_end0:
.L_simem_size_0:
called_computation.9_lowered:
.L_overlay_start_0:
0x88: {  	s2 =	sld [smem:$0x3FD9]  }
0x89: {  	s3 =	sld [smem:$0x3FFE];
	_ =	sdelay $0x1  }
0x8a: {  	s1 =	srdreg.scid  }
0x8b: {  	s0 =	sand.u32 $0x1, s1  }
0x8c: {  	s16 =	sshll.u32 s0, $0xA;
	s2 =	sadd.s32 s3, s2  }
0x8d: {  	s2 =	sadd.s32 s2, s16  }
0x8e: {  	[smem:$0x3F3C] =	sst s2  }
0x8f: {  	_ = 	snop  }
0x90: {  	(tm) =	ssettm $0x1  }
0x91: {  	s17 =	sld [smem:$0x3FFB];
	_ =	sdelay $0x3  }
0x92: {  	_ =	strace s17  }
0x93: {  	s2 =	sld [smem:$0x3FFC];
	_ =	sdelay $0x3  }
0x94: {  	_ =	strace s2  }
0x95: {  	s2 =	sld [smem:$0x3FFD];
	_ =	sdelay $0x3  }
0x96: {  	_ =	strace s2  }
0x97: {  	_ =	strace $0x8FFFFFFF  }
0x98: {  	s18 =	sld [smem:$0x3FDB];
	_ =	sdelay $0x1  }
0x99: {  	s19 =	simm.s32 $_scs_section_size  }
0x9a: {  	s4 =	simm.s32 $_size__tile_overlayer_lowered;
	s5 =	simm.s32 $_tile_overlayer_lowered  }
0x9b: {  	s22 =	simm.s32 $0x1BFF;
	s21 =	sshll.u32 s5, $0x1;
	s2 =	sadd.s32 s19, s18  }
0x9c: {  	s6 =	simm.s32 $0x0;
	s20 =	sshll.u32 s4, $0x1;
	s4 =	sadd.s32 s21, s2  }
0x9d: {  	[timem:s6], [sflag:s22] =	dma.local [hbm:s4], s20  }
0x9e: {  	_ =	swait.ge [sflag:s22], s20  }
0x9f: {  	s3 =	ssub.s32 $0x0, s20;
	[sflag:s22] =	ssyncset.done $0x0  }
0xa0: {  	[sflag:s22] =	ssyncadd.s32 s3;
	_ =	sdelay $0x1  }
0xa1: {  	s23 =	simm.s32 $0x1B8B  }
0xa2: {  	_ =	swait.ge [sflag:s23], $0x1  }
0xa3: {  	[sflag:s23] =	ssyncset.done $0x0  }
0xa4: {  	s25 =	simm.s32 $0x1B8E;
	s24 =	sld [smem:$0x3FFE];
	[sflag:s23] =	ssyncadd.s32 $0xFFFFFFFF  }
0xa5: {  	s26 =	simm.s32 $execute0_lowered;
	[smem:$0x3FD2] =	sst s25  }
0xa6: {  	s4 =	sshll.u32 s26, $0x1;
	_ =	strace $0x8000005E;
	[dreg:$0x1] =	wrdreg $0xFFFFFFFF  }
0xa7: {  	s28 =	simm.s32 $_size_execute0_lowered;
	s2 =	sadd.s32 s2, s4;
	[dreg:$0x0] =	wrdreg $0x0  }
0xa8: {  	s4 =	sshll.u32 s28, $0x1;
	[dreg:$0x2] =	wrdreg s2  }
0xa9: {  	[dreg:$0x3] =	wrdreg s4  }
0xaa: {  	[dreg:$0x4] =	wrdreg $0xC0  }
0xab: {  	_ =	task [dreg:s6], $0x5FFFF  }
0xac: {  	[dreg:$0x1] =	wrdreg $0xFFFFFFFF  }
0xad: {  	[dreg:$0x0] =	wrdreg $0x60  }
0xae: {  	[dreg:$0x2] =	wrdreg s24  }
0xaf: {  	[dreg:$0x3] =	wrdreg $0x9  }
0xb0: {  	_ =	task.clear_ibuf [dreg:s6], $0x4FFFF;
	_ =	strace $0x9000005E  }
0xb1: {  	s29 =	simm.s32 $0x9;
	_ =	strace $0x80000060  }
0xb2: {  	_ =	swait.ge [sflag:s29], $0x1  }
0xb3: {  	[sflag:s29] =	ssyncadd.s32 $0xFFFFFFFF  }
0xb4: {  	_ =	strace $0x90000060  }
0xb5: {  	_ =	sfence  }
0xb6: {  	s30 =	sld [smem:$0x0];
	_ =	sdelay $0x2  }
0xb7: {  	s31 =	sshll.u32 s1, $0xD;
	s1 =	sshrl.u32 s1, $0x2  }
0xb8: {  	s3 =	sand.u32 $0x4000, s31;
	s1 =	sadd.s32 s1, s30  }
0xb9: {  	s0 =	sor.u32 s3, s0;
	s1 =	sshll.u32 s1, $0x11  }
0xba: {  	s0 =	sor.u32 s1, s0  }
0xbb: {  	s0 =	sadd.s32 $0x8F2B, s0  }
0xbc: {  	[sflag:s0] =	ssyncadd.remote.s32 $0x1  }
0xbd: {  	_ =	sfence.sel $0xFFFF  }
0xbe: {  	[dreg:$0x0] =	wrdreg $0xFFFFFFFF;
	(pc) =	sbr.abs _section_cstart, $3  }
0xbf: {  	[dreg:$0x1] =	wrdreg $0xFFFFFFFF  }
0xc0: {  	_ =	task.clear_ibuf [dreg:s6], $0x2FFFF;
	_ =	strace $0x9FFFFFFF  }
0xc1: {  	(tm) =	ssettm $0x7FFFFFFF  }
tec
execute0_lowered:
.L_overlay_start_1:
0x0: {  	(tag) =	ssettag $0x1  }
0x1: {  	s7 =	rddreg [dreg:$0x0]  }
0x2: {  	s0 =	rddreg [dreg:$0x1];
	_ =	strace $0x8000005F  }
0x3: {  	s1 =	srdreg.scid;
	s4 =	simm.s32 $0x1;
	s9 =	simm.s32 $0x3  }
0x4: {  	s12 =	simm.s32 $0x0;
	s10 =	simm.s32 $0x0;
	s5 =	sshll.u32 s1, $0x4  }
.Ltmp0:
0x5: {  	s1 =	stileid.u32;
	s5 =	sand.u32 $0x10, s5;
	(pc) =	sbr.rel .LBB2_1-.Ltmp0, $4  }
0x6: {  	s2 =	sadd.s32 $0x1BF400, s7;
	s3 =	sadd.s32 $0x100200, s7;
	s6 =	sor.u32 s1, s5  }
0x7: {  	[sflag:s4] =	ssyncpa.u1 $0x0;
	s5 =	simm.s32 $0x2;
	s6 =	sshll.u32 s6, $0x8  }
0x8: {  	s7 =	sadd.s32 $0x1DF400, s7;
	[sflag:s5] =	ssyncpa.u1 $0x0;
	s8 =	sadd.s32 $0x100, s6  }
0x9: {  	vm0 =	vmmov $0xff;
	vm1 =	vcmask $0x3F20;
	[sflag:s9] =	ssyncpa.u1 $0x0;
	s9 =	simm.s32 $0x100;
	s11 =	smov.u32 s6  }
.LBB2_9:
0xa: {  	p0 =	seq.s32 s10, $0x2  }
.Ltmp1:
0xb: {  	_ = 	snop;
	(pc) =	sbr.rel @p0 .LBB2_11-.Ltmp1, $1  }
0xc: {  	_ =	sdelay $0x3  }
.LBB2_10:
0xd: {  	s12 =	sadd.s32 $0x100, s11  }
0xe: {  	s13 =	smov.u32 s6;
	p0 =	slt.s32 s12, s8  }
0xf: {  	s13 =	smov.u32 @p0 s12  }
0x10: {  	s10 =	sadd.s32 $0x1, s10;
	s12 =	smov.u32 s11;
	s11 =	smov.u32 s13  }
.LBB2_1:
0x11: {  	p0 =	sne.s32 s10, $0x0  }
.Ltmp2:
0x12: {  	_ = 	snop;
	(pc) =	sbr.rel @!p0 .LBB2_2-.Ltmp2, $1  }
0x13: {  	_ =	sdelay $0x3  }
0x14: {  	s13 =	sand.u32 $0x1, s10  }
0x15: {  	p0 =	seq.s32 s13, $0x0  }
.Ltmp3:
0x16: {  	_ = 	snop;
	(pc) =	sbr.rel @p0 .LBB2_9-.Ltmp3, $1  }
0x17: {  	_ =	sdelay $0x3  }
0x18: {  	_ =	swait.ge [sflag:s5], $0x100  }
0x19: {  	[sflag:s5] =	ssyncset.done $0x0  }
0x1a: {  	s13 =	simm.s32 $0x0;
	[sflag:s5] =	ssyncadd.s32 $0xFFFFFF00  }
0x1b: {  	v0 =	vld.msk [tilespmem:s13+$0x100 ss:$0x1], $0xffff;
	_ =	sdelay $0x4  }
0x1c: {  	v1 =	vshll.u32 v0, $0x3  }
0x1d: {  	vm2 =	veq.s32 v0, $0x80000000;
	v0 =	vshll.u32 v0, $0x10;
	v1 =	vand.u32 $0xFF80, v1  }
0x1e: {  	v0 =	vand.u32 $0xF0000, v0;
	v1 =	vsel vm2, $0xFFFFFF80, v1  }
0x1f: {  	v0 =	vsel vm2, $0xFFFF0000, v0;
	v2 =	vand.u32 $0xFFFFFC00, v1  }
0x20: {  	v1 =	vand.u32 $0x380, v1;
	v0 =	vadd.s32 v0, v2  }
0x21: {  	v0 =	vor.u32 v1, v0  }
0x22: {  	v0 =	vshrl.u32 v0, $0x3;
	_ =	sdelay $0x3  }
0x23: {  	s13 =	simm.s32 $0x8200  }
0x24: {  	[tilespmem:s13], [sflag:$0x1] =	stream.indirect_vreg.gather [hbm:s2], $0x80, v0, vm0, $0x38;
	[tilespmem:$0x10200] =	vst v63  }
0x25: {  	s14 =	simm.s32 $0x8600;
	s31 =	simm.s32 $0x10  }
0x26: {  	[tilespmem:s14], [sflag:$0x1] =	stream.indirect_vreg.gather [hbm:s2], $0x80, v0, vm1, $0x38;
	[tilespmem:$0x10200] =	vst v63  }
0x27: {  	s14 =	simm.s32 $0x80;
	v0 =	vld.msk [tilespmem:s31+$0x100 ss:$0x1], $0xffff  }
.LBB2_5:
0x28: {  	p0 =	sne.s32 s14, $0x3C0;
	_ =	sdelay $0x4  }
0x29: {  	v1 =	vshll.u32 v0, $0x3  }
0x2a: {  	vm2 =	veq.s32 v0, $0x80000000;
	v0 =	vshll.u32 v0, $0x10;
	v1 =	vand.u32 $0xFF80, v1  }
0x2b: {  	v0 =	vand.u32 $0xF0000, v0;
	v1 =	vsel vm2, $0xFFFFFF80, v1  }
0x2c: {  	v0 =	vsel vm2, $0xFFFF0000, v0;
	v2 =	vand.u32 $0xFFFFFC00, v1  }
0x2d: {  	v1 =	vand.u32 $0x380, v1;
	v0 =	vadd.s32 v0, v2  }
0x2e: {  	v0 =	vor.u32 v1, v0  }
0x2f: {  	v0 =	vshrl.u32 v0, $0x3;
	_ =	sdelay $0x3  }
.Ltmp4:
0x30: {  	s13 =	sadd.s32 $0x800, s13;
	(pc) =	sbr.rel @p0 .LBB2_5-.Ltmp4, $4  }
0x31: {  	[tilespmem:s13], [sflag:$0x1] =	stream.indirect_vreg.gather [hbm:s2], $0x80, v0, vm0, $0x38;
	[tilespmem:$0x10200] =	vst v63  }
0x32: {  	s15 =	sshra.s32 s14, $0x2;
	s16 =	sadd.s32 $0x400, s13  }
0x33: {  	[tilespmem:s16], [sflag:$0x1] =	stream.indirect_vreg.gather [hbm:s2], $0x80, v0, vm1, $0x38;
	[tilespmem:$0x10200] =	vst v63  }
0x34: {  	s14 =	sadd.s32 $0x40, s14;
	v0 =	vld.msk [tilespmem:s15+$0x100 ss:$0x1], $0xffff  }
0x35: {  	_ =	sdelay $0x3  }
0x36: {  	v1 =	vshll.u32 v0, $0x3  }
0x37: {  	vm2 =	veq.s32 v0, $0x80000000;
	v63 =	vshll.u32 v0, $0x10;
	v1 =	vand.u32 $0xFF80, v1  }
0x38: {  	v0 =	vand.u32 $0xF0000, v63;
	v1 =	vsel vm2, $0xFFFFFF80, v1  }
0x39: {  	v0 =	vsel vm2, $0xFFFF0000, v0;
	v2 =	vand.u32 $0xFFFFFC00, v1  }
0x3a: {  	v1 =	vand.u32 $0x380, v1;
	v0 =	vadd.s32 v0, v2  }
0x3b: {  	v0 =	vor.u32 v1, v0  }
0x3c: {  	v0 =	vshrl.u32 v0, $0x3;
	_ =	sdelay $0x3  }
0x3d: {  	s13 =	sadd.s32 $0x800, s13  }
0x3e: {  	[tilespmem:s13], [sflag:$0x1] =	stream.indirect_vreg.gather [hbm:s2], $0x80, v0, vm0, $0x38;
	[tilespmem:$0x10200] =	vst v63  }
0x3f: {  	s13 =	sadd.s32 $0x400, s13  }
0x40: {  	[tilespmem:s13], [sflag:$0x1] =	stream.indirect_vreg.gather [hbm:s2], $0x80, v0, vm1, $0x38;
	[tilespmem:$0x10200] =	vst v63  }
0x41: {  	s12 =	sshll.u32 s12, $0x4;
	s14 =	simm.s32 $0x80;
	_ =	swait.ge [sflag:s4], $0x8000  }
0x42: {  	s15 =	simm.s32 $0x8600;
	s12 =	sadd.s32 s12, s7;
	[sflag:s4] =	ssyncset.done $0x0  }
0x43: {  	s16 =	sadd.s32 $0x0, s12;
	s13 =	simm.s32 $0x8200;
	[sflag:s4] =	ssyncadd.s32 $0xFFFF8000  }
.LBB2_7:
0x44: {  	[hbm:s16] =	stream.linear.scatter [tilespmem:s13], [sflag:$0x3], $0x400, $0x38;
	[tilespmem:$0x10200] =	vst v63  }
0x45: {  	s16 =	smov.u32 s14;
	s13 =	smov.u32 s15;
	p0 =	sne.s32 s14, $0xF80  }
.Ltmp5:
0x46: {  	s14 =	sadd.s32 $0x80, s14;
	(pc) =	sbr.rel @p0 .LBB2_7-.Ltmp5, $2  }
0x47: {  	_ =	sdelay $0x2  }
0x48: {  	s15 =	sadd.s32 $0x400, s15;
	s16 =	sadd.s32 s16, s12  }
.Ltmp6:
0x49: {  	(pc) =	sbr.rel .LBB2_9-.Ltmp6, $2  }
0x4a: {  	_ =	sdelay $0x2  }
0x4b: {  	[hbm:s16] =	stream.linear.scatter [tilespmem:s13], [sflag:$0x3], $0x400, $0x38;
	[tilespmem:$0x10200] =	vst v63  }
.LBB2_2:
.Ltmp7:
0x4c: {  	(pc) =	sbr.rel .LBB2_10-.Ltmp7, $4  }
0x4d: {  	_ = 	snop  }
0x4e: {  	s12 =	sshrl.u32 s11, $0x3  }
0x4f: {  	s13 =	sand.u32 $0x7, s11;
	s12 =	sadd.s32 s3, s12  }
0x50: {  	[tilespmem:s9], [sflag:$0x2] =	stream.linear.gather [hbm4b:s12+s13], $0x100, $0x38;
	[tilespmem:$0x10200] =	vst v63  }
.LBB2_11:
0x51: {  	s2 =	simm.s32 $0x3  }
0x52: {  	_ =	swait.ge [sflag:s2], $0x8000  }
0x53: {  	[sflag:s2] =	ssyncset.done $0x0  }
0x54: {  	[sflag:s2] =	ssyncadd.s32 $0xFFFF8000  }
0x55: {  	_ =	sfence.sel $0x180000  }
0x56: {  	s3 =	simm.s32 $0x2;
	[bflag:$0x0] =	sbarrier.arrive $0xFFFF  }
0x57: {  	[sflag:s3] =	ssyncpa.u1 $0x1  }
0x58: {  	s31 =	simm.s32 $0x1;
	[sflag:s2] =	ssyncpa.u1 $0x1  }
0x59: {  	[sflag:s31] =	ssyncpa.u1 $0x1  }
0x5a: {  	p0 =	sne.s32 s1, $0x0;
	_ =	strace $0x9000005F  }
0x5b: {  	s0 =	sadd.s32 @!p0 $0x100000, s0;
	[bflag:$0x2] =	sbarrier.arrive $0xFFFF  }
0x5c: {  	[sflag:s0] =	ssyncadd.tile.s32 @!p0 $0x1;
	_ =	shalt  }
.Lfunc_end2:
_tile_overlayer_lowered:
.L_overlay_start_2:
0x5d: {  	(tag) =	ssettag $0x2  }
0x5e: {  	s0 =	rddreg [dreg:$0x0];
	s2 =	stileid.u32  }
0x5f: {  	s1 =	rddreg [dreg:$0x1];
	p0 =	sne.s32 s2, $0x0  }
0x60: {  	s3 =	rddreg [dreg:$0x2];
	[bflag:$0x3] =	sbarrier.arrive $0xFFFF;
	s2 =	simm.s32 @!p0 $0x1C01  }
0x61: {  	[timem:s3], [sflag:s2] =	dma.local @!p0 [hbm:s0], s1  }
0x62: {  	s0 =	simm.s32 @!p0 $0x1  }
0x63: {  	_ =	swait.ge @!p0 [sflag:s0], s1  }
0x64: {  	s1 =	ssub.s32 @!p0 $0x0, s1;
	[sflag:s0] =	ssyncset.done @!p0 $0x0  }
0x65: {  	[sflag:s0] =	ssyncadd.s32 @!p0 s1  }
0x66: {  	[bflag:$0x3] =	sbarrier.arrive $0xFFFF  }
0x67: {  	_ =	shalt  }

// kernel: gather_offload_async_start.9
scs
__scs_entry_jumppad:
0x0: {  	(pc) =	sbr.rel $0x88, $3  }
0x1: {  	(tag) =	ssettag $0x0;
	lr =	simm.s32 $0x1  }
0x2: {  	[smem:$0x3F15] =	sst lr;
	_ =	strace $0xD0000000  }
0x3: {  	_ = 	snop  }
0x4: {  	_ = 	snop  }
0x5: {  	_ = 	snop  }
0x6: {  	_ = 	snop  }
0x7: {  	_ = 	snop  }
__scs_overlays_trampoline_lowered:
0x8: {  	[smem:$0x3F24] =	sst s0  }
0x9: {  	[smem:$0x3F25] =	sst s1  }
0xa: {  	[smem:$0x3F26] =	sst s2  }
0xb: {  	[smem:$0x3F27] =	sst s3  }
0xc: {  	[smem:$0x3F28] =	sst s4  }
0xd: {  	[smem:$0x3F29] =	sst s5  }
0xe: {  	[smem:$0x3F2A] =	sst s6  }
0xf: {  	[smem:$0x3F2B] =	sst s7  }
0x10: {  	[smem:$0x3F2C] =	sst s8  }
0x11: {  	[smem:$0x3F2D] =	sst s9;
	s0 =	simm.s32 @!p0 $0x0  }
0x12: {  	s1 =	sld [smem:$0x3F13];
	s0 =	simm.s32 @p0 $0x1  }
0x13: {  	[smem:$0x3F2E] =	sst s0;
	s0 =	simm.s32 @!p1 $0x0  }
0x14: {  	s2 =	sld [smem:$0x3F12];
	s0 =	simm.s32 @p1 $0x1  }
0x15: {  	[smem:$0x3F2F] =	sst s0;
	s0 =	simm.s32 @!p2 $0x0  }
0x16: {  	s3 =	sld [smem:$0x3FDB];
	s0 =	simm.s32 @p2 $0x1  }
0x17: {  	s4 =	simm.s32 $0x1BF5;
	[smem:$0x3F31] =	sst s0  }
0x18: {  	s0 =	sld [smem:$0x3F14];
	_ =	swait.ge [sflag:s4], $0x0  }
0x19: {  	s7 =	sld [smem:$0x3F15]  }
0x1a: {  	s8 =	sadd.s32 $0xFFFFE003, lr  }
0x1b: {  	s9 =	sadd.s32 $0xFFFFFEF7, lr;
	s5 =	simm.s32 $0xFFFFFFFF;
	p2 =	slt.u32 s8, $0xFFFFF086  }
0x1c: {  	p1 =	slt.u32 s9, $0xF7A;
	s5 =	simm.s32 @!p2 $0x0  }
0x1d: {  	s5 =	simm.s32 @p1 $0x1;
	p0 =	seq.s32 s7, s2  }
0x1e: {  	s7 =	smul.u32 @!p0 $0xF7A, s2;
	p2 =	seq.s32 @!p0 s5, $0x0  }
0x1f: {  	s9 =	smul.u32 $0xF7A, s1;
	s8 =	simm.s32 @!p0 $0x1BF5;
	p2 =	por !p2, p0  }
0x20: {  	[sflag:s8] =	ssyncset.s32 @!p0 $0xFFFFF086;
	s6 =	sadd.s32 @!p0 s3, s7;
	s7 =	simm.s32 @!p0 $0x108  }
0x21: {  	s3 =	sadd.s32 s3, s9;
	s6 =	sadd.s32 @!p0 $0x88, s6;
	s7 =	simm.s32 @p2 $0x1082  }
0x22: {  	[simem:s7], [sflag:s8] =	dma.local @!p0 [hbm:s6], $0xF7A  }
0x23: {  	s9 =	sor.u32 $0xD0000000, s2;
	s6 =	simm.s32 $0x108;
	_ =	swait.ge @!p0 [sflag:s8], $0x0  }
0x24: {  	s3 =	sadd.s32 $0x88, s3;
	s6 =	simm.s32 @!p1 $0x1082;
	[sflag:s4] =	ssyncset.s32 $0xFFFFF086  }
0x25: {  	[simem:s6], [sflag:s4] =	dma.local [hbm:s3], $0xF7A  }
0x26: {  	[smem:$0x3F15] =	sst s1;
	(tag) =	ssettag s2;
	_ =	strace s9  }
0x27: {  	s1 =	sld [smem:$0x3F25]  }
0x28: {  	s2 =	sld [smem:$0x3F26]  }
0x29: {  	s4 =	sld [smem:$0x3F28]  }
0x2a: {  	p0 =	seq.s32 s5, $0x0;
	s5 =	sld [smem:$0x3F29]  }
0x2b: {  	s6 =	sld [smem:$0x3F2A]  }
0x2c: {  	s7 =	sld [smem:$0x3F2B]  }
0x2d: {  	s3 =	simm.s32 $0x108;
	s8 =	sld [smem:$0x3F2C]  }
0x2e: {  	s3 =	simm.s32 @!p0 $0x1082;
	s9 =	sld [smem:$0x3F2D]  }
0x2f: {  	lr =	sadd.s32 s0, s3;
	s0 =	sld [smem:$0x3F24]  }
0x30: {  	s3 =	sld [smem:$0x3F27]  }
0x31: {  	[smem:$0x3F30] =	sst s10  }
0x32: {  	s10 =	sld [smem:$0x3F2E];
	_ =	sdelay $0x3  }
0x33: {  	p0 =	seq.s32 s10, $0x1;
	s10 =	sld [smem:$0x3F30];
	_ =	sdelay $0x3  }
0x34: {  	[smem:$0x3F30] =	sst s10  }
0x35: {  	s10 =	sld [smem:$0x3F2F];
	_ =	sdelay $0x3  }
0x36: {  	p1 =	seq.s32 s10, $0x1;
	s10 =	sld [smem:$0x3F30];
	_ =	sdelay $0x3  }
0x37: {  	[smem:$0x3F30] =	sst s10  }
0x38: {  	s10 =	sld [smem:$0x3F31]  }
0x39: {  	_ = 	snop;
	(pc) =	sbr.ind lr, $3  }
0x3a: {  	_ = 	snop  }
0x3b: {  	_ = 	snop  }
0x3c: {  	p2 =	seq.s32 s10, $0x1;
	s10 =	sld [smem:$0x3F30]  }
0x3d: {  	_ =	shalt  }
0x3e: {  	_ =	shalt  }
0x3f: {  	_ =	shalt  }
0x40: {  	_ =	shalt  }
0x41: {  	_ =	shalt  }
0x42: {  	_ =	shalt  }
0x43: {  	_ =	shalt  }
0x44: {  	_ =	shalt  }
0x45: {  	_ =	shalt  }
0x46: {  	_ =	shalt  }
0x47: {  	_ =	shalt  }
0x48: {  	_ =	shalt  }
0x49: {  	_ =	shalt  }
0x4a: {  	_ =	shalt  }
0x4b: {  	_ =	shalt  }
0x4c: {  	_ =	shalt  }
0x4d: {  	_ =	shalt  }
0x4e: {  	_ =	shalt  }
0x4f: {  	_ =	shalt  }
0x50: {  	_ =	shalt  }
0x51: {  	_ =	shalt  }
0x52: {  	_ =	shalt  }
0x53: {  	_ =	shalt  }
0x54: {  	_ =	shalt  }
0x55: {  	_ =	shalt  }
0x56: {  	_ =	shalt  }
0x57: {  	_ =	shalt  }
0x58: {  	_ =	shalt  }
0x59: {  	_ =	shalt  }
0x5a: {  	_ =	shalt  }
0x5b: {  	_ =	shalt  }
0x5c: {  	_ =	shalt  }
0x5d: {  	_ =	shalt  }
0x5e: {  	_ =	shalt  }
0x5f: {  	_ =	shalt  }
0x60: {  	_ =	shalt  }
0x61: {  	_ =	shalt  }
0x62: {  	_ =	shalt  }
0x63: {  	_ =	shalt  }
0x64: {  	_ =	shalt  }
0x65: {  	_ =	shalt  }
0x66: {  	_ =	shalt  }
0x67: {  	_ =	shalt  }
0x68: {  	_ =	shalt  }
0x69: {  	_ =	shalt  }
0x6a: {  	_ =	shalt  }
0x6b: {  	_ =	shalt  }
0x6c: {  	_ =	shalt  }
0x6d: {  	_ =	shalt  }
0x6e: {  	_ =	shalt  }
0x6f: {  	_ =	shalt  }
0x70: {  	_ =	shalt  }
0x71: {  	_ =	shalt  }
0x72: {  	_ =	shalt  }
0x73: {  	_ =	shalt  }
0x74: {  	_ =	shalt  }
0x75: {  	_ =	shalt  }
0x76: {  	_ =	shalt  }
0x77: {  	_ =	shalt  }
0x78: {  	_ =	shalt  }
0x79: {  	_ =	shalt  }
0x7a: {  	_ =	shalt  }
0x7b: {  	_ =	shalt  }
0x7c: {  	_ =	shalt  }
0x7d: {  	_ =	shalt  }
0x7e: {  	_ =	shalt  }
0x7f: {  	_ =	shalt  }
0x80: {  	_ =	shalt  }
0x81: {  	_ =	shalt  }
0x82: {  	_ =	shalt  }
0x83: {  	_ =	shalt  }
0x84: {  	_ =	shalt  }
0x85: {  	_ =	shalt  }
0x86: {  	_ =	shalt  }
0x87: {  	_ =	shalt  }
.Lfunc_end0:
.L_simem_size_0:
called_computation.10_lowered:
.L_overlay_start_0:
0x88: {  	s2 =	sld [smem:$0x3FD9]  }
0x89: {  	s3 =	sld [smem:$0x3FFE];
	_ =	sdelay $0x1  }
0x8a: {  	s1 =	srdreg.scid  }
0x8b: {  	s0 =	sand.u32 $0x1, s1  }
0x8c: {  	s16 =	sshll.u32 s0, $0xA;
	s2 =	sadd.s32 s3, s2  }
0x8d: {  	s2 =	sadd.s32 s2, s16  }
0x8e: {  	[smem:$0x3F3C] =	sst s2  }
0x8f: {  	_ = 	snop  }
0x90: {  	(tm) =	ssettm $0x1  }
0x91: {  	s17 =	sld [smem:$0x3FFB];
	_ =	sdelay $0x3  }
0x92: {  	_ =	strace s17  }
0x93: {  	s2 =	sld [smem:$0x3FFC];
	_ =	sdelay $0x3  }
0x94: {  	_ =	strace s2  }
0x95: {  	s2 =	sld [smem:$0x3FFD];
	_ =	sdelay $0x3  }
0x96: {  	_ =	strace s2  }
0x97: {  	_ =	strace $0x8FFFFFFF  }
0x98: {  	s18 =	sld [smem:$0x3FDB];
	_ =	sdelay $0x1  }
0x99: {  	s19 =	simm.s32 $_scs_section_size  }
0x9a: {  	s4 =	simm.s32 $_size__tile_overlayer_lowered;
	s5 =	simm.s32 $_tile_overlayer_lowered  }
0x9b: {  	s22 =	simm.s32 $0x1BFF;
	s21 =	sshll.u32 s5, $0x1;
	s2 =	sadd.s32 s19, s18  }
0x9c: {  	s6 =	simm.s32 $0x0;
	s20 =	sshll.u32 s4, $0x1;
	s4 =	sadd.s32 s21, s2  }
0x9d: {  	[timem:s6], [sflag:s22] =	dma.local [hbm:s4], s20  }
0x9e: {  	_ =	swait.ge [sflag:s22], s20  }
0x9f: {  	s3 =	ssub.s32 $0x0, s20;
	[sflag:s22] =	ssyncset.done $0x0  }
0xa0: {  	[sflag:s22] =	ssyncadd.s32 s3;
	_ =	sdelay $0x1  }
0xa1: {  	s23 =	simm.s32 $0x1B8B  }
0xa2: {  	_ =	swait.ge [sflag:s23], $0x1  }
0xa3: {  	[sflag:s23] =	ssyncset.done $0x0  }
0xa4: {  	s25 =	simm.s32 $0x1B8E;
	s24 =	sld [smem:$0x3FFE];
	[sflag:s23] =	ssyncadd.s32 $0xFFFFFFFF  }
0xa5: {  	s26 =	simm.s32 $execute0_lowered;
	[smem:$0x3FD2] =	sst s25  }
0xa6: {  	s4 =	sshll.u32 s26, $0x1;
	_ =	strace $0x80000061;
	[dreg:$0x1] =	wrdreg $0xFFFFFFFF  }
0xa7: {  	s28 =	simm.s32 $_size_execute0_lowered;
	s2 =	sadd.s32 s2, s4;
	[dreg:$0x0] =	wrdreg $0x0  }
0xa8: {  	s4 =	sshll.u32 s28, $0x1;
	[dreg:$0x2] =	wrdreg s2  }
0xa9: {  	[dreg:$0x3] =	wrdreg s4  }
0xaa: {  	[dreg:$0x4] =	wrdreg $0xC0  }
0xab: {  	_ =	task [dreg:s6], $0x5FFFF  }
0xac: {  	[dreg:$0x1] =	wrdreg $0xFFFFFFFF  }
0xad: {  	[dreg:$0x0] =	wrdreg $0x60  }
0xae: {  	[dreg:$0x2] =	wrdreg s24  }
0xaf: {  	[dreg:$0x3] =	wrdreg $0xA  }
0xb0: {  	_ =	task.clear_ibuf [dreg:s6], $0x4FFFF;
	_ =	strace $0x90000061  }
0xb1: {  	s29 =	simm.s32 $0xA;
	_ =	strace $0x80000063  }
0xb2: {  	_ =	swait.ge [sflag:s29], $0x1  }
0xb3: {  	[sflag:s29] =	ssyncadd.s32 $0xFFFFFFFF  }
0xb4: {  	_ =	strace $0x90000063  }
0xb5: {  	_ =	sfence  }
0xb6: {  	s30 =	sld [smem:$0x0];
	_ =	sdelay $0x2  }
0xb7: {  	s31 =	sshll.u32 s1, $0xD;
	s1 =	sshrl.u32 s1, $0x2  }
0xb8: {  	s3 =	sand.u32 $0x4000, s31;
	s1 =	sadd.s32 s1, s30  }
0xb9: {  	s0 =	sor.u32 s3, s0;
	s1 =	sshll.u32 s1, $0x11  }
0xba: {  	s0 =	sor.u32 s1, s0  }
0xbb: {  	s0 =	sadd.s32 $0x8F2B, s0  }
0xbc: {  	[sflag:s0] =	ssyncadd.remote.s32 $0x1  }
0xbd: {  	_ =	sfence.sel $0xFFFF  }
0xbe: {  	[dreg:$0x0] =	wrdreg $0xFFFFFFFF;
	(pc) =	sbr.abs _section_cstart, $3  }
0xbf: {  	[dreg:$0x1] =	wrdreg $0xFFFFFFFF  }
0xc0: {  	_ =	task.clear_ibuf [dreg:s6], $0x2FFFF;
	_ =	strace $0x9FFFFFFF  }
0xc1: {  	(tm) =	ssettm $0x7FFFFFFF  }
tec
execute0_lowered:
.L_overlay_start_1:
0x0: {  	(tag) =	ssettag $0x1  }
0x1: {  	s7 =	rddreg [dreg:$0x0]  }
0x2: {  	s0 =	rddreg [dreg:$0x1];
	_ =	strace $0x80000062  }
0x3: {  	s1 =	srdreg.scid;
	s4 =	simm.s32 $0x1;
	s9 =	simm.s32 $0x3  }
0x4: {  	s12 =	simm.s32 $0x0;
	s10 =	simm.s32 $0x0;
	s5 =	sshll.u32 s1, $0x4  }
.Ltmp0:
0x5: {  	s1 =	stileid.u32;
	s5 =	sand.u32 $0x10, s5;
	(pc) =	sbr.rel .LBB2_1-.Ltmp0, $4  }
0x6: {  	s2 =	sadd.s32 $0x1BF400, s7;
	s3 =	sadd.s32 $0x101A00, s7;
	s6 =	sor.u32 s1, s5  }
0x7: {  	[sflag:s4] =	ssyncpa.u1 $0x0;
	s5 =	simm.s32 $0x2;
	s6 =	sshll.u32 s6, $0x8  }
0x8: {  	s7 =	sadd.s32 $0x1DF400, s7;
	[sflag:s5] =	ssyncpa.u1 $0x0;
	s8 =	sadd.s32 $0x100, s6  }
0x9: {  	vm0 =	vmmov $0xff;
	vm1 =	vcmask $0x3F20;
	[sflag:s9] =	ssyncpa.u1 $0x0;
	s9 =	simm.s32 $0x100;
	s11 =	smov.u32 s6  }
.LBB2_9:
0xa: {  	p0 =	seq.s32 s10, $0x2  }
.Ltmp1:
0xb: {  	_ = 	snop;
	(pc) =	sbr.rel @p0 .LBB2_11-.Ltmp1, $1  }
0xc: {  	_ =	sdelay $0x3  }
.LBB2_10:
0xd: {  	s12 =	sadd.s32 $0x100, s11  }
0xe: {  	s13 =	smov.u32 s6;
	p0 =	slt.s32 s12, s8  }
0xf: {  	s13 =	smov.u32 @p0 s12  }
0x10: {  	s10 =	sadd.s32 $0x1, s10;
	s12 =	smov.u32 s11;
	s11 =	smov.u32 s13  }
.LBB2_1:
0x11: {  	p0 =	sne.s32 s10, $0x0  }
.Ltmp2:
0x12: {  	_ = 	snop;
	(pc) =	sbr.rel @!p0 .LBB2_2-.Ltmp2, $1  }
0x13: {  	_ =	sdelay $0x3  }
0x14: {  	s13 =	sand.u32 $0x1, s10  }
0x15: {  	p0 =	seq.s32 s13, $0x0  }
.Ltmp3:
0x16: {  	_ = 	snop;
	(pc) =	sbr.rel @p0 .LBB2_9-.Ltmp3, $1  }
0x17: {  	_ =	sdelay $0x3  }
0x18: {  	_ =	swait.ge [sflag:s5], $0x100  }
0x19: {  	[sflag:s5] =	ssyncset.done $0x0  }
0x1a: {  	s13 =	simm.s32 $0x0;
	[sflag:s5] =	ssyncadd.s32 $0xFFFFFF00  }
0x1b: {  	v0 =	vld.msk [tilespmem:s13+$0x100 ss:$0x1], $0xffff;
	_ =	sdelay $0x4  }
0x1c: {  	v1 =	vshll.u32 v0, $0x3  }
0x1d: {  	vm2 =	veq.s32 v0, $0x80000000;
	v0 =	vshll.u32 v0, $0x10;
	v1 =	vand.u32 $0xFF80, v1  }
0x1e: {  	v0 =	vand.u32 $0xF0000, v0;
	v1 =	vsel vm2, $0xFFFFFF80, v1  }
0x1f: {  	v0 =	vsel vm2, $0xFFFF0000, v0;
	v2 =	vand.u32 $0xFFFFFC00, v1  }
0x20: {  	v1 =	vand.u32 $0x380, v1;
	v0 =	vadd.s32 v0, v2  }
0x21: {  	v0 =	vor.u32 v1, v0  }
0x22: {  	v0 =	vshrl.u32 v0, $0x3;
	_ =	sdelay $0x3  }
0x23: {  	s13 =	simm.s32 $0x8200  }
0x24: {  	[tilespmem:s13], [sflag:$0x1] =	stream.indirect_vreg.gather [hbm:s2], $0x80, v0, vm0, $0x38;
	[tilespmem:$0x10200] =	vst v63  }
0x25: {  	s14 =	simm.s32 $0x8600;
	s31 =	simm.s32 $0x10  }
0x26: {  	[tilespmem:s14], [sflag:$0x1] =	stream.indirect_vreg.gather [hbm:s2], $0x80, v0, vm1, $0x38;
	[tilespmem:$0x10200] =	vst v63  }
0x27: {  	s14 =	simm.s32 $0x80;
	v0 =	vld.msk [tilespmem:s31+$0x100 ss:$0x1], $0xffff  }
.LBB2_5:
0x28: {  	p0 =	sne.s32 s14, $0x3C0;
	_ =	sdelay $0x4  }
0x29: {  	v1 =	vshll.u32 v0, $0x3  }
0x2a: {  	vm2 =	veq.s32 v0, $0x80000000;
	v0 =	vshll.u32 v0, $0x10;
	v1 =	vand.u32 $0xFF80, v1  }
0x2b: {  	v0 =	vand.u32 $0xF0000, v0;
	v1 =	vsel vm2, $0xFFFFFF80, v1  }
0x2c: {  	v0 =	vsel vm2, $0xFFFF0000, v0;
	v2 =	vand.u32 $0xFFFFFC00, v1  }
0x2d: {  	v1 =	vand.u32 $0x380, v1;
	v0 =	vadd.s32 v0, v2  }
0x2e: {  	v0 =	vor.u32 v1, v0  }
0x2f: {  	v0 =	vshrl.u32 v0, $0x3;
	_ =	sdelay $0x3  }
.Ltmp4:
0x30: {  	s13 =	sadd.s32 $0x800, s13;
	(pc) =	sbr.rel @p0 .LBB2_5-.Ltmp4, $4  }
0x31: {  	[tilespmem:s13], [sflag:$0x1] =	stream.indirect_vreg.gather [hbm:s2], $0x80, v0, vm0, $0x38;
	[tilespmem:$0x10200] =	vst v63  }
0x32: {  	s15 =	sshra.s32 s14, $0x2;
	s16 =	sadd.s32 $0x400, s13  }
0x33: {  	[tilespmem:s16], [sflag:$0x1] =	stream.indirect_vreg.gather [hbm:s2], $0x80, v0, vm1, $0x38;
	[tilespmem:$0x10200] =	vst v63  }
0x34: {  	s14 =	sadd.s32 $0x40, s14;
	v0 =	vld.msk [tilespmem:s15+$0x100 ss:$0x1], $0xffff  }
0x35: {  	_ =	sdelay $0x3  }
0x36: {  	v1 =	vshll.u32 v0, $0x3  }
0x37: {  	vm2 =	veq.s32 v0, $0x80000000;
	v63 =	vshll.u32 v0, $0x10;
	v1 =	vand.u32 $0xFF80, v1  }
0x38: {  	v0 =	vand.u32 $0xF0000, v63;
	v1 =	vsel vm2, $0xFFFFFF80, v1  }
0x39: {  	v0 =	vsel vm2, $0xFFFF0000, v0;
	v2 =	vand.u32 $0xFFFFFC00, v1  }
0x3a: {  	v1 =	vand.u32 $0x380, v1;
	v0 =	vadd.s32 v0, v2  }
0x3b: {  	v0 =	vor.u32 v1, v0  }
0x3c: {  	v0 =	vshrl.u32 v0, $0x3;
	_ =	sdelay $0x3  }
0x3d: {  	s13 =	sadd.s32 $0x800, s13  }
0x3e: {  	[tilespmem:s13], [sflag:$0x1] =	stream.indirect_vreg.gather [hbm:s2], $0x80, v0, vm0, $0x38;
	[tilespmem:$0x10200] =	vst v63  }
0x3f: {  	s13 =	sadd.s32 $0x400, s13  }
0x40: {  	[tilespmem:s13], [sflag:$0x1] =	stream.indirect_vreg.gather [hbm:s2], $0x80, v0, vm1, $0x38;
	[tilespmem:$0x10200] =	vst v63  }
0x41: {  	s12 =	sshll.u32 s12, $0x4;
	s14 =	simm.s32 $0x80;
	_ =	swait.ge [sflag:s4], $0x8000  }
0x42: {  	s15 =	simm.s32 $0x8600;
	s12 =	sadd.s32 s12, s7;
	[sflag:s4] =	ssyncset.done $0x0  }
0x43: {  	s16 =	sadd.s32 $0x0, s12;
	s13 =	simm.s32 $0x8200;
	[sflag:s4] =	ssyncadd.s32 $0xFFFF8000  }
.LBB2_7:
0x44: {  	[hbm:s16] =	stream.linear.scatter [tilespmem:s13], [sflag:$0x3], $0x400, $0x38;
	[tilespmem:$0x10200] =	vst v63  }
0x45: {  	s16 =	smov.u32 s14;
	s13 =	smov.u32 s15;
	p0 =	sne.s32 s14, $0xF80  }
.Ltmp5:
0x46: {  	s14 =	sadd.s32 $0x80, s14;
	(pc) =	sbr.rel @p0 .LBB2_7-.Ltmp5, $2  }
0x47: {  	_ =	sdelay $0x2  }
0x48: {  	s15 =	sadd.s32 $0x400, s15;
	s16 =	sadd.s32 s16, s12  }
.Ltmp6:
0x49: {  	(pc) =	sbr.rel .LBB2_9-.Ltmp6, $2  }
0x4a: {  	_ =	sdelay $0x2  }
0x4b: {  	[hbm:s16] =	stream.linear.scatter [tilespmem:s13], [sflag:$0x3], $0x400, $0x38;
	[tilespmem:$0x10200] =	vst v63  }
.LBB2_2:
.Ltmp7:
0x4c: {  	(pc) =	sbr.rel .LBB2_10-.Ltmp7, $4  }
0x4d: {  	_ = 	snop  }
0x4e: {  	s12 =	sshrl.u32 s11, $0x3  }
0x4f: {  	s13 =	sand.u32 $0x7, s11;
	s12 =	sadd.s32 s3, s12  }
0x50: {  	[tilespmem:s9], [sflag:$0x2] =	stream.linear.gather [hbm4b:s12+s13], $0x100, $0x38;
	[tilespmem:$0x10200] =	vst v63  }
.LBB2_11:
0x51: {  	s2 =	simm.s32 $0x3  }
0x52: {  	_ =	swait.ge [sflag:s2], $0x8000  }
0x53: {  	[sflag:s2] =	ssyncset.done $0x0  }
0x54: {  	[sflag:s2] =	ssyncadd.s32 $0xFFFF8000  }
0x55: {  	_ =	sfence.sel $0x180000  }
0x56: {  	s3 =	simm.s32 $0x2;
	[bflag:$0x0] =	sbarrier.arrive $0xFFFF  }
0x57: {  	[sflag:s3] =	ssyncpa.u1 $0x1  }
0x58: {  	s31 =	simm.s32 $0x1;
	[sflag:s2] =	ssyncpa.u1 $0x1  }
0x59: {  	[sflag:s31] =	ssyncpa.u1 $0x1  }
0x5a: {  	p0 =	sne.s32 s1, $0x0;
	_ =	strace $0x90000062  }
0x5b: {  	s0 =	sadd.s32 @!p0 $0x100000, s0;
	[bflag:$0x2] =	sbarrier.arrive $0xFFFF  }
0x5c: {  	[sflag:s0] =	ssyncadd.tile.s32 @!p0 $0x1;
	_ =	shalt  }
.Lfunc_end2:
_tile_overlayer_lowered:
.L_overlay_start_2:
0x5d: {  	(tag) =	ssettag $0x2  }
0x5e: {  	s0 =	rddreg [dreg:$0x0];
	s2 =	stileid.u32  }
0x5f: {  	s1 =	rddreg [dreg:$0x1];
	p0 =	sne.s32 s2, $0x0  }
0x60: {  	s3 =	rddreg [dreg:$0x2];
	[bflag:$0x3] =	sbarrier.arrive $0xFFFF;
	s2 =	simm.s32 @!p0 $0x1C01  }
0x61: {  	[timem:s3], [sflag:s2] =	dma.local @!p0 [hbm:s0], s1  }
0x62: {  	s0 =	simm.s32 @!p0 $0x1  }
0x63: {  	_ =	swait.ge @!p0 [sflag:s0], s1  }
0x64: {  	s1 =	ssub.s32 @!p0 $0x0, s1;
	[sflag:s0] =	ssyncset.done @!p0 $0x0  }
0x65: {  	[sflag:s0] =	ssyncadd.s32 @!p0 s1  }
0x66: {  	[bflag:$0x3] =	sbarrier.arrive $0xFFFF  }
0x67: {  	_ =	shalt  }

// kernel: gather_offload_async_start
scs
__scs_entry_jumppad:
0x0: {  	(pc) =	sbr.rel $0x88, $3  }
0x1: {  	(tag) =	ssettag $0x0;
	lr =	simm.s32 $0x1  }
0x2: {  	[smem:$0x3F15] =	sst lr;
	_ =	strace $0xD0000000  }
0x3: {  	_ = 	snop  }
0x4: {  	_ = 	snop  }
0x5: {  	_ = 	snop  }
0x6: {  	_ = 	snop  }
0x7: {  	_ = 	snop  }
__scs_overlays_trampoline_lowered:
0x8: {  	[smem:$0x3F24] =	sst s0  }
0x9: {  	[smem:$0x3F25] =	sst s1  }
0xa: {  	[smem:$0x3F26] =	sst s2  }
0xb: {  	[smem:$0x3F27] =	sst s3  }
0xc: {  	[smem:$0x3F28] =	sst s4  }
0xd: {  	[smem:$0x3F29] =	sst s5  }
0xe: {  	[smem:$0x3F2A] =	sst s6  }
0xf: {  	[smem:$0x3F2B] =	sst s7  }
0x10: {  	[smem:$0x3F2C] =	sst s8  }
0x11: {  	[smem:$0x3F2D] =	sst s9;
	s0 =	simm.s32 @!p0 $0x0  }
0x12: {  	s1 =	sld [smem:$0x3F13];
	s0 =	simm.s32 @p0 $0x1  }
0x13: {  	[smem:$0x3F2E] =	sst s0;
	s0 =	simm.s32 @!p1 $0x0  }
0x14: {  	s2 =	sld [smem:$0x3F12];
	s0 =	simm.s32 @p1 $0x1  }
0x15: {  	[smem:$0x3F2F] =	sst s0;
	s0 =	simm.s32 @!p2 $0x0  }
0x16: {  	s3 =	sld [smem:$0x3FDB];
	s0 =	simm.s32 @p2 $0x1  }
0x17: {  	s4 =	simm.s32 $0x1BF5;
	[smem:$0x3F31] =	sst s0  }
0x18: {  	s0 =	sld [smem:$0x3F14];
	_ =	swait.ge [sflag:s4], $0x0  }
0x19: {  	s7 =	sld [smem:$0x3F15]  }
0x1a: {  	s8 =	sadd.s32 $0xFFFFE003, lr  }
0x1b: {  	s9 =	sadd.s32 $0xFFFFFEF7, lr;
	s5 =	simm.s32 $0xFFFFFFFF;
	p2 =	slt.u32 s8, $0xFFFFF086  }
0x1c: {  	p1 =	slt.u32 s9, $0xF7A;
	s5 =	simm.s32 @!p2 $0x0  }
0x1d: {  	s5 =	simm.s32 @p1 $0x1;
	p0 =	seq.s32 s7, s2  }
0x1e: {  	s7 =	smul.u32 @!p0 $0xF7A, s2;
	p2 =	seq.s32 @!p0 s5, $0x0  }
0x1f: {  	s9 =	smul.u32 $0xF7A, s1;
	s8 =	simm.s32 @!p0 $0x1BF5;
	p2 =	por !p2, p0  }
0x20: {  	[sflag:s8] =	ssyncset.s32 @!p0 $0xFFFFF086;
	s6 =	sadd.s32 @!p0 s3, s7;
	s7 =	simm.s32 @!p0 $0x108  }
0x21: {  	s3 =	sadd.s32 s3, s9;
	s6 =	sadd.s32 @!p0 $0x88, s6;
	s7 =	simm.s32 @p2 $0x1082  }
0x22: {  	[simem:s7], [sflag:s8] =	dma.local @!p0 [hbm:s6], $0xF7A  }
0x23: {  	s9 =	sor.u32 $0xD0000000, s2;
	s6 =	simm.s32 $0x108;
	_ =	swait.ge @!p0 [sflag:s8], $0x0  }
0x24: {  	s3 =	sadd.s32 $0x88, s3;
	s6 =	simm.s32 @!p1 $0x1082;
	[sflag:s4] =	ssyncset.s32 $0xFFFFF086  }
0x25: {  	[simem:s6], [sflag:s4] =	dma.local [hbm:s3], $0xF7A  }
0x26: {  	[smem:$0x3F15] =	sst s1;
	(tag) =	ssettag s2;
	_ =	strace s9  }
0x27: {  	s1 =	sld [smem:$0x3F25]  }
0x28: {  	s2 =	sld [smem:$0x3F26]  }
0x29: {  	s4 =	sld [smem:$0x3F28]  }
0x2a: {  	p0 =	seq.s32 s5, $0x0;
	s5 =	sld [smem:$0x3F29]  }
0x2b: {  	s6 =	sld [smem:$0x3F2A]  }
0x2c: {  	s7 =	sld [smem:$0x3F2B]  }
0x2d: {  	s3 =	simm.s32 $0x108;
	s8 =	sld [smem:$0x3F2C]  }
0x2e: {  	s3 =	simm.s32 @!p0 $0x1082;
	s9 =	sld [smem:$0x3F2D]  }
0x2f: {  	lr =	sadd.s32 s0, s3;
	s0 =	sld [smem:$0x3F24]  }
0x30: {  	s3 =	sld [smem:$0x3F27]  }
0x31: {  	[smem:$0x3F30] =	sst s10  }
0x32: {  	s10 =	sld [smem:$0x3F2E];
	_ =	sdelay $0x3  }
0x33: {  	p0 =	seq.s32 s10, $0x1;
	s10 =	sld [smem:$0x3F30];
	_ =	sdelay $0x3  }
0x34: {  	[smem:$0x3F30] =	sst s10  }
0x35: {  	s10 =	sld [smem:$0x3F2F];
	_ =	sdelay $0x3  }
0x36: {  	p1 =	seq.s32 s10, $0x1;
	s10 =	sld [smem:$0x3F30];
	_ =	sdelay $0x3  }
0x37: {  	[smem:$0x3F30] =	sst s10  }
0x38: {  	s10 =	sld [smem:$0x3F31]  }
0x39: {  	_ = 	snop;
	(pc) =	sbr.ind lr, $3  }
0x3a: {  	_ = 	snop  }
0x3b: {  	_ = 	snop  }
0x3c: {  	p2 =	seq.s32 s10, $0x1;
	s10 =	sld [smem:$0x3F30]  }
0x3d: {  	_ =	shalt  }
0x3e: {  	_ =	shalt  }
0x3f: {  	_ =	shalt  }
0x40: {  	_ =	shalt  }
0x41: {  	_ =	shalt  }
0x42: {  	_ =	shalt  }
0x43: {  	_ =	shalt  }
0x44: {  	_ =	shalt  }
0x45: {  	_ =	shalt  }
0x46: {  	_ =	shalt  }
0x47: {  	_ =	shalt  }
0x48: {  	_ =	shalt  }
0x49: {  	_ =	shalt  }
0x4a: {  	_ =	shalt  }
0x4b: {  	_ =	shalt  }
0x4c: {  	_ =	shalt  }
0x4d: {  	_ =	shalt  }
0x4e: {  	_ =	shalt  }
0x4f: {  	_ =	shalt  }
0x50: {  	_ =	shalt  }
0x51: {  	_ =	shalt  }
0x52: {  	_ =	shalt  }
0x53: {  	_ =	shalt  }
0x54: {  	_ =	shalt  }
0x55: {  	_ =	shalt  }
0x56: {  	_ =	shalt  }
0x57: {  	_ =	shalt  }
0x58: {  	_ =	shalt  }
0x59: {  	_ =	shalt  }
0x5a: {  	_ =	shalt  }
0x5b: {  	_ =	shalt  }
0x5c: {  	_ =	shalt  }
0x5d: {  	_ =	shalt  }
0x5e: {  	_ =	shalt  }
0x5f: {  	_ =	shalt  }
0x60: {  	_ =	shalt  }
0x61: {  	_ =	shalt  }
0x62: {  	_ =	shalt  }
0x63: {  	_ =	shalt  }
0x64: {  	_ =	shalt  }
0x65: {  	_ =	shalt  }
0x66: {  	_ =	shalt  }
0x67: {  	_ =	shalt  }
0x68: {  	_ =	shalt  }
0x69: {  	_ =	shalt  }
0x6a: {  	_ =	shalt  }
0x6b: {  	_ =	shalt  }
0x6c: {  	_ =	shalt  }
0x6d: {  	_ =	shalt  }
0x6e: {  	_ =	shalt  }
0x6f: {  	_ =	shalt  }
0x70: {  	_ =	shalt  }
0x71: {  	_ =	shalt  }
0x72: {  	_ =	shalt  }
0x73: {  	_ =	shalt  }
0x74: {  	_ =	shalt  }
0x75: {  	_ =	shalt  }
0x76: {  	_ =	shalt  }
0x77: {  	_ =	shalt  }
0x78: {  	_ =	shalt  }
0x79: {  	_ =	shalt  }
0x7a: {  	_ =	shalt  }
0x7b: {  	_ =	shalt  }
0x7c: {  	_ =	shalt  }
0x7d: {  	_ =	shalt  }
0x7e: {  	_ =	shalt  }
0x7f: {  	_ =	shalt  }
0x80: {  	_ =	shalt  }
0x81: {  	_ =	shalt  }
0x82: {  	_ =	shalt  }
0x83: {  	_ =	shalt  }
0x84: {  	_ =	shalt  }
0x85: {  	_ =	shalt  }
0x86: {  	_ =	shalt  }
0x87: {  	_ =	shalt  }
.Lfunc_end0:
.L_simem_size_0:
called_computation.1_lowered:
.L_overlay_start_0:
0x88: {  	s2 =	sld [smem:$0x3FD9]  }
0x89: {  	s3 =	sld [smem:$0x3FFE];
	_ =	sdelay $0x1  }
0x8a: {  	s1 =	srdreg.scid  }
0x8b: {  	s0 =	sand.u32 $0x1, s1  }
0x8c: {  	s16 =	sshll.u32 s0, $0xA;
	s2 =	sadd.s32 s3, s2  }
0x8d: {  	s2 =	sadd.s32 s2, s16  }
0x8e: {  	[smem:$0x3F3C] =	sst s2  }
0x8f: {  	_ = 	snop  }
0x90: {  	(tm) =	ssettm $0x1  }
0x91: {  	s17 =	sld [smem:$0x3FFB];
	_ =	sdelay $0x3  }
0x92: {  	_ =	strace s17  }
0x93: {  	s2 =	sld [smem:$0x3FFC];
	_ =	sdelay $0x3  }
0x94: {  	_ =	strace s2  }
0x95: {  	s2 =	sld [smem:$0x3FFD];
	_ =	sdelay $0x3  }
0x96: {  	_ =	strace s2  }
0x97: {  	_ =	strace $0x8FFFFFFF  }
0x98: {  	s18 =	sld [smem:$0x3FDB];
	_ =	sdelay $0x1  }
0x99: {  	s19 =	simm.s32 $_scs_section_size  }
0x9a: {  	s4 =	simm.s32 $_size__tile_overlayer_lowered;
	s5 =	simm.s32 $_tile_overlayer_lowered  }
0x9b: {  	s22 =	simm.s32 $0x1BFF;
	s21 =	sshll.u32 s5, $0x1;
	s2 =	sadd.s32 s19, s18  }
0x9c: {  	s6 =	simm.s32 $0x0;
	s20 =	sshll.u32 s4, $0x1;
	s4 =	sadd.s32 s21, s2  }
0x9d: {  	[timem:s6], [sflag:s22] =	dma.local [hbm:s4], s20  }
0x9e: {  	_ =	swait.ge [sflag:s22], s20  }
0x9f: {  	s3 =	ssub.s32 $0x0, s20;
	[sflag:s22] =	ssyncset.done $0x0  }
0xa0: {  	[sflag:s22] =	ssyncadd.s32 s3;
	_ =	sdelay $0x1  }
0xa1: {  	s23 =	simm.s32 $0x1B8B  }
0xa2: {  	_ =	swait.ge [sflag:s23], $0x1  }
0xa3: {  	[sflag:s23] =	ssyncset.done $0x0  }
0xa4: {  	s25 =	simm.s32 $0x1B8E;
	s24 =	sld [smem:$0x3FFE];
	[sflag:s23] =	ssyncadd.s32 $0xFFFFFFFF  }
0xa5: {  	s26 =	simm.s32 $execute0_lowered;
	[smem:$0x3FD2] =	sst s25  }
0xa6: {  	s4 =	sshll.u32 s26, $0x1;
	_ =	strace $0x80000049;
	[dreg:$0x1] =	wrdreg $0xFFFFFFFF  }
0xa7: {  	s28 =	simm.s32 $_size_execute0_lowered;
	s2 =	sadd.s32 s2, s4;
	[dreg:$0x0] =	wrdreg $0x0  }
0xa8: {  	s4 =	sshll.u32 s28, $0x1;
	[dreg:$0x2] =	wrdreg s2  }
0xa9: {  	[dreg:$0x3] =	wrdreg s4  }
0xaa: {  	[dreg:$0x4] =	wrdreg $0xC0  }
0xab: {  	_ =	task [dreg:s6], $0x5FFFF  }
0xac: {  	[dreg:$0x1] =	wrdreg $0xFFFFFFFF  }
0xad: {  	[dreg:$0x0] =	wrdreg $0x60  }
0xae: {  	[dreg:$0x2] =	wrdreg s24  }
0xaf: {  	[dreg:$0x3] =	wrdreg $0x9  }
0xb0: {  	_ =	task.clear_ibuf [dreg:s6], $0x4FFFF;
	_ =	strace $0x90000049  }
0xb1: {  	s29 =	simm.s32 $0x9;
	_ =	strace $0x8000004B  }
0xb2: {  	_ =	swait.ge [sflag:s29], $0x1  }
0xb3: {  	[sflag:s29] =	ssyncadd.s32 $0xFFFFFFFF  }
0xb4: {  	_ =	strace $0x9000004B  }
0xb5: {  	_ =	sfence  }
0xb6: {  	s30 =	sld [smem:$0x0];
	_ =	sdelay $0x2  }
0xb7: {  	s31 =	sshll.u32 s1, $0xD;
	s1 =	sshrl.u32 s1, $0x2  }
0xb8: {  	s3 =	sand.u32 $0x4000, s31;
	s1 =	sadd.s32 s1, s30  }
0xb9: {  	s0 =	sor.u32 s3, s0;
	s1 =	sshll.u32 s1, $0x11  }
0xba: {  	s0 =	sor.u32 s1, s0  }
0xbb: {  	s0 =	sadd.s32 $0x8F2B, s0  }
0xbc: {  	[sflag:s0] =	ssyncadd.remote.s32 $0x1  }
0xbd: {  	_ =	sfence.sel $0xFFFF  }
0xbe: {  	[dreg:$0x0] =	wrdreg $0xFFFFFFFF;
	(pc) =	sbr.abs _section_cstart, $3  }
0xbf: {  	[dreg:$0x1] =	wrdreg $0xFFFFFFFF  }
0xc0: {  	_ =	task.clear_ibuf [dreg:s6], $0x2FFFF;
	_ =	strace $0x9FFFFFFF  }
0xc1: {  	(tm) =	ssettm $0x7FFFFFFF  }
tec
execute0_lowered:
.L_overlay_start_1:
0x0: {  	(tag) =	ssettag $0x1  }
0x1: {  	s7 =	rddreg [dreg:$0x0]  }
0x2: {  	s0 =	rddreg [dreg:$0x1];
	_ =	strace $0x8000004A  }
0x3: {  	s1 =	srdreg.scid;
	s4 =	simm.s32 $0x1;
	s9 =	simm.s32 $0x3  }
0x4: {  	s12 =	simm.s32 $0x0;
	s10 =	simm.s32 $0x0;
	s5 =	sshll.u32 s1, $0x4  }
.Ltmp0:
0x5: {  	s1 =	stileid.u32;
	s5 =	sand.u32 $0x10, s5;
	(pc) =	sbr.rel .LBB2_1-.Ltmp0, $4  }
0x6: {  	s2 =	sadd.s32 $0x103400, s7;
	s3 =	sadd.s32 $0x101600, s7;
	s6 =	sor.u32 s1, s5  }
0x7: {  	[sflag:s4] =	ssyncpa.u1 $0x0;
	s5 =	simm.s32 $0x2;
	s6 =	sshll.u32 s6, $0x6  }
0x8: {  	s7 =	sadd.s32 $0x134400, s7;
	[sflag:s5] =	ssyncpa.u1 $0x0;
	s8 =	sadd.s32 $0x40, s6  }
0x9: {  	vm0 =	vmmov $0xff;
	vm1 =	vcmask $0x3F20;
	[sflag:s9] =	ssyncpa.u1 $0x0;
	s9 =	simm.s32 $0x40;
	s11 =	smov.u32 s6  }
.LBB2_9:
0xa: {  	p0 =	seq.s32 s10, $0x2  }
.Ltmp1:
0xb: {  	_ = 	snop;
	(pc) =	sbr.rel @p0 .LBB2_11-.Ltmp1, $1  }
0xc: {  	_ =	sdelay $0x3  }
.LBB2_10:
0xd: {  	s12 =	sadd.s32 $0x40, s11  }
0xe: {  	s13 =	smov.u32 s6;
	p0 =	slt.s32 s12, s8  }
0xf: {  	s13 =	smov.u32 @p0 s12  }
0x10: {  	s10 =	sadd.s32 $0x1, s10;
	s12 =	smov.u32 s11;
	s11 =	smov.u32 s13  }
.LBB2_1:
0x11: {  	p0 =	sne.s32 s10, $0x0  }
.Ltmp2:
0x12: {  	_ = 	snop;
	(pc) =	sbr.rel @!p0 .LBB2_2-.Ltmp2, $1  }
0x13: {  	_ =	sdelay $0x3  }
0x14: {  	s13 =	sand.u32 $0x1, s10  }
0x15: {  	p0 =	seq.s32 s13, $0x0  }
.Ltmp3:
0x16: {  	_ = 	snop;
	(pc) =	sbr.rel @p0 .LBB2_9-.Ltmp3, $1  }
0x17: {  	_ =	sdelay $0x3  }
0x18: {  	_ =	swait.ge [sflag:s5], $0x40  }
0x19: {  	[sflag:s5] =	ssyncset.done $0x0  }
0x1a: {  	s13 =	simm.s32 $0x0;
	[sflag:s5] =	ssyncadd.s32 $0xFFFFFFC0  }
0x1b: {  	v0 =	vld.msk [tilespmem:s13+$0x40 ss:$0x1], $0xffff;
	_ =	sdelay $0x4  }
0x1c: {  	v1 =	vshll.u32 v0, $0x3  }
0x1d: {  	vm2 =	veq.s32 v0, $0x80000000;
	v0 =	vshll.u32 v0, $0x10;
	v1 =	vand.u32 $0xFF80, v1  }
0x1e: {  	v0 =	vand.u32 $0xF0000, v0;
	v1 =	vsel vm2, $0xFFFFFF80, v1  }
0x1f: {  	v0 =	vsel vm2, $0xFFFF0000, v0;
	v2 =	vand.u32 $0xFFFFFC00, v1  }
0x20: {  	v1 =	vand.u32 $0x380, v1;
	v0 =	vadd.s32 v0, v2  }
0x21: {  	v0 =	vor.u32 v1, v0  }
0x22: {  	v0 =	vshrl.u32 v0, $0x3;
	_ =	sdelay $0x3  }
0x23: {  	s13 =	simm.s32 $0x2080  }
0x24: {  	[tilespmem:s13], [sflag:$0x1] =	stream.indirect_vreg.gather [hbm:s2], $0x80, v0, vm0, $0x38;
	[tilespmem:$0x4080] =	vst v63  }
0x25: {  	s14 =	simm.s32 $0x2480;
	s31 =	simm.s32 $0x10  }
0x26: {  	[tilespmem:s14], [sflag:$0x1] =	stream.indirect_vreg.gather [hbm:s2], $0x80, v0, vm1, $0x38;
	[tilespmem:$0x4080] =	vst v63  }
0x27: {  	s14 =	simm.s32 $0x80;
	v0 =	vld.msk [tilespmem:s31+$0x40 ss:$0x1], $0xffff  }
.LBB2_5:
0x28: {  	p0 =	sne.s32 s14, $0xC0;
	_ =	sdelay $0x4  }
0x29: {  	v1 =	vshll.u32 v0, $0x3  }
0x2a: {  	vm2 =	veq.s32 v0, $0x80000000;
	v0 =	vshll.u32 v0, $0x10;
	v1 =	vand.u32 $0xFF80, v1  }
0x2b: {  	v0 =	vand.u32 $0xF0000, v0;
	v1 =	vsel vm2, $0xFFFFFF80, v1  }
0x2c: {  	v0 =	vsel vm2, $0xFFFF0000, v0;
	v2 =	vand.u32 $0xFFFFFC00, v1  }
0x2d: {  	v1 =	vand.u32 $0x380, v1;
	v0 =	vadd.s32 v0, v2  }
0x2e: {  	v0 =	vor.u32 v1, v0  }
0x2f: {  	v0 =	vshrl.u32 v0, $0x3;
	_ =	sdelay $0x3  }
.Ltmp4:
0x30: {  	s13 =	sadd.s32 $0x800, s13;
	(pc) =	sbr.rel @p0 .LBB2_5-.Ltmp4, $4  }
0x31: {  	[tilespmem:s13], [sflag:$0x1] =	stream.indirect_vreg.gather [hbm:s2], $0x80, v0, vm0, $0x38;
	[tilespmem:$0x4080] =	vst v63  }
0x32: {  	s15 =	sshra.s32 s14, $0x2;
	s16 =	sadd.s32 $0x400, s13  }
0x33: {  	[tilespmem:s16], [sflag:$0x1] =	stream.indirect_vreg.gather [hbm:s2], $0x80, v0, vm1, $0x38;
	[tilespmem:$0x4080] =	vst v63  }
0x34: {  	s14 =	sadd.s32 $0x40, s14;
	v0 =	vld.msk [tilespmem:s15+$0x40 ss:$0x1], $0xffff  }
0x35: {  	_ =	sdelay $0x3  }
0x36: {  	v1 =	vshll.u32 v0, $0x3  }
0x37: {  	vm2 =	veq.s32 v0, $0x80000000;
	v63 =	vshll.u32 v0, $0x10;
	v1 =	vand.u32 $0xFF80, v1  }
0x38: {  	v0 =	vand.u32 $0xF0000, v63;
	v1 =	vsel vm2, $0xFFFFFF80, v1  }
0x39: {  	v0 =	vsel vm2, $0xFFFF0000, v0;
	v2 =	vand.u32 $0xFFFFFC00, v1  }
0x3a: {  	v1 =	vand.u32 $0x380, v1;
	v0 =	vadd.s32 v0, v2  }
0x3b: {  	v0 =	vor.u32 v1, v0  }
0x3c: {  	v0 =	vshrl.u32 v0, $0x3;
	_ =	sdelay $0x3  }
0x3d: {  	s13 =	sadd.s32 $0x800, s13  }
0x3e: {  	[tilespmem:s13], [sflag:$0x1] =	stream.indirect_vreg.gather [hbm:s2], $0x80, v0, vm0, $0x38;
	[tilespmem:$0x4080] =	vst v63  }
0x3f: {  	s13 =	sadd.s32 $0x400, s13  }
0x40: {  	[tilespmem:s13], [sflag:$0x1] =	stream.indirect_vreg.gather [hbm:s2], $0x80, v0, vm1, $0x38;
	[tilespmem:$0x4080] =	vst v63  }
0x41: {  	s12 =	sshll.u32 s12, $0x4;
	s14 =	simm.s32 $0x80;
	_ =	swait.ge [sflag:s4], $0x2000  }
0x42: {  	s15 =	simm.s32 $0x2480;
	s12 =	sadd.s32 s12, s7;
	[sflag:s4] =	ssyncset.done $0x0  }
0x43: {  	s16 =	sadd.s32 $0x0, s12;
	s13 =	simm.s32 $0x2080;
	[sflag:s4] =	ssyncadd.s32 $0xFFFFE000  }
.LBB2_7:
0x44: {  	[hbm:s16] =	stream.linear.scatter [tilespmem:s13], [sflag:$0x3], $0x400, $0x38;
	[tilespmem:$0x4080] =	vst v63  }
0x45: {  	s16 =	smov.u32 s14;
	s13 =	smov.u32 s15;
	p0 =	sne.s32 s14, $0x380  }
.Ltmp5:
0x46: {  	s14 =	sadd.s32 $0x80, s14;
	(pc) =	sbr.rel @p0 .LBB2_7-.Ltmp5, $2  }
0x47: {  	_ =	sdelay $0x2  }
0x48: {  	s15 =	sadd.s32 $0x400, s15;
	s16 =	sadd.s32 s16, s12  }
.Ltmp6:
0x49: {  	(pc) =	sbr.rel .LBB2_9-.Ltmp6, $2  }
0x4a: {  	_ =	sdelay $0x2  }
0x4b: {  	[hbm:s16] =	stream.linear.scatter [tilespmem:s13], [sflag:$0x3], $0x400, $0x38;
	[tilespmem:$0x4080] =	vst v63  }
.LBB2_2:
.Ltmp7:
0x4c: {  	(pc) =	sbr.rel .LBB2_10-.Ltmp7, $4  }
0x4d: {  	_ = 	snop  }
0x4e: {  	s12 =	sshrl.u32 s11, $0x3  }
0x4f: {  	s13 =	sand.u32 $0x7, s11;
	s12 =	sadd.s32 s3, s12  }
0x50: {  	[tilespmem:s9], [sflag:$0x2] =	stream.linear.gather [hbm4b:s12+s13], $0x40, $0x38;
	[tilespmem:$0x4080] =	vst v63  }
.LBB2_11:
0x51: {  	s2 =	simm.s32 $0x3  }
0x52: {  	_ =	swait.ge [sflag:s2], $0x2000  }
0x53: {  	[sflag:s2] =	ssyncset.done $0x0  }
0x54: {  	[sflag:s2] =	ssyncadd.s32 $0xFFFFE000  }
0x55: {  	_ =	sfence.sel $0x180000  }
0x56: {  	s3 =	simm.s32 $0x2;
	[bflag:$0x0] =	sbarrier.arrive $0xFFFF  }
0x57: {  	[sflag:s3] =	ssyncpa.u1 $0x1  }
0x58: {  	s31 =	simm.s32 $0x1;
	[sflag:s2] =	ssyncpa.u1 $0x1  }
0x59: {  	[sflag:s31] =	ssyncpa.u1 $0x1  }
0x5a: {  	p0 =	sne.s32 s1, $0x0;
	_ =	strace $0x9000004A  }
0x5b: {  	s0 =	sadd.s32 @!p0 $0x100000, s0;
	[bflag:$0x2] =	sbarrier.arrive $0xFFFF  }
0x5c: {  	[sflag:s0] =	ssyncadd.tile.s32 @!p0 $0x1;
	_ =	shalt  }
.Lfunc_end2:
_tile_overlayer_lowered:
.L_overlay_start_2:
0x5d: {  	(tag) =	ssettag $0x2  }
0x5e: {  	s0 =	rddreg [dreg:$0x0];
	s2 =	stileid.u32  }
0x5f: {  	s1 =	rddreg [dreg:$0x1];
	p0 =	sne.s32 s2, $0x0  }
0x60: {  	s3 =	rddreg [dreg:$0x2];
	[bflag:$0x3] =	sbarrier.arrive $0xFFFF;
	s2 =	simm.s32 @!p0 $0x1C01  }
0x61: {  	[timem:s3], [sflag:s2] =	dma.local @!p0 [hbm:s0], s1  }
0x62: {  	s0 =	simm.s32 @!p0 $0x1  }
0x63: {  	_ =	swait.ge @!p0 [sflag:s0], s1  }
0x64: {  	s1 =	ssub.s32 @!p0 $0x0, s1;
	[sflag:s0] =	ssyncset.done @!p0 $0x0  }
0x65: {  	[sflag:s0] =	ssyncadd.s32 @!p0 s1  }
0x66: {  	[bflag:$0x3] =	sbarrier.arrive $0xFFFF  }
0x67: {  	_ =	shalt  }

// kernel: sparse-core-data-format-call.cloned.1.call-start
scs
called_computation_lowered:
.L_overlay_start_0:
0x0: {  	s2 =	sld [smem:$0x3FD9]  }
0x1: {  	s3 =	sld [smem:$0x3FFE];
	_ =	sdelay $0x1  }
0x2: {  	s1 =	srdreg.scid  }
0x3: {  	s0 =	sand.u32 $0x1, s1  }
0x4: {  	s18 =	sshll.u32 s0, $0xA;
	s2 =	sadd.s32 s3, s2  }
0x5: {  	s2 =	sadd.s32 s2, s18  }
0x6: {  	[smem:$0x3F3C] =	sst s2  }
0x7: {  	_ = 	snop  }
0x8: {  	(tm) =	ssettm $0x1  }
0x9: {  	s19 =	sld [smem:$0x3FFB];
	_ =	sdelay $0x3  }
0xa: {  	_ =	strace s19  }
0xb: {  	s2 =	sld [smem:$0x3FFC];
	_ =	sdelay $0x3  }
0xc: {  	_ =	strace s2  }
0xd: {  	s2 =	sld [smem:$0x3FFD];
	_ =	sdelay $0x3  }
0xe: {  	_ =	strace s2  }
0xf: {  	_ =	strace $0x8FFFFFFF  }
0x10: {  	s20 =	sld [smem:$0x3FDB];
	_ =	sdelay $0x1  }
0x11: {  	s21 =	simm.s32 $_scs_section_size  }
0x12: {  	s4 =	simm.s32 $_size__tile_overlayer_lowered;
	s5 =	simm.s32 $_tile_overlayer_lowered  }
0x13: {  	s6 =	simm.s32 $0x1BFF;
	s22 =	sshll.u32 s5, $0x1;
	s3 =	sadd.s32 s21, s20  }
0x14: {  	s23 =	simm.s32 $0x0;
	s4 =	sshll.u32 s4, $0x1;
	s5 =	sadd.s32 s22, s3  }
0x15: {  	[timem:s23], [sflag:s6] =	dma.local [hbm:s5], s4  }
0x16: {  	_ =	swait.ge [sflag:s6], s4  }
0x17: {  	s4 =	ssub.s32 $0x0, s4;
	[sflag:s6] =	ssyncset.done $0x0  }
0x18: {  	[sflag:s6] =	ssyncadd.s32 s4;
	_ =	sdelay $0x1  }
0x19: {  	s24 =	simm.s32 $0x1B8B  }
0x1a: {  	_ =	swait.ge [sflag:s24], $0x1  }
0x1b: {  	[sflag:s24] =	ssyncset.done $0x0  }
0x1c: {  	[sflag:s24] =	ssyncadd.s32 $0xFFFFFFFF  }
0x1d: {  	s4 =	sld [smem:$0x0]  }
0x1e: {  	s5 =	sand.u32 $0xFFFFFFFE, s1  }
0x1f: {  	p0 =	sne.s32 s1, s5  }
0x20: {  	s5 =	sshll.u32 @p0 s5, $0xE  }
0x21: {  	s5 =	sadd.s32 @p0 $0x11B8D, s5;
	s6 =	sshll.u32 @p0 s4, $0x11  }
0x22: {  	s5 =	sor.u32 @p0 s6, s5  }
0x23: {  	[sflag:s5] =	ssyncadd.remote.s32 @p0 $0x1;
	_ =	sdelay $0x1  }
0x24: {  	s5 =	simm.s32 @p0 $0x1B8D  }
0x25: {  	_ =	swait.eq @p0 [sflag:s5], $0x1  }
0x26: {  	[sflag:s5] =	ssyncadd.s32 @p0 $0xFFFFFFFF  }
0x27: {  	s6 =	sshll.u32 @!p0 s1, $0xE  }
0x28: {  	s6 =	sor.u32 @!p0 $0x4000, s6;
	s5 =	simm.s32 @!p0 $0x1B8D  }
0x29: {  	s4 =	sshll.u32 @!p0 s4, $0x11;
	s6 =	sadd.s32 @!p0 $0x11B8D, s6;
	_ =	swait.eq @!p0 [sflag:s5], $0x1  }
0x2a: {  	s4 =	sor.u32 @!p0 s4, s6;
	[sflag:s5] =	ssyncadd.s32 @!p0 $0xFFFFFFFF  }
0x2b: {  	s26 =	simm.s32 $0x1B8E;
	s25 =	sld [smem:$0x3FFE];
	[sflag:s4] =	ssyncadd.remote.s32 @!p0 $0x1  }
0x2c: {  	s27 =	simm.s32 $execute0_lowered;
	[smem:$0x3FD2] =	sst s26  }
0x2d: {  	s5 =	sshll.u32 s27, $0x1;
	_ =	strace $0x80000064;
	[dreg:$0x1] =	wrdreg $0xFFFFFFFF  }
0x2e: {  	s28 =	simm.s32 $_size_execute0_lowered;
	s3 =	sadd.s32 s3, s5;
	[dreg:$0x0] =	wrdreg $0x0  }
0x2f: {  	s5 =	sshll.u32 s28, $0x1;
	[dreg:$0x2] =	wrdreg s3  }
0x30: {  	[dreg:$0x3] =	wrdreg s5  }
0x31: {  	[dreg:$0x4] =	wrdreg $0xC0  }
0x32: {  	_ =	task [dreg:s23], $0x5FFFF  }
0x33: {  	[dreg:$0x1] =	wrdreg $0xFFFFFFFF  }
0x34: {  	[dreg:$0x0] =	wrdreg $0x60  }
0x35: {  	[dreg:$0x2] =	wrdreg s25  }
0x36: {  	[dreg:$0x3] =	wrdreg $0x9  }
0x37: {  	_ =	task.clear_ibuf [dreg:s23], $0x4FFFF;
	_ =	strace $0x90000064  }
0x38: {  	s29 =	simm.s32 $0x9;
	_ =	strace $0x80000066  }
0x39: {  	_ =	swait.ge [sflag:s29], $0x1  }
0x3a: {  	[sflag:s29] =	ssyncadd.s32 $0xFFFFFFFF  }
0x3b: {  	_ =	strace $0x90000066  }
0x3c: {  	_ =	sfence  }
0x3d: {  	s30 =	sld [smem:$0x0];
	_ =	sdelay $0x2  }
0x3e: {  	s31 =	sshll.u32 s1, $0xD;
	s1 =	sshrl.u32 s1, $0x2  }
0x3f: {  	s4 =	sand.u32 $0x4000, s31;
	s1 =	sadd.s32 s1, s30  }
0x40: {  	s0 =	sor.u32 s4, s0;
	s1 =	sshll.u32 s1, $0x11  }
0x41: {  	s0 =	sor.u32 s1, s0  }
0x42: {  	s0 =	sadd.s32 $0x8F2B, s0  }
0x43: {  	[sflag:s0] =	ssyncadd.remote.s32 $0x1  }
0x44: {  	_ =	sfence.sel $0xFFFF  }
0x45: {  	[dreg:$0x0] =	wrdreg $0xFFFFFFFF;
	(pc) =	sbr.abs _section_cstart, $3  }
0x46: {  	[dreg:$0x1] =	wrdreg $0xFFFFFFFF  }
0x47: {  	_ =	task.clear_ibuf [dreg:s23], $0x2FFFF;
	_ =	strace $0x9FFFFFFF  }
0x48: {  	(tm) =	ssettm $0x7FFFFFFF  }
0x49: {  	_ =	shalt  }
tec
execute0_lowered:
.L_overlay_start_1:
0x0: {  	(tag) =	ssettag $0x1  }
0x1: {  	s0 =	srdreg.scid;
	s3 =	rddreg [dreg:$0x0];
	s5 =	simm.s32 $0x1  }
0x2: {  	s7 =	simm.s32 $0x2;
	s15 =	simm.s32 $0x0;
	p0 =	por $0x0, $0x0  }
0x3: {  	s8 =	simm.s32 $0x4000;
	s13 =	simm.s32 $0x0;
	s1 =	sshll.u32 s0, $0x7  }
0x4: {  	s14 =	simm.s32 $0x0;
	s9 =	simm.s32 $0x0;
	s1 =	sand.u32 $0x80, s1  }
0x5: {  	s0 =	rddreg [dreg:$0x1];
	_ =	strace $0x80000065;
	s6 =	ssub.s32 $0x800, s1  }
.Ltmp0:
0x6: {  	s2 =	sadd.s32 $0x354400, s3;
	s31 =	sshrl.u32 s6, $0x7;
	(pc) =	sbr.rel .LBB1_1-.Ltmp0, $4  }
0x7: {  	s4 =	sadd.s32 $0xB54400, s3;
	s6 =	sshrl.u32 s6, $0x8;
	s3 =	sand.u32 $0x1, s31  }
0x8: {  	s11 =	stileid.u32;
	[sflag:s5] =	ssyncpa.u1 $0x0;
	s6 =	sadd.s32 s6, s3  }
0x9: {  	s12 =	simm.s32 $0x0;
	[sflag:s7] =	ssyncpa.u1 $0x0;
	s6 =	sshll.u32 s6, $0x4  }
0xa: {  	s10 =	smov.u32 s1;
	s3 =	stileid.u32;
	s7 =	sor.u32 $0x1, s6  }
.LBB1_4:
0xb: {  	v5 =	vld [tilespmem:s18+$0xFFFFFFD0]  }
0xc: {  	[tilespmem:s19+$0x2040 ss:$0x81] =	vst.msk $0xffff, v1;
	v58 =	vld [tilespmem:s18+$0xFFFFFFE0]  }
0xd: {  	[tilespmem:s19+$0x2850 ss:$0x81] =	vst.msk $0xffff, v2;
	v59 =	vld [tilespmem:s18+$0xFFFFFFF0]  }
0xe: {  	s20 =	sshra.s32 s20, $0x2;
	[tilespmem:s19+$0x3060 ss:$0x81] =	vst.msk $0xffff, v3;
	v60 =	vld [tilespmem:s18+$0x0]  }
0xf: {  	[tilespmem:s19+$0x0 ss:$0x81] =	vst.msk $0xffff, v0;
	v61 =	vld [tilespmem:s18+$0x10];
	s17 =	sadd.s32 s20, s17  }
0x10: {  	s26 =	sshll.u32 s15, $0xB;
	v62 =	vld [tilespmem:s18+$0x20];
	[tilespmem:s17+$0x3870 ss:$0x81] =	vst.msk $0xffff, v4  }
0x11: {  	s27 =	sand.u32 $0x78, s13;
	s21 =	sshll.u32 s13, $0x3;
	v63 =	vld [tilespmem:s18+$0xFFFFFFC0];
	s29 =	sshll.u32 s15, $0x7;
	[tilespmem:s17+$0x810 ss:$0x81] =	vst.msk $0xffff, v5  }
0x12: {  	s14 =	sshll.u32 s14, $0x13;
	s19 =	sand.u32 $0x3FC000, s26;
	s28 =	sand.u32 $0x3FFC00, s21;
	[tilespmem:s17+$0x1020 ss:$0x81] =	vst.msk $0xffff, v58  }
0x13: {  	s31 =	sand.u32 $0x7, s13;
	s21 =	sand.u32 $0x400, s21;
	s18 =	sadd.s32 s28, s19;
	[tilespmem:s17+$0x1830 ss:$0x81] =	vst.msk $0xffff, v59  }
0x14: {  	s15 =	sand.u32 $0x380, s29;
	s30 =	sor.u32 s27, s21;
	s18 =	sshrl.u32 s18, $0x3;
	[tilespmem:s17+$0x2040 ss:$0x81] =	vst.msk $0xffff, v60  }
0x15: {  	s14 =	sadd.s32 s4, s14;
	s15 =	sor.u32 s15, s30;
	s18 =	sand.u32 $0x7FF00, s18;
	[tilespmem:s17+$0x2850 ss:$0x81] =	vst.msk $0xffff, v61  }
0x16: {  	s13 =	sshll.u32 s31, $0x12;
	s15 =	sshrl.u32 s15, $0x3;
	[tilespmem:s17+$0x3060 ss:$0x81] =	vst.msk $0xffff, v62;
	s14 =	sadd.s32 s18, s14  }
0x17: {  	s13 =	sor.u32 $0x400, s13;
	[tilespmem:s17+$0x0 ss:$0x81] =	vst.msk $0xffff, v63;
	s14 =	sadd.s32 s15, s14  }
0x18: {  	[hbm4b:s14+s13] =	stream.strided.scatter [tilespmem:s16], [sflag:$0x2], $0x4000, s8, s13, $0x20;
	[tilespmem:$0x10100] =	vst v63  }
.LBB1_5:
0x19: {  	s16 =	sadd.s32 $0x80, s9  }
0x1a: {  	s13 =	sadd.s32 $0x100, s10;
	s17 =	smov.u32 s10;
	p2 =	sgt.s32 s16, $0x7FF  }
0x1b: {  	s17 =	smov.u32 @p2 s13  }
0x1c: {  	s19 =	smov.u32 s11;
	s13 =	sadd.s32 $0x10, s11;
	p3 =	sgt.s32 s17, $0x7FF  }
0x1d: {  	s19 =	smov.u32 @p3 s13  }
0x1e: {  	s16 =	simm.s32 @p2 $0x0;
	p2 =	sgt.s32 s19, $0xF  }
0x1f: {  	p1 =	slt.u32 s12, $0x2;
	s19 =	smov.u32 @p2 s3;
	p2 =	sne.s32 s12, s7  }
.Ltmp1:
0x20: {  	s18 =	simm.s32 @!p1 $0x2;
	(pc) =	sbr.rel @!p2 .LBB1_6-.Ltmp1, $4  }
0x21: {  	s15 =	smov.u32 s9;
	s14 =	smov.u32 s11;
	_ =	swait.ge @!p1 [sflag:s18], $0x4000  }
0x22: {  	p0 =	por !p0, !p0;
	[sflag:s18] =	ssyncset.done @!p1 $0x0;
	s9 =	smov.u32 s16  }
0x23: {  	s17 =	smov.u32 @p3 s1;
	s13 =	smov.u32 s10;
	[sflag:s18] =	ssyncadd.s32 @!p1 $0xFFFFC000  }
0x24: {  	s10 =	smov.u32 s17;
	s12 =	sadd.s32 $0x1, s12;
	s11 =	smov.u32 s19  }
.LBB1_1:
0x25: {  	p1 =	sge.u32 s12, s6;
	s31 =	sadd.s32 $0xFFFFFFFF, s12  }
0x26: {  	s16 =	sxor.u32 @!p1 $0xFFFFFFFF, s12;
	s17 =	sand.u32 @!p1 $0x78, s9;
	s18 =	sshll.u32 @!p1 s10, $0xB  }
0x27: {  	s19 =	sshll.u32 @!p1 s10, $0x7;
	s20 =	sshll.u32 @!p1 s9, $0x3;
	s16 =	sshll.u32 @!p1 s16, $0xE  }
0x28: {  	s18 =	sand.u32 @!p1 $0x3FC000, s18;
	s19 =	sand.u32 @!p1 $0x380, s19;
	s16 =	sand.u32 @!p1 $0x4000, s16  }
0x29: {  	s18 =	sadd.s32 @!p1 s18, s20;
	s20 =	sand.u32 @!p1 $0x400, s20;
	s17 =	sor.u32 @!p1 s19, s17  }
0x2a: {  	s19 =	sshll.u32 @!p1 s11, $0x13;
	s17 =	sor.u32 @!p1 s20, s17;
	s18 =	sshrl.u32 @!p1 s18, $0x3  }
0x2b: {  	s19 =	sadd.s32 @!p1 s2, s19;
	s20 =	sand.u32 @!p1 $0x7, s9;
	s18 =	sand.u32 @!p1 $0x7FF00, s18  }
0x2c: {  	s17 =	sshrl.u32 @!p1 s17, $0x3;
	s18 =	sadd.s32 @!p1 s18, s19;
	s19 =	sshll.u32 @!p1 s20, $0x12  }
0x2d: {  	s17 =	sadd.s32 @!p1 s17, s18;
	s18 =	sor.u32 @!p1 $0x400, s19;
	s19 =	simm.s32 @!p1 $0x4000  }
0x2e: {  	[tilespmem:s16], [sflag:$0x1] =	stream.strided.gather @!p1 [hbm4b:s17+s18], $0x4000, s19, s18, $0x38;
	[tilespmem:$0x10100] =	vst v63  }
0x2f: {  	p1 =	sge.u32 s31, s6  }
.Ltmp2:
0x30: {  	_ = 	snop;
	(pc) =	sbr.rel @p1 .LBB1_5-.Ltmp2, $1  }
0x31: {  	_ =	sdelay $0x3  }
0x32: {  	s16 =	simm.s32 $0x1  }
0x33: {  	_ =	swait.ge [sflag:s5], $0x4000;
	s16 =	simm.s32 @!p0 $0x0  }
0x34: {  	[sflag:s5] =	ssyncset.done $0x0;
	s17 =	sshll.u32 s16, $0xE  }
0x35: {  	[sflag:s5] =	ssyncadd.s32 $0xFFFFC000;
	s18 =	sor.u32 $0x40, s17  }
0x36: {  	s16 =	smul.u32 $0x10200, s16;
	v0 =	vld [tilespmem:s18+$0x30]  }
0x37: {  	v3 =	vld [tilespmem:s18+$0xFFFFFFD0]  }
0x38: {  	s16 =	sshrl.u32 s16, $0x2;
	v4 =	vld [tilespmem:s18+$0xFFFFFFE0]  }
0x39: {  	v5 =	vld [tilespmem:s18+$0xFFFFFFF0];
	s17 =	sor.u32 $0x8000, s16  }
0x3a: {  	s31 =	sand.u32 $0x1, s12;
	v1 =	vld [tilespmem:s18+$0x0];
	s19 =	sadd.s32 $0x0, s17  }
0x3b: {  	v2 =	vld [tilespmem:s18+$0x10];
	s16 =	smul.u32 $0x10200, s31;
	[tilespmem:s19+$0x3870 ss:$0x81] =	vst.msk $0xffff, v0  }
0x3c: {  	[tilespmem:s19+$0x810 ss:$0x81] =	vst.msk $0xffff, v3;
	v3 =	vld [tilespmem:s18+$0x20]  }
0x3d: {  	s16 =	sshrl.u32 s16, $0x2;
	v0 =	vld [tilespmem:s18+$0xFFFFFFC0];
	[tilespmem:s19+$0x1020 ss:$0x81] =	vst.msk $0xffff, v4;
	s18 =	sadd.s32 $0x80, s18  }
0x3e: {  	s20 =	simm.s32 $0x4;
	s21 =	simm.s32 $0x8;
	s16 =	sor.u32 $0x8000, s16;
	[tilespmem:s19+$0x1830 ss:$0x81] =	vst.msk $0xffff, v5;
	v4 =	vld [tilespmem:s18+$0x30]  }
.LBB1_3:
0x3f: {  	p1 =	sne.s32 s21, $0x1FC;
	v5 =	vld [tilespmem:s18+$0xFFFFFFD0];
	[tilespmem:s19+$0x2040 ss:$0x81] =	vst.msk $0xffff, v1  }
0x40: {  	v6 =	vld [tilespmem:s18+$0xFFFFFFE0];
	[tilespmem:s19+$0x2850 ss:$0x81] =	vst.msk $0xffff, v2  }
0x41: {  	s22 =	sshra.s32 s20, $0x2;
	s20 =	smov.u32 s21;
	v7 =	vld [tilespmem:s18+$0xFFFFFFF0];
	[tilespmem:s19+$0x3060 ss:$0x81] =	vst.msk $0xffff, v3  }
.Ltmp3:
0x42: {  	v1 =	vld [tilespmem:s18+$0x0];
	[tilespmem:s19+$0x0 ss:$0x81] =	vst.msk $0xffff, v0;
	s19 =	sadd.s32 s22, s17;
	(pc) =	sbr.rel @p1 .LBB1_3-.Ltmp3, $4  }
0x43: {  	v2 =	vld [tilespmem:s18+$0x10];
	[tilespmem:s19+$0x3870 ss:$0x81] =	vst.msk $0xffff, v4  }
0x44: {  	[tilespmem:s19+$0x810 ss:$0x81] =	vst.msk $0xffff, v5;
	v3 =	vld [tilespmem:s18+$0x20]  }
0x45: {  	v0 =	vld [tilespmem:s18+$0xFFFFFFC0];
	[tilespmem:s19+$0x1020 ss:$0x81] =	vst.msk $0xffff, v6;
	s18 =	sadd.s32 $0x80, s18  }
0x46: {  	s21 =	sadd.s32 $0x4, s21;
	v4 =	vld [tilespmem:s18+$0x30];
	[tilespmem:s19+$0x1830 ss:$0x81] =	vst.msk $0xffff, v7  }
.Ltmp4:
0x47: {  	_ = 	snop;
	(pc) =	sbr.rel .LBB1_4-.Ltmp4, $1  }
0x48: {  	_ =	sdelay $0x3  }
.LBB1_6:
0x49: {  	_ =	sfence.sel $0x180000  }
0x4a: {  	s1 =	simm.s32 $0x1;
	[bflag:$0x0] =	sbarrier.arrive $0xFFFF  }
0x4b: {  	s31 =	simm.s32 $0x2;
	[sflag:s1] =	ssyncpa.u1 $0x1  }
0x4c: {  	[sflag:s31] =	ssyncpa.u1 $0x1  }
0x4d: {  	p0 =	sne.s32 s3, $0x0;
	_ =	strace $0x90000065  }
0x4e: {  	s0 =	sadd.s32 @!p0 $0x100000, s0;
	[bflag:$0x2] =	sbarrier.arrive $0xFFFF  }
0x4f: {  	[sflag:s0] =	ssyncadd.tile.s32 @!p0 $0x1;
	_ =	shalt  }
.Lfunc_end1:
_tile_overlayer_lowered:
.L_overlay_start_2:
0x50: {  	(tag) =	ssettag $0x2  }
0x51: {  	s0 =	rddreg [dreg:$0x0];
	s2 =	stileid.u32  }
0x52: {  	s1 =	rddreg [dreg:$0x1];
	p0 =	sne.s32 s2, $0x0  }
0x53: {  	s3 =	rddreg [dreg:$0x2];
	[bflag:$0x3] =	sbarrier.arrive $0xFFFF;
	s2 =	simm.s32 @!p0 $0x1C01  }
0x54: {  	[timem:s3], [sflag:s2] =	dma.local @!p0 [hbm:s0], s1  }
0x55: {  	s0 =	simm.s32 @!p0 $0x1  }
0x56: {  	_ =	swait.ge @!p0 [sflag:s0], s1  }
0x57: {  	s1 =	ssub.s32 @!p0 $0x0, s1;
	[sflag:s0] =	ssyncset.done @!p0 $0x0  }
0x58: {  	[sflag:s0] =	ssyncadd.s32 @!p0 s1  }
0x59: {  	[bflag:$0x3] =	sbarrier.arrive $0xFFFF  }
0x5a: {  	_ =	shalt  }

</sc_bundles>
